<compile_context>
chip_gen: v7x
topology: tpu7x:2x2x1
jax: 0.10.2.dev20260603
libtpu: 0.0.44.dev20260713+nightly
codegen_flags: <defaults>
</compile_context>

<pallas_src>
import jax
import jax.numpy as jnp
from jax import lax
from jax.experimental import pallas as pl
from jax.experimental.pallas import tpu as pltpu
from jax.experimental.pallas import tpu_sc as plsc

N = 10000
NP = 10112
E = 320000
EP = 327680
D = 128
NCORES = 2
NSUB = 16
CHUNK = 128
NCHUNKS_TOTAL = EP // CHUNK
NCHUNK0 = 118
NCHUNK1 = NCHUNKS_TOTAL // NSUB - NCHUNK0
NCHUNK = EP // (NCORES * NSUB * CHUNK)
ROWS_PER_TILE = NP // NSUB
NBUF = 2
DEGW = 128

_F32 = jnp.float32


def _sc_mesh():
  return plsc.VectorSubcoreMesh(core_axis_name="c", subcore_axis_name="s")


def _sc_aggregate(hw, idx2d, zeros_big):
  out_types = jax.ShapeDtypeStruct((NCORES, NP, D), _F32)

  scratch = [
      pltpu.VMEM((NBUF, 2, CHUNK), jnp.int32),
      pltpu.VMEM((NBUF, CHUNK, D), _F32),
      pltpu.VMEM_SHARED((NP, D), _F32),
      pltpu.SemaphoreType.DMA((NBUF,)),
  ]

  def body(hw_hbm, idx_hbm, zb_hbm, acc_out, idx_v, rows, acc_sh, sems):
    cid = lax.axis_index("c")
    sid = lax.axis_index("s")
    rb = sid * ROWS_PER_TILE

    pltpu.sync_copy(zb_hbm.at[pl.ds(rb, ROWS_PER_TILE)],
                    acc_sh.at[pl.ds(rb, ROWS_PER_TILE)])

    plsc.subcore_barrier()

    def run_ring(ebase, nchunk):
      if nchunk == 0:
        return
      for b in range(NBUF):
        pltpu.sync_copy(idx_hbm.at[ebase + b], idx_v.at[b])
        pltpu.async_copy(hw_hbm.at[idx_v.at[b, 0]], rows.at[b], sems.at[b])

      @pl.loop(0, nchunk, step=NBUF)
      def _(g):
        for b in range(NBUF):
          ci = g + b
          pltpu.make_async_copy(
              hw_hbm.at[idx_v.at[b, 0]], rows.at[b], sems.at[b]).wait()
          pltpu.sync_copy(rows.at[b], acc_sh.at[idx_v.at[b, 1]], add=True)

          nci = ci + NBUF

          @pl.when(nci < nchunk)
          def _():
            pltpu.sync_copy(idx_hbm.at[ebase + nci], idx_v.at[b])
            pltpu.async_copy(hw_hbm.at[idx_v.at[b, 0]], rows.at[b],
                             sems.at[b])

    @pl.when(cid == 0)
    def _():
      run_ring(sid * NCHUNK0, NCHUNK0)

    @pl.when(cid == 1)
    def _():
      run_ring(NSUB * NCHUNK0 + sid * NCHUNK1, NCHUNK1)

    plsc.subcore_barrier()

    pltpu.sync_copy(acc_sh.at[pl.ds(rb, ROWS_PER_TILE)],
                    acc_out.at[cid, pl.ds(rb, ROWS_PER_TILE)])

  k = pl.kernel(body, out_type=out_types, mesh=_sc_mesh(),
                scratch_types=scratch)
  return k(hw, idx2d, zeros_big)


def _sc_degree(dst2d, zeros_deg):
  out_types = jax.ShapeDtypeStruct((NCORES, NP, DEGW), _F32)

  scratch = [
      pltpu.VMEM((NBUF, CHUNK), jnp.int32),
      pltpu.VMEM((CHUNK, DEGW), _F32),
      pltpu.VMEM_SHARED((NP, DEGW), _F32),
      pltpu.SemaphoreType.DMA((NBUF,)),
  ]

  def body(dst_hbm, zd_hbm, deg_out, ring, ones_v, deg_sh, sems):
    cid = lax.axis_index("c")
    sid = lax.axis_index("s")
    tile = cid * NSUB + sid
    rb = sid * ROWS_PER_TILE
    ebase = tile * NCHUNK

    pltpu.sync_copy(zd_hbm.at[pl.ds(rb, ROWS_PER_TILE)],
                    deg_sh.at[pl.ds(rb, ROWS_PER_TILE)])

    @pl.loop(0, CHUNK)
    def _(r):
      @pl.loop(0, DEGW, step=16)
      def _(c0):
        ones_v[r, pl.ds(c0, 16)] = jnp.ones((16,), _F32)

    plsc.subcore_barrier()

    for b in range(NBUF):
      pltpu.async_copy(dst_hbm.at[ebase + b], ring.at[b], sems.at[b])

    @pl.loop(0, NCHUNK, step=NBUF)
    def _(g):
      for b in range(NBUF):
        ci = g + b
        pltpu.make_async_copy(
            dst_hbm.at[ebase + ci], ring.at[b], sems.at[b]).wait()
        pltpu.sync_copy(ones_v, deg_sh.at[ring.at[b]], add=True)

        nci = ci + NBUF

        @pl.when(nci < NCHUNK)
        def _():
          pltpu.async_copy(dst_hbm.at[ebase + nci], ring.at[b], sems.at[b])

    plsc.subcore_barrier()

    pltpu.sync_copy(deg_sh.at[pl.ds(rb, ROWS_PER_TILE)],
                    deg_out.at[cid, pl.ds(rb, ROWS_PER_TILE)])

  k = pl.kernel(body, out_type=out_types, mesh=_sc_mesh(),
                scratch_types=scratch)
  return k(dst2d, zeros_deg)


def _mm_kernel(x_ref, w_ref, o_ref):
  o_ref[...] = jnp.dot(x_ref[...], w_ref[...],
                       preferred_element_type=_F32,
                       precision=lax.Precision.HIGHEST)


def _tc_matmul(x, w):
  br = 632
  return pl.pallas_call(
      _mm_kernel,
      grid=(NP // br,),
      in_specs=[
          pl.BlockSpec((br, D), lambda i: (i, 0)),
          pl.BlockSpec((D, D), lambda i: (0, 0)),
      ],
      out_specs=pl.BlockSpec((br, D), lambda i: (i, 0)),
      out_shape=jax.ShapeDtypeStruct((NP, D), _F32),
  )(x, w)


def _mid_kernel(a_ref, d_ref, b_ref, w_ref, o_ref):
  deg = d_ref[0, :, 0:1] + d_ref[1, :, 0:1]
  norm = 1.0 / jnp.maximum(deg, 1.0)
  h = (a_ref[0] + a_ref[1]) * norm + b_ref[...]
  h = jnp.maximum(h, 0.0)
  o_ref[...] = jnp.dot(h, w_ref[...], preferred_element_type=_F32,
                       precision=lax.Precision.HIGHEST)


def _tc_mid(agg, deg, b1, w2):
  br = 632
  return pl.pallas_call(
      _mid_kernel,
      grid=(NP // br,),
      in_specs=[
          pl.BlockSpec((2, br, D), lambda i: (0, i, 0)),
          pl.BlockSpec((2, br, DEGW), lambda i: (0, i, 0)),
          pl.BlockSpec((1, D), lambda i: (0, 0)),
          pl.BlockSpec((D, D), lambda i: (0, 0)),
      ],
      out_specs=pl.BlockSpec((br, D), lambda i: (i, 0)),
      out_shape=jax.ShapeDtypeStruct((NP, D), _F32),
  )(agg, deg, b1, w2)


def _final_kernel(a_ref, d_ref, b_ref, o_ref):
  deg = d_ref[0, :, 0:1] + d_ref[1, :, 0:1]
  norm = 1.0 / jnp.maximum(deg, 1.0)
  o_ref[...] = (a_ref[0] + a_ref[1]) * norm + b_ref[...]


def _tc_final(agg, deg, b2):
  br = 632
  return pl.pallas_call(
      _final_kernel,
      grid=(NP // br,),
      in_specs=[
          pl.BlockSpec((2, br, D), lambda i: (0, i, 0)),
          pl.BlockSpec((2, br, DEGW), lambda i: (0, i, 0)),
          pl.BlockSpec((1, D), lambda i: (0, 0)),
      ],
      out_specs=pl.BlockSpec((br, D), lambda i: (i, 0)),
      out_shape=jax.ShapeDtypeStruct((NP, D), _F32),
  )(agg, deg, b2)


def kernel(edge_index, features, W1, b1, W2, b2):
  src = edge_index[0].astype(jnp.int32)
  dst = edge_index[1].astype(jnp.int32)
  pad = jnp.full((EP - E,), N, jnp.int32)
  src2d = jnp.concatenate([src, pad]).reshape(EP // CHUNK, CHUNK)
  dst2d = jnp.concatenate([dst, pad]).reshape(EP // CHUNK, CHUNK)
  idx2d = jnp.stack([src2d, dst2d], axis=1)

  x = jnp.zeros((NP, D), _F32).at[:N].set(features)
  b1r = b1.reshape(1, D)
  b2r = b2.reshape(1, D)

  zeros_big = jnp.zeros((NP, D), _F32)
  zeros_deg = zeros_big

  hw1 = _tc_matmul(x, W1)
  deg = _sc_degree(dst2d, zeros_deg)
  agg1 = _sc_aggregate(hw1, idx2d, zeros_big)
  hw2 = _tc_mid(agg1, deg, b1r, W2)
  agg2 = _sc_aggregate(hw2, idx2d, zeros_big)
  out = _tc_final(agg2, deg, b2r)
  return out[:N]

# --- scband reference (transcript-rebuilt; emitter-appended) ---
"""Pipeline reference for scband-gcn-21474836480022 (READ-ONLY COPY).

The authoritative reference and input builder live on the scoring server;
editing this copy changes nothing except your own understanding.
"""

import jax, jax.numpy as jnp
import numpy as np

N_NODES = 10000
N_EDGES = 320000
D_IN = 128
D_HID = 128
D_OUT = 128


def setup_inputs(seed: int = 0) -> dict:
    key = jax.random.key(seed)
    k1, k2, k3, k4, k5, k6 = jax.random.split(key, 6)
    edge_index = jax.random.randint(k1, (2, N_EDGES), 0, N_NODES, dtype=jnp.int64)
    features = jax.random.normal(k2, (N_NODES, D_IN), dtype=jnp.float32)
    # Glorot-style init for GraphConv weights, zeros for bias (DGL default)
    W1 = jax.random.normal(k3, (D_IN, D_HID), dtype=jnp.float32) * (1.0 / np.sqrt(D_IN))
    b1 = jnp.zeros((D_HID,), dtype=jnp.float32)
    W2 = jax.random.normal(k4, (D_HID, D_OUT), dtype=jnp.float32) * (1.0 / np.sqrt(D_HID))
    b2 = jnp.zeros((D_OUT,), dtype=jnp.float32)
    return {"edge_index": edge_index, "features": features, "W1": W1, "b1": b1, "W2": W2, "b2": b2}


def reference(edge_index, features, W1, b1, W2, b2):
    # DGL GraphConv with norm='right': aggregate messages over edges, then
    # divide by destination in-degree; bias added; activation per layer.
    # Dropout(p=0.5) is identity in inference mode.
    src = edge_index[0]
    dst = edge_index[1]
    n = features.shape[0]
    deg = jax.ops.segment_sum(jnp.ones((edge_index.shape[1],), dtype=jnp.float32), dst, num_segments=n)
    norm = 1.0 / jnp.clip(deg, 1.0, None)

    def graph_conv(h, W, b):
        hw = h @ W                      # transform first (in_feats >= out_feats path)
        msgs = jnp.take(hw, src, axis=0)  # gather from source nodes
        agg = jax.ops.segment_sum(msgs, dst, num_segments=n)  # scatter-add to dst
        return agg * norm[:, None] + b

    h = jax.nn.relu(graph_conv(features, W1, b1))  # layer 1, activation=relu
    h = graph_conv(h, W2, b2)                      # layer 2, no activation
    return h

if __name__ == "__main__":
    import jax
    _d = setup_inputs()
    print(jax.jit(kernel)(*tuple(_d.values())))

</pallas_src>

<mosaic_0001>
#map = affine_map<(d0, d1) -> (0, 0)>
#map1 = affine_map<(d0, d1) -> (0, 0, 0)>
module attributes {stable_mosaic.version = 14 : i64} {
  func.func @body(%arg0: i32, %arg1: i32, %arg2: memref<10112x128xf32, #tpu.memory_space<hbm>>, %arg3: memref<2560x2x128xi32, #tpu.memory_space<hbm>>, %arg4: memref<10112x128xf32, #tpu.memory_space<hbm>>, %arg5: memref<2x10112x128xf32, #tpu.memory_space<hbm>>, %arg6: memref<2x2x128xi32, #tpu.memory_space<vmem>>, %arg7: memref<2x128x128xf32, #tpu.memory_space<vmem>>, %arg8: memref<10112x128xf32, #tpu.memory_space<vmem_shared>>, %arg9: memref<2x!tpu.dma_semaphore, #tpu.memory_space<semaphore_mem>>) attributes {dimension_semantics = [#tpu.dimension_semantics<core_parallel>, #tpu.dimension_semantics<subcore_parallel>], iteration_bounds = array<i64: 2, 16>, scalar_prefetch = 0 : i64, scratch_operands = 4 : i64, tpu.core_type = #tpu.core_type<sc_vector_subcore>, window_params = [{transform_indices = #map}, {transform_indices = #map1}, {transform_indices = #map}, {transform_indices = #map1}]} {
    %mul3A = arith.constant 632 : i32
    %mul3A_0 = arith.muli %arg1, %mul3A : i32
    "tpu.region"() ({
      %run_scoped3A = tpu.sem_alloc : memref<!tpu.dma_semaphore, #tpu.memory_space<semaphore_mem>>
      %dma_start3A = arith.constant 0 : i32
      %dma_start3A_9 = tpu.memref_slice %arg8[%mul3A_0, %dma_start3A] : memref<10112x128xf32, #tpu.memory_space<vmem_shared>> -> memref<632x128xf32, #tpu.memory_space<vmem_shared>>
      %dma_start3A_10 = arith.constant 0 : i32
      %dma_start3A_11 = tpu.memref_slice %arg4[%mul3A_0, %dma_start3A_10] : memref<10112x128xf32, #tpu.memory_space<hbm>> -> memref<632x128xf32, #tpu.memory_space<hbm>>
      tpu.enqueue_dma source(%dma_start3A_11 : memref<632x128xf32, #tpu.memory_space<hbm>>) target(%dma_start3A_9 : memref<632x128xf32, #tpu.memory_space<vmem_shared>>) target_semaphore(%run_scoped3A : memref<!tpu.dma_semaphore, #tpu.memory_space<semaphore_mem>>)
      %dma_wait3A = arith.constant 0 : i32
      %dma_wait3A_12 = tpu.memref_slice %arg8[%mul3A_0, %dma_wait3A] : memref<10112x128xf32, #tpu.memory_space<vmem_shared>> -> memref<632x128xf32, #tpu.memory_space<vmem_shared>>
      %dma_wait3A_13 = arith.constant 0 : i32
      %dma_wait3A_14 = tpu.memref_slice %arg4[%mul3A_0, %dma_wait3A_13] : memref<10112x128xf32, #tpu.memory_space<hbm>> -> memref<632x128xf32, #tpu.memory_space<hbm>>
      tpu.wait_dma2 semaphore(%run_scoped3A : memref<!tpu.dma_semaphore, #tpu.memory_space<semaphore_mem>>) src(%dma_wait3A_14 : memref<632x128xf32, #tpu.memory_space<hbm>>) dst(%dma_wait3A_12 : memref<632x128xf32, #tpu.memory_space<vmem_shared>>)
      tpu.yield
    }) : () -> ()
    %barrier3A = arith.constant 0 : index
    tpu.barrier barrier_id(%barrier3A)
    %eq3A = arith.constant 0 : i32
    %eq3A_1 = arith.cmpi eq, %arg0, %eq3A : i32
    %convert_element_type3A = arith.extui %eq3A_1 : i1 to i32
    %cond3A = arith.constant 0 : i32
    %cond3A_2 = arith.cmpi ne, %convert_element_type3A, %cond3A : i32
    scf.if %cond3A_2 {
      %mul3A_9 = arith.constant 118 : i32
      %mul3A_10 = arith.muli %arg1, %mul3A_9 : i32
      %add3A = arith.constant 0 : i32
      %add3A_11 = arith.addi %mul3A_10, %add3A : i32
      %run_scoped3A = arith.constant 0 : i32
      "tpu.region"() ({
        %run_scoped3A_50 = tpu.sem_alloc : memref<!tpu.dma_semaphore, #tpu.memory_space<semaphore_mem>>
        %dma_start3A_51 = arith.constant 0 : i32
        %dma_start3A_52 = arith.constant 0 : i32
        %dma_start3A_53 = tpu.memref_slice %arg6[%run_scoped3A, %dma_start3A_51, %dma_start3A_52] : memref<2x2x128xi32, #tpu.memory_space<vmem>> -> memref<1x2x128xi32, #tpu.memory_space<vmem>>
        %dma_start3A_54 = tpu.memref_squeeze %dma_start3A_53 : memref<1x2x128xi32, #tpu.memory_space<vmem>> -> memref<2x128xi32, #tpu.memory_space<vmem>>
        %dma_start3A_55 = arith.constant 0 : i32
        %dma_start3A_56 = arith.constant 0 : i32
        %dma_start3A_57 = tpu.memref_slice %arg3[%add3A_11, %dma_start3A_55, %dma_start3A_56] : memref<2560x2x128xi32, #tpu.memory_space<hbm>> -> memref<1x2x128xi32, #tpu.memory_space<hbm>>
        %dma_start3A_58 = tpu.memref_squeeze %dma_start3A_57 : memref<1x2x128xi32, #tpu.memory_space<hbm>> -> memref<2x128xi32, #tpu.memory_space<hbm>>
        %dma_start3A_59 = arith.constant 0 : i32
        %dma_start3A_60 = arith.constant 0 : i32
        %dma_start3A_61 = tpu.memref_slice %arg6[%run_scoped3A, %dma_start3A_59, %dma_start3A_60] : memref<2x2x128xi32, #tpu.memory_space<vmem>> -> memref<1x2x128xi32, #tpu.memory_space<vmem>>
        %dma_start3A_62 = tpu.memref_squeeze %dma_start3A_61 : memref<1x2x128xi32, #tpu.memory_space<vmem>> -> memref<2x128xi32, #tpu.memory_space<vmem>>
        %dma_start3A_63 = arith.constant 0 : i32
        %dma_start3A_64 = arith.constant 0 : i32
        %dma_start3A_65 = tpu.memref_slice %arg3[%add3A_11, %dma_start3A_63, %dma_start3A_64] : memref<2560x2x128xi32, #tpu.memory_space<hbm>> -> memref<1x2x128xi32, #tpu.memory_space<hbm>>
        %dma_start3A_66 = tpu.memref_squeeze %dma_start3A_65 : memref<1x2x128xi32, #tpu.memory_space<hbm>> -> memref<2x128xi32, #tpu.memory_space<hbm>>
        tpu.enqueue_dma source(%dma_start3A_66 : memref<2x128xi32, #tpu.memory_space<hbm>>) target(%dma_start3A_62 : memref<2x128xi32, #tpu.memory_space<vmem>>) target_semaphore(%run_scoped3A_50 : memref<!tpu.dma_semaphore, #tpu.memory_space<semaphore_mem>>)
        %dma_wait3A = arith.constant 0 : i32
        %dma_wait3A_67 = arith.constant 0 : i32
        %dma_wait3A_68 = tpu.memref_slice %arg6[%run_scoped3A, %dma_wait3A, %dma_wait3A_67] : memref<2x2x128xi32, #tpu.memory_space<vmem>> -> memref<1x2x128xi32, #tpu.memory_space<vmem>>
        %dma_wait3A_69 = tpu.memref_squeeze %dma_wait3A_68 : memref<1x2x128xi32, #tpu.memory_space<vmem>> -> memref<2x128xi32, #tpu.memory_space<vmem>>
        %dma_wait3A_70 = arith.constant 0 : i32
        %dma_wait3A_71 = arith.constant 0 : i32
        %dma_wait3A_72 = tpu.memref_slice %arg3[%add3A_11, %dma_wait3A_70, %dma_wait3A_71] : memref<2560x2x128xi32, #tpu.memory_space<hbm>> -> memref<1x2x128xi32, #tpu.memory_space<hbm>>
        %dma_wait3A_73 = tpu.memref_squeeze %dma_wait3A_72 : memref<1x2x128xi32, #tpu.memory_space<hbm>> -> memref<2x128xi32, #tpu.memory_space<hbm>>
        %dma_wait3A_74 = arith.constant 0 : i32
        %dma_wait3A_75 = arith.constant 0 : i32
        %dma_wait3A_76 = tpu.memref_slice %arg6[%run_scoped3A, %dma_wait3A_74, %dma_wait3A_75] : memref<2x2x128xi32, #tpu.memory_space<vmem>> -> memref<1x2x128xi32, #tpu.memory_space<vmem>>
        %dma_wait3A_77 = tpu.memref_squeeze %dma_wait3A_76 : memref<1x2x128xi32, #tpu.memory_space<vmem>> -> memref<2x128xi32, #tpu.memory_space<vmem>>
        %dma_wait3A_78 = arith.constant 0 : i32
        %dma_wait3A_79 = arith.constant 0 : i32
        %dma_wait3A_80 = tpu.memref_slice %arg3[%add3A_11, %dma_wait3A_78, %dma_wait3A_79] : memref<2560x2x128xi32, #tpu.memory_space<hbm>> -> memref<1x2x128xi32, #tpu.memory_space<hbm>>
        %dma_wait3A_81 = tpu.memref_squeeze %dma_wait3A_80 : memref<1x2x128xi32, #tpu.memory_space<hbm>> -> memref<2x128xi32, #tpu.memory_space<hbm>>
        tpu.wait_dma2 semaphore(%run_scoped3A_50 : memref<!tpu.dma_semaphore, #tpu.memory_space<semaphore_mem>>) src(%dma_wait3A_81 : memref<2x128xi32, #tpu.memory_space<hbm>>) dst(%dma_wait3A_77 : memref<2x128xi32, #tpu.memory_space<vmem>>)
        tpu.yield
      }) : () -> ()
      %dma_start3A = arith.constant 0 : i32
      %dma_start3A_12 = arith.constant 0 : i32
      %dma_start3A_13 = arith.constant 0 : i32
      %dma_start3A_14 = arith.constant 0 : i32
      %dma_start3A_15 = arith.constant 0 : i32
      %dma_start3A_16 = arith.constant 0 : i32
      %dma_start3A_17 = tpu.memref_slice %arg7[%dma_start3A_13, %dma_start3A_15, %dma_start3A_16] : memref<2x128x128xf32, #tpu.memory_space<vmem>> -> memref<1x128x128xf32, #tpu.memory_space<vmem>>
      %dma_start3A_18 = tpu.memref_squeeze %dma_start3A_17 : memref<1x128x128xf32, #tpu.memory_space<vmem>> -> memref<128x128xf32, #tpu.memory_space<vmem>>
      %dma_start3A_19 = arith.constant 0 : i32
      %dma_start3A_20 = tpu.memref_slice %arg6[%dma_start3A, %dma_start3A_12, %dma_start3A_19] : memref<2x2x128xi32, #tpu.memory_space<vmem>> -> memref<1x1x128xi32, #tpu.memory_space<vmem>>
      %dma_start3A_21 = tpu.memref_squeeze %dma_start3A_20 : memref<1x1x128xi32, #tpu.memory_space<vmem>> -> memref<128xi32, #tpu.memory_space<vmem>>
      %dma_start3A_22 = arith.constant 0 : i32
      %dma_start3A_23 = arith.constant 0 : i32
      %dma_start3A_24 = tpu.memref_slice %arg2[%dma_start3A_22, %dma_start3A_23] : memref<10112x128xf32, #tpu.memory_space<hbm>> -> memref<10112x128xf32, #tpu.memory_space<hbm>>
      %dma_start3A_25 = tpu.memref_slice %arg9[%dma_start3A_14] : memref<2x!tpu.dma_semaphore, #tpu.memory_space<semaphore_mem>> -> memref<1x!tpu.dma_semaphore, #tpu.memory_space<semaphore_mem>>
      %dma_start3A_26 = tpu.memref_squeeze %dma_start3A_25 : memref<1x!tpu.dma_semaphore, #tpu.memory_space<semaphore_mem>> -> memref<!tpu.dma_semaphore, #tpu.memory_space<semaphore_mem>>
      tpu.enqueue_indirect_dma source(%dma_start3A_24 : memref<10112x128xf32, #tpu.memory_space<hbm>>) target(%dma_start3A_18 : memref<128x128xf32, #tpu.memory_space<vmem>>) offsets(%dma_start3A_21 : memref<128xi32, #tpu.memory_space<vmem>>) semaphore(%dma_start3A_26 : memref<!tpu.dma_semaphore, #tpu.memory_space<semaphore_mem>>)
      %add3A_27 = arith.constant 1 : i32
      %add3A_28 = arith.addi %mul3A_10, %add3A_27 : i32
      %run_scoped3A_29 = arith.constant 1 : i32
      "tpu.region"() ({
        %run_scoped3A_50 = tpu.sem_alloc : memref<!tpu.dma_semaphore, #tpu.memory_space<semaphore_mem>>
        %dma_start3A_51 = arith.constant 0 : i32
        %dma_start3A_52 = arith.constant 0 : i32
        %dma_start3A_53 = tpu.memref_slice %arg6[%run_scoped3A_29, %dma_start3A_51, %dma_start3A_52] : memref<2x2x128xi32, #tpu.memory_space<vmem>> -> memref<1x2x128xi32, #tpu.memory_space<vmem>>
        %dma_start3A_54 = tpu.memref_squeeze %dma_start3A_53 : memref<1x2x128xi32, #tpu.memory_space<vmem>> -> memref<2x128xi32, #tpu.memory_space<vmem>>
        %dma_start3A_55 = arith.constant 0 : i32
        %dma_start3A_56 = arith.constant 0 : i32
        %dma_start3A_57 = tpu.memref_slice %arg3[%add3A_28, %dma_start3A_55, %dma_start3A_56] : memref<2560x2x128xi32, #tpu.memory_space<hbm>> -> memref<1x2x128xi32, #tpu.memory_space<hbm>>
        %dma_start3A_58 = tpu.memref_squeeze %dma_start3A_57 : memref<1x2x128xi32, #tpu.memory_space<hbm>> -> memref<2x128xi32, #tpu.memory_space<hbm>>
        %dma_start3A_59 = arith.constant 0 : i32
        %dma_start3A_60 = arith.constant 0 : i32
        %dma_start3A_61 = tpu.memref_slice %arg6[%run_scoped3A_29, %dma_start3A_59, %dma_start3A_60] : memref<2x2x128xi32, #tpu.memory_space<vmem>> -> memref<1x2x128xi32, #tpu.memory_space<vmem>>
        %dma_start3A_62 = tpu.memref_squeeze %dma_start3A_61 : memref<1x2x128xi32, #tpu.memory_space<vmem>> -> memref<2x128xi32, #tpu.memory_space<vmem>>
        %dma_start3A_63 = arith.constant 0 : i32
        %dma_start3A_64 = arith.constant 0 : i32
        %dma_start3A_65 = tpu.memref_slice %arg3[%add3A_28, %dma_start3A_63, %dma_start3A_64] : memref<2560x2x128xi32, #tpu.memory_space<hbm>> -> memref<1x2x128xi32, #tpu.memory_space<hbm>>
        %dma_start3A_66 = tpu.memref_squeeze %dma_start3A_65 : memref<1x2x128xi32, #tpu.memory_space<hbm>> -> memref<2x128xi32, #tpu.memory_space<hbm>>
        tpu.enqueue_dma source(%dma_start3A_66 : memref<2x128xi32, #tpu.memory_space<hbm>>) target(%dma_start3A_62 : memref<2x128xi32, #tpu.memory_space<vmem>>) target_semaphore(%run_scoped3A_50 : memref<!tpu.dma_semaphore, #tpu.memory_space<semaphore_mem>>)
        %dma_wait3A = arith.constant 0 : i32
        %dma_wait3A_67 = arith.constant 0 : i32
        %dma_wait3A_68 = tpu.memref_slice %arg6[%run_scoped3A_29, %dma_wait3A, %dma_wait3A_67] : memref<2x2x128xi32, #tpu.memory_space<vmem>> -> memref<1x2x128xi32, #tpu.memory_space<vmem>>
        %dma_wait3A_69 = tpu.memref_squeeze %dma_wait3A_68 : memref<1x2x128xi32, #tpu.memory_space<vmem>> -> memref<2x128xi32, #tpu.memory_space<vmem>>
        %dma_wait3A_70 = arith.constant 0 : i32
        %dma_wait3A_71 = arith.constant 0 : i32
        %dma_wait3A_72 = tpu.memref_slice %arg3[%add3A_28, %dma_wait3A_70, %dma_wait3A_71] : memref<2560x2x128xi32, #tpu.memory_space<hbm>> -> memref<1x2x128xi32, #tpu.memory_space<hbm>>
        %dma_wait3A_73 = tpu.memref_squeeze %dma_wait3A_72 : memref<1x2x128xi32, #tpu.memory_space<hbm>> -> memref<2x128xi32, #tpu.memory_space<hbm>>
        %dma_wait3A_74 = arith.constant 0 : i32
        %dma_wait3A_75 = arith.constant 0 : i32
        %dma_wait3A_76 = tpu.memref_slice %arg6[%run_scoped3A_29, %dma_wait3A_74, %dma_wait3A_75] : memref<2x2x128xi32, #tpu.memory_space<vmem>> -> memref<1x2x128xi32, #tpu.memory_space<vmem>>
        %dma_wait3A_77 = tpu.memref_squeeze %dma_wait3A_76 : memref<1x2x128xi32, #tpu.memory_space<vmem>> -> memref<2x128xi32, #tpu.memory_space<vmem>>
        %dma_wait3A_78 = arith.constant 0 : i32
        %dma_wait3A_79 = arith.constant 0 : i32
        %dma_wait3A_80 = tpu.memref_slice %arg3[%add3A_28, %dma_wait3A_78, %dma_wait3A_79] : memref<2560x2x128xi32, #tpu.memory_space<hbm>> -> memref<1x2x128xi32, #tpu.memory_space<hbm>>
        %dma_wait3A_81 = tpu.memref_squeeze %dma_wait3A_80 : memref<1x2x128xi32, #tpu.memory_space<hbm>> -> memref<2x128xi32, #tpu.memory_space<hbm>>
        tpu.wait_dma2 semaphore(%run_scoped3A_50 : memref<!tpu.dma_semaphore, #tpu.memory_space<semaphore_mem>>) src(%dma_wait3A_81 : memref<2x128xi32, #tpu.memory_space<hbm>>) dst(%dma_wait3A_77 : memref<2x128xi32, #tpu.memory_space<vmem>>)
        tpu.yield
      }) : () -> ()
      %dma_start3A_30 = arith.constant 1 : i32
      %dma_start3A_31 = arith.constant 0 : i32
      %dma_start3A_32 = arith.constant 1 : i32
      %dma_start3A_33 = arith.constant 1 : i32
      %dma_start3A_34 = arith.constant 0 : i32
      %dma_start3A_35 = arith.constant 0 : i32
      %dma_start3A_36 = tpu.memref_slice %arg7[%dma_start3A_32, %dma_start3A_34, %dma_start3A_35] : memref<2x128x128xf32, #tpu.memory_space<vmem>> -> memref<1x128x128xf32, #tpu.memory_space<vmem>>
      %dma_start3A_37 = tpu.memref_squeeze %dma_start3A_36 : memref<1x128x128xf32, #tpu.memory_space<vmem>> -> memref<128x128xf32, #tpu.memory_space<vmem>>
      %dma_start3A_38 = arith.constant 0 : i32
      %dma_start3A_39 = tpu.memref_slice %arg6[%dma_start3A_30, %dma_start3A_31, %dma_start3A_38] : memref<2x2x128xi32, #tpu.memory_space<vmem>> -> memref<1x1x128xi32, #tpu.memory_space<vmem>>
      %dma_start3A_40 = tpu.memref_squeeze %dma_start3A_39 : memref<1x1x128xi32, #tpu.memory_space<vmem>> -> memref<128xi32, #tpu.memory_space<vmem>>
      %dma_start3A_41 = arith.constant 0 : i32
      %dma_start3A_42 = arith.constant 0 : i32
      %dma_start3A_43 = tpu.memref_slice %arg2[%dma_start3A_41, %dma_start3A_42] : memref<10112x128xf32, #tpu.memory_space<hbm>> -> memref<10112x128xf32, #tpu.memory_space<hbm>>
      %dma_start3A_44 = tpu.memref_slice %arg9[%dma_start3A_33] : memref<2x!tpu.dma_semaphore, #tpu.memory_space<semaphore_mem>> -> memref<1x!tpu.dma_semaphore, #tpu.memory_space<semaphore_mem>>
      %dma_start3A_45 = tpu.memref_squeeze %dma_start3A_44 : memref<1x!tpu.dma_semaphore, #tpu.memory_space<semaphore_mem>> -> memref<!tpu.dma_semaphore, #tpu.memory_space<semaphore_mem>>
      tpu.enqueue_indirect_dma source(%dma_start3A_43 : memref<10112x128xf32, #tpu.memory_space<hbm>>) target(%dma_start3A_37 : memref<128x128xf32, #tpu.memory_space<vmem>>) offsets(%dma_start3A_40 : memref<128xi32, #tpu.memory_space<vmem>>) semaphore(%dma_start3A_45 : memref<!tpu.dma_semaphore, #tpu.memory_space<semaphore_mem>>)
      %scan3A = arith.constant 0 : i32
      %scan3A_46 = arith.constant 59 : i32
      %scan3A_47 = arith.addi %scan3A, %scan3A_46 : i32
      %scan3A_48 = arith.constant 1 : i32
      scf.for %scan3A_50 = %scan3A to %scan3A_47 step %scan3A_48  : i32 {
        %mul3A_51 = arith.constant 2 : i32
        %mul3A_52 = arith.muli %scan3A_50, %mul3A_51 : i32
        %add3A_53 = arith.constant 0 : i32
        %add3A_54 = arith.addi %add3A_53, %mul3A_52 : i32
        %add3A_55 = arith.constant 0 : i32
        %add3A_56 = arith.addi %add3A_54, %add3A_55 : i32
        %dma_wait3A = arith.constant 0 : i32
        %dma_wait3A_57 = arith.constant 0 : i32
        %dma_wait3A_58 = arith.constant 0 : i32
        %dma_wait3A_59 = arith.constant 0 : i32
        %dma_wait3A_60 = arith.constant 0 : i32
        %dma_wait3A_61 = arith.constant 0 : i32
        %dma_wait3A_62 = tpu.memref_slice %arg7[%dma_wait3A_58, %dma_wait3A_60, %dma_wait3A_61] : memref<2x128x128xf32, #tpu.memory_space<vmem>> -> memref<1x128x128xf32, #tpu.memory_space<vmem>>
        %dma_wait3A_63 = tpu.memref_squeeze %dma_wait3A_62 : memref<1x128x128xf32, #tpu.memory_space<vmem>> -> memref<128x128xf32, #tpu.memory_space<vmem>>
        %dma_wait3A_64 = arith.constant 0 : i32
        %dma_wait3A_65 = tpu.memref_slice %arg6[%dma_wait3A, %dma_wait3A_57, %dma_wait3A_64] : memref<2x2x128xi32, #tpu.memory_space<vmem>> -> memref<1x1x128xi32, #tpu.memory_space<vmem>>
        %dma_wait3A_66 = tpu.memref_squeeze %dma_wait3A_65 : memref<1x1x128xi32, #tpu.memory_space<vmem>> -> memref<128xi32, #tpu.memory_space<vmem>>
        %dma_wait3A_67 = arith.constant 0 : i32
        %dma_wait3A_68 = arith.constant 0 : i32
        %dma_wait3A_69 = tpu.memref_slice %arg2[%dma_wait3A_67, %dma_wait3A_68] : memref<10112x128xf32, #tpu.memory_space<hbm>> -> memref<10112x128xf32, #tpu.memory_space<hbm>>
        %dma_wait3A_70 = tpu.memref_slice %arg9[%dma_wait3A_59] : memref<2x!tpu.dma_semaphore, #tpu.memory_space<semaphore_mem>> -> memref<1x!tpu.dma_semaphore, #tpu.memory_space<semaphore_mem>>
        %dma_wait3A_71 = tpu.memref_squeeze %dma_wait3A_70 : memref<1x!tpu.dma_semaphore, #tpu.memory_space<semaphore_mem>> -> memref<!tpu.dma_semaphore, #tpu.memory_space<semaphore_mem>>
        tpu.wait_indirect_dma semaphore(%dma_wait3A_71 : memref<!tpu.dma_semaphore, #tpu.memory_space<semaphore_mem>>) src(%dma_wait3A_69 : memref<10112x128xf32, #tpu.memory_space<hbm>>) dst(%dma_wait3A_63 : memref<128x128xf32, #tpu.memory_space<vmem>>)
        %run_scoped3A_72 = arith.constant 0 : i32
        %run_scoped3A_73 = arith.constant 0 : i32
        %run_scoped3A_74 = arith.constant 1 : i32
        "tpu.region"() ({
          %run_scoped3A_109 = tpu.sem_alloc : memref<!tpu.dma_semaphore, #tpu.memory_space<semaphore_mem>>
          %dma_start3A_110 = arith.constant 0 : i32
          %dma_start3A_111 = arith.constant 0 : i32
          %dma_start3A_112 = tpu.memref_slice %arg7[%run_scoped3A_72, %dma_start3A_110, %dma_start3A_111] : memref<2x128x128xf32, #tpu.memory_space<vmem>> -> memref<1x128x128xf32, #tpu.memory_space<vmem>>
          %dma_start3A_113 = tpu.memref_squeeze %dma_start3A_112 : memref<1x128x128xf32, #tpu.memory_space<vmem>> -> memref<128x128xf32, #tpu.memory_space<vmem>>
          %dma_start3A_114 = arith.constant 0 : i32
          %dma_start3A_115 = tpu.memref_slice %arg6[%run_scoped3A_73, %run_scoped3A_74, %dma_start3A_114] : memref<2x2x128xi32, #tpu.memory_space<vmem>> -> memref<1x1x128xi32, #tpu.memory_space<vmem>>
          %dma_start3A_116 = tpu.memref_squeeze %dma_start3A_115 : memref<1x1x128xi32, #tpu.memory_space<vmem>> -> memref<128xi32, #tpu.memory_space<vmem>>
          %dma_start3A_117 = arith.constant 0 : i32
          %dma_start3A_118 = arith.constant 0 : i32
          %dma_start3A_119 = tpu.memref_slice %arg8[%dma_start3A_117, %dma_start3A_118] : memref<10112x128xf32, #tpu.memory_space<vmem_shared>> -> memref<10112x128xf32, #tpu.memory_space<vmem_shared>>
          tpu.enqueue_indirect_dma source(%dma_start3A_113 : memref<128x128xf32, #tpu.memory_space<vmem>>) target(%dma_start3A_119 : memref<10112x128xf32, #tpu.memory_space<vmem_shared>>) offsets(%dma_start3A_116 : memref<128xi32, #tpu.memory_space<vmem>>) semaphore(%run_scoped3A_109 : memref<!tpu.dma_semaphore, #tpu.memory_space<semaphore_mem>>) {add = true}
          %dma_wait3A_120 = arith.constant 0 : i32
          %dma_wait3A_121 = arith.constant 0 : i32
          %dma_wait3A_122 = tpu.memref_slice %arg7[%run_scoped3A_72, %dma_wait3A_120, %dma_wait3A_121] : memref<2x128x128xf32, #tpu.memory_space<vmem>> -> memref<1x128x128xf32, #tpu.memory_space<vmem>>
          %dma_wait3A_123 = tpu.memref_squeeze %dma_wait3A_122 : memref<1x128x128xf32, #tpu.memory_space<vmem>> -> memref<128x128xf32, #tpu.memory_space<vmem>>
          %dma_wait3A_124 = arith.constant 0 : i32
          %dma_wait3A_125 = tpu.memref_slice %arg6[%run_scoped3A_73, %run_scoped3A_74, %dma_wait3A_124] : memref<2x2x128xi32, #tpu.memory_space<vmem>> -> memref<1x1x128xi32, #tpu.memory_space<vmem>>
          %dma_wait3A_126 = tpu.memref_squeeze %dma_wait3A_125 : memref<1x1x128xi32, #tpu.memory_space<vmem>> -> memref<128xi32, #tpu.memory_space<vmem>>
          %dma_wait3A_127 = arith.constant 0 : i32
          %dma_wait3A_128 = arith.constant 0 : i32
          %dma_wait3A_129 = tpu.memref_slice %arg8[%dma_wait3A_127, %dma_wait3A_128] : memref<10112x128xf32, #tpu.memory_space<vmem_shared>> -> memref<10112x128xf32, #tpu.memory_space<vmem_shared>>
          tpu.wait_indirect_dma semaphore(%run_scoped3A_109 : memref<!tpu.dma_semaphore, #tpu.memory_space<semaphore_mem>>) src(%dma_wait3A_123 : memref<128x128xf32, #tpu.memory_space<vmem>>) dst(%dma_wait3A_129 : memref<10112x128xf32, #tpu.memory_space<vmem_shared>>)
          tpu.yield
        }) : () -> ()
        %add3A_75 = arith.constant 2 : i32
        %add3A_76 = arith.addi %add3A_56, %add3A_75 : i32
        %lt3A = arith.constant 118 : i32
        %lt3A_77 = arith.cmpi slt, %add3A_76, %lt3A : i32
        %convert_element_type3A_78 = arith.extui %lt3A_77 : i1 to i32
        %cond3A_79 = arith.constant 0 : i32
        %cond3A_80 = arith.cmpi ne, %convert_element_type3A_78, %cond3A_79 : i32
        scf.if %cond3A_80 {
          %add3A_109 = arith.addi %mul3A_10, %add3A_76 : i32
          %run_scoped3A_110 = arith.constant 0 : i32
          "tpu.region"() ({
            %run_scoped3A_127 = tpu.sem_alloc : memref<!tpu.dma_semaphore, #tpu.memory_space<semaphore_mem>>
            %dma_start3A_128 = arith.constant 0 : i32
            %dma_start3A_129 = arith.constant 0 : i32
            %dma_start3A_130 = tpu.memref_slice %arg6[%run_scoped3A_110, %dma_start3A_128, %dma_start3A_129] : memref<2x2x128xi32, #tpu.memory_space<vmem>> -> memref<1x2x128xi32, #tpu.memory_space<vmem>>
            %dma_start3A_131 = tpu.memref_squeeze %dma_start3A_130 : memref<1x2x128xi32, #tpu.memory_space<vmem>> -> memref<2x128xi32, #tpu.memory_space<vmem>>
            %dma_start3A_132 = arith.constant 0 : i32
            %dma_start3A_133 = arith.constant 0 : i32
            %dma_start3A_134 = tpu.memref_slice %arg3[%add3A_109, %dma_start3A_132, %dma_start3A_133] : memref<2560x2x128xi32, #tpu.memory_space<hbm>> -> memref<1x2x128xi32, #tpu.memory_space<hbm>>
            %dma_start3A_135 = tpu.memref_squeeze %dma_start3A_134 : memref<1x2x128xi32, #tpu.memory_space<hbm>> -> memref<2x128xi32, #tpu.memory_space<hbm>>
            %dma_start3A_136 = arith.constant 0 : i32
            %dma_start3A_137 = arith.constant 0 : i32
            %dma_start3A_138 = tpu.memref_slice %arg6[%run_scoped3A_110, %dma_start3A_136, %dma_start3A_137] : memref<2x2x128xi32, #tpu.memory_space<vmem>> -> memref<1x2x128xi32, #tpu.memory_space<vmem>>
            %dma_start3A_139 = tpu.memref_squeeze %dma_start3A_138 : memref<1x2x128xi32, #tpu.memory_space<vmem>> -> memref<2x128xi32, #tpu.memory_space<vmem>>
            %dma_start3A_140 = arith.constant 0 : i32
            %dma_start3A_141 = arith.constant 0 : i32
            %dma_start3A_142 = tpu.memref_slice %arg3[%add3A_109, %dma_start3A_140, %dma_start3A_141] : memref<2560x2x128xi32, #tpu.memory_space<hbm>> -> memref<1x2x128xi32, #tpu.memory_space<hbm>>
            %dma_start3A_143 = tpu.memref_squeeze %dma_start3A_142 : memref<1x2x128xi32, #tpu.memory_space<hbm>> -> memref<2x128xi32, #tpu.memory_space<hbm>>
            tpu.enqueue_dma source(%dma_start3A_143 : memref<2x128xi32, #tpu.memory_space<hbm>>) target(%dma_start3A_139 : memref<2x128xi32, #tpu.memory_space<vmem>>) target_semaphore(%run_scoped3A_127 : memref<!tpu.dma_semaphore, #tpu.memory_space<semaphore_mem>>)
            %dma_wait3A_144 = arith.constant 0 : i32
            %dma_wait3A_145 = arith.constant 0 : i32
            %dma_wait3A_146 = tpu.memref_slice %arg6[%run_scoped3A_110, %dma_wait3A_144, %dma_wait3A_145] : memref<2x2x128xi32, #tpu.memory_space<vmem>> -> memref<1x2x128xi32, #tpu.memory_space<vmem>>
            %dma_wait3A_147 = tpu.memref_squeeze %dma_wait3A_146 : memref<1x2x128xi32, #tpu.memory_space<vmem>> -> memref<2x128xi32, #tpu.memory_space<vmem>>
            %dma_wait3A_148 = arith.constant 0 : i32
            %dma_wait3A_149 = arith.constant 0 : i32
            %dma_wait3A_150 = tpu.memref_slice %arg3[%add3A_109, %dma_wait3A_148, %dma_wait3A_149] : memref<2560x2x128xi32, #tpu.memory_space<hbm>> -> memref<1x2x128xi32, #tpu.memory_space<hbm>>
            %dma_wait3A_151 = tpu.memref_squeeze %dma_wait3A_150 : memref<1x2x128xi32, #tpu.memory_space<hbm>> -> memref<2x128xi32, #tpu.memory_space<hbm>>
            %dma_wait3A_152 = arith.constant 0 : i32
            %dma_wait3A_153 = arith.constant 0 : i32
            %dma_wait3A_154 = tpu.memref_slice %arg6[%run_scoped3A_110, %dma_wait3A_152, %dma_wait3A_153] : memref<2x2x128xi32, #tpu.memory_space<vmem>> -> memref<1x2x128xi32, #tpu.memory_space<vmem>>
            %dma_wait3A_155 = tpu.memref_squeeze %dma_wait3A_154 : memref<1x2x128xi32, #tpu.memory_space<vmem>> -> memref<2x128xi32, #tpu.memory_space<vmem>>
            %dma_wait3A_156 = arith.constant 0 : i32
            %dma_wait3A_157 = arith.constant 0 : i32
            %dma_wait3A_158 = tpu.memref_slice %arg3[%add3A_109, %dma_wait3A_156, %dma_wait3A_157] : memref<2560x2x128xi32, #tpu.memory_space<hbm>> -> memref<1x2x128xi32, #tpu.memory_space<hbm>>
            %dma_wait3A_159 = tpu.memref_squeeze %dma_wait3A_158 : memref<1x2x128xi32, #tpu.memory_space<hbm>> -> memref<2x128xi32, #tpu.memory_space<hbm>>
            tpu.wait_dma2 semaphore(%run_scoped3A_127 : memref<!tpu.dma_semaphore, #tpu.memory_space<semaphore_mem>>) src(%dma_wait3A_159 : memref<2x128xi32, #tpu.memory_space<hbm>>) dst(%dma_wait3A_155 : memref<2x128xi32, #tpu.memory_space<vmem>>)
            tpu.yield
          }) : () -> ()
          %dma_start3A_111 = arith.constant 0 : i32
          %dma_start3A_112 = arith.constant 0 : i32
          %dma_start3A_113 = arith.constant 0 : i32
          %dma_start3A_114 = arith.constant 0 : i32
          %dma_start3A_115 = arith.constant 0 : i32
          %dma_start3A_116 = arith.constant 0 : i32
          %dma_start3A_117 = tpu.memref_slice %arg7[%dma_start3A_113, %dma_start3A_115, %dma_start3A_116] : memref<2x128x128xf32, #tpu.memory_space<vmem>> -> memref<1x128x128xf32, #tpu.memory_space<vmem>>
          %dma_start3A_118 = tpu.memref_squeeze %dma_start3A_117 : memref<1x128x128xf32, #tpu.memory_space<vmem>> -> memref<128x128xf32, #tpu.memory_space<vmem>>
          %dma_start3A_119 = arith.constant 0 : i32
          %dma_start3A_120 = tpu.memref_slice %arg6[%dma_start3A_111, %dma_start3A_112, %dma_start3A_119] : memref<2x2x128xi32, #tpu.memory_space<vmem>> -> memref<1x1x128xi32, #tpu.memory_space<vmem>>
          %dma_start3A_121 = tpu.memref_squeeze %dma_start3A_120 : memref<1x1x128xi32, #tpu.memory_space<vmem>> -> memref<128xi32, #tpu.memory_space<vmem>>
          %dma_start3A_122 = arith.constant 0 : i32
          %dma_start3A_123 = arith.constant 0 : i32
          %dma_start3A_124 = tpu.memref_slice %arg2[%dma_start3A_122, %dma_start3A_123] : memref<10112x128xf32, #tpu.memory_space<hbm>> -> memref<10112x128xf32, #tpu.memory_space<hbm>>
          %dma_start3A_125 = tpu.memref_slice %arg9[%dma_start3A_114] : memref<2x!tpu.dma_semaphore, #tpu.memory_space<semaphore_mem>> -> memref<1x!tpu.dma_semaphore, #tpu.memory_space<semaphore_mem>>
          %dma_start3A_126 = tpu.memref_squeeze %dma_start3A_125 : memref<1x!tpu.dma_semaphore, #tpu.memory_space<semaphore_mem>> -> memref<!tpu.dma_semaphore, #tpu.memory_space<semaphore_mem>>
          tpu.enqueue_indirect_dma source(%dma_start3A_124 : memref<10112x128xf32, #tpu.memory_space<hbm>>) target(%dma_start3A_118 : memref<128x128xf32, #tpu.memory_space<vmem>>) offsets(%dma_start3A_121 : memref<128xi32, #tpu.memory_space<vmem>>) semaphore(%dma_start3A_126 : memref<!tpu.dma_semaphore, #tpu.memory_space<semaphore_mem>>)
        } else {
        }
        %add3A_81 = arith.constant 1 : i32
        %add3A_82 = arith.addi %add3A_54, %add3A_81 : i32
        %dma_wait3A_83 = arith.constant 1 : i32
        %dma_wait3A_84 = arith.constant 0 : i32
        %dma_wait3A_85 = arith.constant 1 : i32
        %dma_wait3A_86 = arith.constant 1 : i32
        %dma_wait3A_87 = arith.constant 0 : i32
        %dma_wait3A_88 = arith.constant 0 : i32
        %dma_wait3A_89 = tpu.memref_slice %arg7[%dma_wait3A_85, %dma_wait3A_87, %dma_wait3A_88] : memref<2x128x128xf32, #tpu.memory_space<vmem>> -> memref<1x128x128xf32, #tpu.memory_space<vmem>>
        %dma_wait3A_90 = tpu.memref_squeeze %dma_wait3A_89 : memref<1x128x128xf32, #tpu.memory_space<vmem>> -> memref<128x128xf32, #tpu.memory_space<vmem>>
        %dma_wait3A_91 = arith.constant 0 : i32
        %dma_wait3A_92 = tpu.memref_slice %arg6[%dma_wait3A_83, %dma_wait3A_84, %dma_wait3A_91] : memref<2x2x128xi32, #tpu.memory_space<vmem>> -> memref<1x1x128xi32, #tpu.memory_space<vmem>>
        %dma_wait3A_93 = tpu.memref_squeeze %dma_wait3A_92 : memref<1x1x128xi32, #tpu.memory_space<vmem>> -> memref<128xi32, #tpu.memory_space<vmem>>
        %dma_wait3A_94 = arith.constant 0 : i32
        %dma_wait3A_95 = arith.constant 0 : i32
        %dma_wait3A_96 = tpu.memref_slice %arg2[%dma_wait3A_94, %dma_wait3A_95] : memref<10112x128xf32, #tpu.memory_space<hbm>> -> memref<10112x128xf32, #tpu.memory_space<hbm>>
        %dma_wait3A_97 = tpu.memref_slice %arg9[%dma_wait3A_86] : memref<2x!tpu.dma_semaphore, #tpu.memory_space<semaphore_mem>> -> memref<1x!tpu.dma_semaphore, #tpu.memory_space<semaphore_mem>>
        %dma_wait3A_98 = tpu.memref_squeeze %dma_wait3A_97 : memref<1x!tpu.dma_semaphore, #tpu.memory_space<semaphore_mem>> -> memref<!tpu.dma_semaphore, #tpu.memory_space<semaphore_mem>>
        tpu.wait_indirect_dma semaphore(%dma_wait3A_98 : memref<!tpu.dma_semaphore, #tpu.memory_space<semaphore_mem>>) src(%dma_wait3A_96 : memref<10112x128xf32, #tpu.memory_space<hbm>>) dst(%dma_wait3A_90 : memref<128x128xf32, #tpu.memory_space<vmem>>)
        %run_scoped3A_99 = arith.constant 1 : i32
        %run_scoped3A_100 = arith.constant 1 : i32
        %run_scoped3A_101 = arith.constant 1 : i32
        "tpu.region"() ({
          %run_scoped3A_109 = tpu.sem_alloc : memref<!tpu.dma_semaphore, #tpu.memory_space<semaphore_mem>>
          %dma_start3A_110 = arith.constant 0 : i32
          %dma_start3A_111 = arith.constant 0 : i32
          %dma_start3A_112 = tpu.memref_slice %arg7[%run_scoped3A_99, %dma_start3A_110, %dma_start3A_111] : memref<2x128x128xf32, #tpu.memory_space<vmem>> -> memref<1x128x128xf32, #tpu.memory_space<vmem>>
          %dma_start3A_113 = tpu.memref_squeeze %dma_start3A_112 : memref<1x128x128xf32, #tpu.memory_space<vmem>> -> memref<128x128xf32, #tpu.memory_space<vmem>>
          %dma_start3A_114 = arith.constant 0 : i32
          %dma_start3A_115 = tpu.memref_slice %arg6[%run_scoped3A_100, %run_scoped3A_101, %dma_start3A_114] : memref<2x2x128xi32, #tpu.memory_space<vmem>> -> memref<1x1x128xi32, #tpu.memory_space<vmem>>
          %dma_start3A_116 = tpu.memref_squeeze %dma_start3A_115 : memref<1x1x128xi32, #tpu.memory_space<vmem>> -> memref<128xi32, #tpu.memory_space<vmem>>
          %dma_start3A_117 = arith.constant 0 : i32
          %dma_start3A_118 = arith.constant 0 : i32
          %dma_start3A_119 = tpu.memref_slice %arg8[%dma_start3A_117, %dma_start3A_118] : memref<10112x128xf32, #tpu.memory_space<vmem_shared>> -> memref<10112x128xf32, #tpu.memory_space<vmem_shared>>
          tpu.enqueue_indirect_dma source(%dma_start3A_113 : memref<128x128xf32, #tpu.memory_space<vmem>>) target(%dma_start3A_119 : memref<10112x128xf32, #tpu.memory_space<vmem_shared>>) offsets(%dma_start3A_116 : memref<128xi32, #tpu.memory_space<vmem>>) semaphore(%run_scoped3A_109 : memref<!tpu.dma_semaphore, #tpu.memory_space<semaphore_mem>>) {add = true}
          %dma_wait3A_120 = arith.constant 0 : i32
          %dma_wait3A_121 = arith.constant 0 : i32
          %dma_wait3A_122 = tpu.memref_slice %arg7[%run_scoped3A_99, %dma_wait3A_120, %dma_wait3A_121] : memref<2x128x128xf32, #tpu.memory_space<vmem>> -> memref<1x128x128xf32, #tpu.memory_space<vmem>>
          %dma_wait3A_123 = tpu.memref_squeeze %dma_wait3A_122 : memref<1x128x128xf32, #tpu.memory_space<vmem>> -> memref<128x128xf32, #tpu.memory_space<vmem>>
          %dma_wait3A_124 = arith.constant 0 : i32
          %dma_wait3A_125 = tpu.memref_slice %arg6[%run_scoped3A_100, %run_scoped3A_101, %dma_wait3A_124] : memref<2x2x128xi32, #tpu.memory_space<vmem>> -> memref<1x1x128xi32, #tpu.memory_space<vmem>>
          %dma_wait3A_126 = tpu.memref_squeeze %dma_wait3A_125 : memref<1x1x128xi32, #tpu.memory_space<vmem>> -> memref<128xi32, #tpu.memory_space<vmem>>
          %dma_wait3A_127 = arith.constant 0 : i32
          %dma_wait3A_128 = arith.constant 0 : i32
          %dma_wait3A_129 = tpu.memref_slice %arg8[%dma_wait3A_127, %dma_wait3A_128] : memref<10112x128xf32, #tpu.memory_space<vmem_shared>> -> memref<10112x128xf32, #tpu.memory_space<vmem_shared>>
          tpu.wait_indirect_dma semaphore(%run_scoped3A_109 : memref<!tpu.dma_semaphore, #tpu.memory_space<semaphore_mem>>) src(%dma_wait3A_123 : memref<128x128xf32, #tpu.memory_space<vmem>>) dst(%dma_wait3A_129 : memref<10112x128xf32, #tpu.memory_space<vmem_shared>>)
          tpu.yield
        }) : () -> ()
        %add3A_102 = arith.constant 2 : i32
        %add3A_103 = arith.addi %add3A_82, %add3A_102 : i32
        %lt3A_104 = arith.constant 118 : i32
        %lt3A_105 = arith.cmpi slt, %add3A_103, %lt3A_104 : i32
        %convert_element_type3A_106 = arith.extui %lt3A_105 : i1 to i32
        %cond3A_107 = arith.constant 0 : i32
        %cond3A_108 = arith.cmpi ne, %convert_element_type3A_106, %cond3A_107 : i32
        scf.if %cond3A_108 {
          %add3A_109 = arith.addi %mul3A_10, %add3A_103 : i32
          %run_scoped3A_110 = arith.constant 1 : i32
          "tpu.region"() ({
            %run_scoped3A_127 = tpu.sem_alloc : memref<!tpu.dma_semaphore, #tpu.memory_space<semaphore_mem>>
            %dma_start3A_128 = arith.constant 0 : i32
            %dma_start3A_129 = arith.constant 0 : i32
            %dma_start3A_130 = tpu.memref_slice %arg6[%run_scoped3A_110, %dma_start3A_128, %dma_start3A_129] : memref<2x2x128xi32, #tpu.memory_space<vmem>> -> memref<1x2x128xi32, #tpu.memory_space<vmem>>
            %dma_start3A_131 = tpu.memref_squeeze %dma_start3A_130 : memref<1x2x128xi32, #tpu.memory_space<vmem>> -> memref<2x128xi32, #tpu.memory_space<vmem>>
            %dma_start3A_132 = arith.constant 0 : i32
            %dma_start3A_133 = arith.constant 0 : i32
            %dma_start3A_134 = tpu.memref_slice %arg3[%add3A_109, %dma_start3A_132, %dma_start3A_133] : memref<2560x2x128xi32, #tpu.memory_space<hbm>> -> memref<1x2x128xi32, #tpu.memory_space<hbm>>
            %dma_start3A_135 = tpu.memref_squeeze %dma_start3A_134 : memref<1x2x128xi32, #tpu.memory_space<hbm>> -> memref<2x128xi32, #tpu.memory_space<hbm>>
            %dma_start3A_136 = arith.constant 0 : i32
            %dma_start3A_137 = arith.constant 0 : i32
            %dma_start3A_138 = tpu.memref_slice %arg6[%run_scoped3A_110, %dma_start3A_136, %dma_start3A_137] : memref<2x2x128xi32, #tpu.memory_space<vmem>> -> memref<1x2x128xi32, #tpu.memory_space<vmem>>
            %dma_start3A_139 = tpu.memref_squeeze %dma_start3A_138 : memref<1x2x128xi32, #tpu.memory_space<vmem>> -> memref<2x128xi32, #tpu.memory_space<vmem>>
            %dma_start3A_140 = arith.constant 0 : i32
            %dma_start3A_141 = arith.constant 0 : i32
            %dma_start3A_142 = tpu.memref_slice %arg3[%add3A_109, %dma_start3A_140, %dma_start3A_141] : memref<2560x2x128xi32, #tpu.memory_space<hbm>> -> memref<1x2x128xi32, #tpu.memory_space<hbm>>
            %dma_start3A_143 = tpu.memref_squeeze %dma_start3A_142 : memref<1x2x128xi32, #tpu.memory_space<hbm>> -> memref<2x128xi32, #tpu.memory_space<hbm>>
            tpu.enqueue_dma source(%dma_start3A_143 : memref<2x128xi32, #tpu.memory_space<hbm>>) target(%dma_start3A_139 : memref<2x128xi32, #tpu.memory_space<vmem>>) target_semaphore(%run_scoped3A_127 : memref<!tpu.dma_semaphore, #tpu.memory_space<semaphore_mem>>)
            %dma_wait3A_144 = arith.constant 0 : i32
            %dma_wait3A_145 = arith.constant 0 : i32
            %dma_wait3A_146 = tpu.memref_slice %arg6[%run_scoped3A_110, %dma_wait3A_144, %dma_wait3A_145] : memref<2x2x128xi32, #tpu.memory_space<vmem>> -> memref<1x2x128xi32, #tpu.memory_space<vmem>>
            %dma_wait3A_147 = tpu.memref_squeeze %dma_wait3A_146 : memref<1x2x128xi32, #tpu.memory_space<vmem>> -> memref<2x128xi32, #tpu.memory_space<vmem>>
            %dma_wait3A_148 = arith.constant 0 : i32
            %dma_wait3A_149 = arith.constant 0 : i32
            %dma_wait3A_150 = tpu.memref_slice %arg3[%add3A_109, %dma_wait3A_148, %dma_wait3A_149] : memref<2560x2x128xi32, #tpu.memory_space<hbm>> -> memref<1x2x128xi32, #tpu.memory_space<hbm>>
            %dma_wait3A_151 = tpu.memref_squeeze %dma_wait3A_150 : memref<1x2x128xi32, #tpu.memory_space<hbm>> -> memref<2x128xi32, #tpu.memory_space<hbm>>
            %dma_wait3A_152 = arith.constant 0 : i32
            %dma_wait3A_153 = arith.constant 0 : i32
            %dma_wait3A_154 = tpu.memref_slice %arg6[%run_scoped3A_110, %dma_wait3A_152, %dma_wait3A_153] : memref<2x2x128xi32, #tpu.memory_space<vmem>> -> memref<1x2x128xi32, #tpu.memory_space<vmem>>
            %dma_wait3A_155 = tpu.memref_squeeze %dma_wait3A_154 : memref<1x2x128xi32, #tpu.memory_space<vmem>> -> memref<2x128xi32, #tpu.memory_space<vmem>>
            %dma_wait3A_156 = arith.constant 0 : i32
            %dma_wait3A_157 = arith.constant 0 : i32
            %dma_wait3A_158 = tpu.memref_slice %arg3[%add3A_109, %dma_wait3A_156, %dma_wait3A_157] : memref<2560x2x128xi32, #tpu.memory_space<hbm>> -> memref<1x2x128xi32, #tpu.memory_space<hbm>>
            %dma_wait3A_159 = tpu.memref_squeeze %dma_wait3A_158 : memref<1x2x128xi32, #tpu.memory_space<hbm>> -> memref<2x128xi32, #tpu.memory_space<hbm>>
            tpu.wait_dma2 semaphore(%run_scoped3A_127 : memref<!tpu.dma_semaphore, #tpu.memory_space<semaphore_mem>>) src(%dma_wait3A_159 : memref<2x128xi32, #tpu.memory_space<hbm>>) dst(%dma_wait3A_155 : memref<2x128xi32, #tpu.memory_space<vmem>>)
            tpu.yield
          }) : () -> ()
          %dma_start3A_111 = arith.constant 1 : i32
          %dma_start3A_112 = arith.constant 0 : i32
          %dma_start3A_113 = arith.constant 1 : i32
          %dma_start3A_114 = arith.constant 1 : i32
          %dma_start3A_115 = arith.constant 0 : i32
          %dma_start3A_116 = arith.constant 0 : i32
          %dma_start3A_117 = tpu.memref_slice %arg7[%dma_start3A_113, %dma_start3A_115, %dma_start3A_116] : memref<2x128x128xf32, #tpu.memory_space<vmem>> -> memref<1x128x128xf32, #tpu.memory_space<vmem>>
          %dma_start3A_118 = tpu.memref_squeeze %dma_start3A_117 : memref<1x128x128xf32, #tpu.memory_space<vmem>> -> memref<128x128xf32, #tpu.memory_space<vmem>>
          %dma_start3A_119 = arith.constant 0 : i32
          %dma_start3A_120 = tpu.memref_slice %arg6[%dma_start3A_111, %dma_start3A_112, %dma_start3A_119] : memref<2x2x128xi32, #tpu.memory_space<vmem>> -> memref<1x1x128xi32, #tpu.memory_space<vmem>>
          %dma_start3A_121 = tpu.memref_squeeze %dma_start3A_120 : memref<1x1x128xi32, #tpu.memory_space<vmem>> -> memref<128xi32, #tpu.memory_space<vmem>>
          %dma_start3A_122 = arith.constant 0 : i32
          %dma_start3A_123 = arith.constant 0 : i32
          %dma_start3A_124 = tpu.memref_slice %arg2[%dma_start3A_122, %dma_start3A_123] : memref<10112x128xf32, #tpu.memory_space<hbm>> -> memref<10112x128xf32, #tpu.memory_space<hbm>>
          %dma_start3A_125 = tpu.memref_slice %arg9[%dma_start3A_114] : memref<2x!tpu.dma_semaphore, #tpu.memory_space<semaphore_mem>> -> memref<1x!tpu.dma_semaphore, #tpu.memory_space<semaphore_mem>>
          %dma_start3A_126 = tpu.memref_squeeze %dma_start3A_125 : memref<1x!tpu.dma_semaphore, #tpu.memory_space<semaphore_mem>> -> memref<!tpu.dma_semaphore, #tpu.memory_space<semaphore_mem>>
          tpu.enqueue_indirect_dma source(%dma_start3A_124 : memref<10112x128xf32, #tpu.memory_space<hbm>>) target(%dma_start3A_118 : memref<128x128xf32, #tpu.memory_space<vmem>>) offsets(%dma_start3A_121 : memref<128xi32, #tpu.memory_space<vmem>>) semaphore(%dma_start3A_126 : memref<!tpu.dma_semaphore, #tpu.memory_space<semaphore_mem>>)
        } else {
        }
      }
      %scan3A_49 = arith.constant 59 : i32
    } else {
    }
    %eq3A_3 = arith.constant 1 : i32
    %eq3A_4 = arith.cmpi eq, %arg0, %eq3A_3 : i32
    %convert_element_type3A_5 = arith.extui %eq3A_4 : i1 to i32
    %cond3A_6 = arith.constant 0 : i32
    %cond3A_7 = arith.cmpi ne, %convert_element_type3A_5, %cond3A_6 : i32
    scf.if %cond3A_7 {
      %mul3A_9 = arith.constant 42 : i32
      %mul3A_10 = arith.muli %arg1, %mul3A_9 : i32
      %add3A = arith.constant 1888 : i32
      %add3A_11 = arith.addi %add3A, %mul3A_10 : i32
      %add3A_12 = arith.constant 0 : i32
      %add3A_13 = arith.addi %add3A_11, %add3A_12 : i32
      %run_scoped3A = arith.constant 0 : i32
      "tpu.region"() ({
        %run_scoped3A_52 = tpu.sem_alloc : memref<!tpu.dma_semaphore, #tpu.memory_space<semaphore_mem>>
        %dma_start3A_53 = arith.constant 0 : i32
        %dma_start3A_54 = arith.constant 0 : i32
        %dma_start3A_55 = tpu.memref_slice %arg6[%run_scoped3A, %dma_start3A_53, %dma_start3A_54] : memref<2x2x128xi32, #tpu.memory_space<vmem>> -> memref<1x2x128xi32, #tpu.memory_space<vmem>>
        %dma_start3A_56 = tpu.memref_squeeze %dma_start3A_55 : memref<1x2x128xi32, #tpu.memory_space<vmem>> -> memref<2x128xi32, #tpu.memory_space<vmem>>
        %dma_start3A_57 = arith.constant 0 : i32
        %dma_start3A_58 = arith.constant 0 : i32
        %dma_start3A_59 = tpu.memref_slice %arg3[%add3A_13, %dma_start3A_57, %dma_start3A_58] : memref<2560x2x128xi32, #tpu.memory_space<hbm>> -> memref<1x2x128xi32, #tpu.memory_space<hbm>>
        %dma_start3A_60 = tpu.memref_squeeze %dma_start3A_59 : memref<1x2x128xi32, #tpu.memory_space<hbm>> -> memref<2x128xi32, #tpu.memory_space<hbm>>
        %dma_start3A_61 = arith.constant 0 : i32
        %dma_start3A_62 = arith.constant 0 : i32
        %dma_start3A_63 = tpu.memref_slice %arg6[%run_scoped3A, %dma_start3A_61, %dma_start3A_62] : memref<2x2x128xi32, #tpu.memory_space<vmem>> -> memref<1x2x128xi32, #tpu.memory_space<vmem>>
        %dma_start3A_64 = tpu.memref_squeeze %dma_start3A_63 : memref<1x2x128xi32, #tpu.memory_space<vmem>> -> memref<2x128xi32, #tpu.memory_space<vmem>>
        %dma_start3A_65 = arith.constant 0 : i32
        %dma_start3A_66 = arith.constant 0 : i32
        %dma_start3A_67 = tpu.memref_slice %arg3[%add3A_13, %dma_start3A_65, %dma_start3A_66] : memref<2560x2x128xi32, #tpu.memory_space<hbm>> -> memref<1x2x128xi32, #tpu.memory_space<hbm>>
        %dma_start3A_68 = tpu.memref_squeeze %dma_start3A_67 : memref<1x2x128xi32, #tpu.memory_space<hbm>> -> memref<2x128xi32, #tpu.memory_space<hbm>>
        tpu.enqueue_dma source(%dma_start3A_68 : memref<2x128xi32, #tpu.memory_space<hbm>>) target(%dma_start3A_64 : memref<2x128xi32, #tpu.memory_space<vmem>>) target_semaphore(%run_scoped3A_52 : memref<!tpu.dma_semaphore, #tpu.memory_space<semaphore_mem>>)
        %dma_wait3A = arith.constant 0 : i32
        %dma_wait3A_69 = arith.constant 0 : i32
        %dma_wait3A_70 = tpu.memref_slice %arg6[%run_scoped3A, %dma_wait3A, %dma_wait3A_69] : memref<2x2x128xi32, #tpu.memory_space<vmem>> -> memref<1x2x128xi32, #tpu.memory_space<vmem>>
        %dma_wait3A_71 = tpu.memref_squeeze %dma_wait3A_70 : memref<1x2x128xi32, #tpu.memory_space<vmem>> -> memref<2x128xi32, #tpu.memory_space<vmem>>
        %dma_wait3A_72 = arith.constant 0 : i32
        %dma_wait3A_73 = arith.constant 0 : i32
        %dma_wait3A_74 = tpu.memref_slice %arg3[%add3A_13, %dma_wait3A_72, %dma_wait3A_73] : memref<2560x2x128xi32, #tpu.memory_space<hbm>> -> memref<1x2x128xi32, #tpu.memory_space<hbm>>
        %dma_wait3A_75 = tpu.memref_squeeze %dma_wait3A_74 : memref<1x2x128xi32, #tpu.memory_space<hbm>> -> memref<2x128xi32, #tpu.memory_space<hbm>>
        %dma_wait3A_76 = arith.constant 0 : i32
        %dma_wait3A_77 = arith.constant 0 : i32
        %dma_wait3A_78 = tpu.memref_slice %arg6[%run_scoped3A, %dma_wait3A_76, %dma_wait3A_77] : memref<2x2x128xi32, #tpu.memory_space<vmem>> -> memref<1x2x128xi32, #tpu.memory_space<vmem>>
        %dma_wait3A_79 = tpu.memref_squeeze %dma_wait3A_78 : memref<1x2x128xi32, #tpu.memory_space<vmem>> -> memref<2x128xi32, #tpu.memory_space<vmem>>
        %dma_wait3A_80 = arith.constant 0 : i32
        %dma_wait3A_81 = arith.constant 0 : i32
        %dma_wait3A_82 = tpu.memref_slice %arg3[%add3A_13, %dma_wait3A_80, %dma_wait3A_81] : memref<2560x2x128xi32, #tpu.memory_space<hbm>> -> memref<1x2x128xi32, #tpu.memory_space<hbm>>
        %dma_wait3A_83 = tpu.memref_squeeze %dma_wait3A_82 : memref<1x2x128xi32, #tpu.memory_space<hbm>> -> memref<2x128xi32, #tpu.memory_space<hbm>>
        tpu.wait_dma2 semaphore(%run_scoped3A_52 : memref<!tpu.dma_semaphore, #tpu.memory_space<semaphore_mem>>) src(%dma_wait3A_83 : memref<2x128xi32, #tpu.memory_space<hbm>>) dst(%dma_wait3A_79 : memref<2x128xi32, #tpu.memory_space<vmem>>)
        tpu.yield
      }) : () -> ()
      %dma_start3A = arith.constant 0 : i32
      %dma_start3A_14 = arith.constant 0 : i32
      %dma_start3A_15 = arith.constant 0 : i32
      %dma_start3A_16 = arith.constant 0 : i32
      %dma_start3A_17 = arith.constant 0 : i32
      %dma_start3A_18 = arith.constant 0 : i32
      %dma_start3A_19 = tpu.memref_slice %arg7[%dma_start3A_15, %dma_start3A_17, %dma_start3A_18] : memref<2x128x128xf32, #tpu.memory_space<vmem>> -> memref<1x128x128xf32, #tpu.memory_space<vmem>>
      %dma_start3A_20 = tpu.memref_squeeze %dma_start3A_19 : memref<1x128x128xf32, #tpu.memory_space<vmem>> -> memref<128x128xf32, #tpu.memory_space<vmem>>
      %dma_start3A_21 = arith.constant 0 : i32
      %dma_start3A_22 = tpu.memref_slice %arg6[%dma_start3A, %dma_start3A_14, %dma_start3A_21] : memref<2x2x128xi32, #tpu.memory_space<vmem>> -> memref<1x1x128xi32, #tpu.memory_space<vmem>>
      %dma_start3A_23 = tpu.memref_squeeze %dma_start3A_22 : memref<1x1x128xi32, #tpu.memory_space<vmem>> -> memref<128xi32, #tpu.memory_space<vmem>>
      %dma_start3A_24 = arith.constant 0 : i32
      %dma_start3A_25 = arith.constant 0 : i32
      %dma_start3A_26 = tpu.memref_slice %arg2[%dma_start3A_24, %dma_start3A_25] : memref<10112x128xf32, #tpu.memory_space<hbm>> -> memref<10112x128xf32, #tpu.memory_space<hbm>>
      %dma_start3A_27 = tpu.memref_slice %arg9[%dma_start3A_16] : memref<2x!tpu.dma_semaphore, #tpu.memory_space<semaphore_mem>> -> memref<1x!tpu.dma_semaphore, #tpu.memory_space<semaphore_mem>>
      %dma_start3A_28 = tpu.memref_squeeze %dma_start3A_27 : memref<1x!tpu.dma_semaphore, #tpu.memory_space<semaphore_mem>> -> memref<!tpu.dma_semaphore, #tpu.memory_space<semaphore_mem>>
      tpu.enqueue_indirect_dma source(%dma_start3A_26 : memref<10112x128xf32, #tpu.memory_space<hbm>>) target(%dma_start3A_20 : memref<128x128xf32, #tpu.memory_space<vmem>>) offsets(%dma_start3A_23 : memref<128xi32, #tpu.memory_space<vmem>>) semaphore(%dma_start3A_28 : memref<!tpu.dma_semaphore, #tpu.memory_space<semaphore_mem>>)
      %add3A_29 = arith.constant 1 : i32
      %add3A_30 = arith.addi %add3A_11, %add3A_29 : i32
      %run_scoped3A_31 = arith.constant 1 : i32
      "tpu.region"() ({
        %run_scoped3A_52 = tpu.sem_alloc : memref<!tpu.dma_semaphore, #tpu.memory_space<semaphore_mem>>
        %dma_start3A_53 = arith.constant 0 : i32
        %dma_start3A_54 = arith.constant 0 : i32
        %dma_start3A_55 = tpu.memref_slice %arg6[%run_scoped3A_31, %dma_start3A_53, %dma_start3A_54] : memref<2x2x128xi32, #tpu.memory_space<vmem>> -> memref<1x2x128xi32, #tpu.memory_space<vmem>>
        %dma_start3A_56 = tpu.memref_squeeze %dma_start3A_55 : memref<1x2x128xi32, #tpu.memory_space<vmem>> -> memref<2x128xi32, #tpu.memory_space<vmem>>
        %dma_start3A_57 = arith.constant 0 : i32
        %dma_start3A_58 = arith.constant 0 : i32
        %dma_start3A_59 = tpu.memref_slice %arg3[%add3A_30, %dma_start3A_57, %dma_start3A_58] : memref<2560x2x128xi32, #tpu.memory_space<hbm>> -> memref<1x2x128xi32, #tpu.memory_space<hbm>>
        %dma_start3A_60 = tpu.memref_squeeze %dma_start3A_59 : memref<1x2x128xi32, #tpu.memory_space<hbm>> -> memref<2x128xi32, #tpu.memory_space<hbm>>
        %dma_start3A_61 = arith.constant 0 : i32
        %dma_start3A_62 = arith.constant 0 : i32
        %dma_start3A_63 = tpu.memref_slice %arg6[%run_scoped3A_31, %dma_start3A_61, %dma_start3A_62] : memref<2x2x128xi32, #tpu.memory_space<vmem>> -> memref<1x2x128xi32, #tpu.memory_space<vmem>>
        %dma_start3A_64 = tpu.memref_squeeze %dma_start3A_63 : memref<1x2x128xi32, #tpu.memory_space<vmem>> -> memref<2x128xi32, #tpu.memory_space<vmem>>
        %dma_start3A_65 = arith.constant 0 : i32
        %dma_start3A_66 = arith.constant 0 : i32
        %dma_start3A_67 = tpu.memref_slice %arg3[%add3A_30, %dma_start3A_65, %dma_start3A_66] : memref<2560x2x128xi32, #tpu.memory_space<hbm>> -> memref<1x2x128xi32, #tpu.memory_space<hbm>>
        %dma_start3A_68 = tpu.memref_squeeze %dma_start3A_67 : memref<1x2x128xi32, #tpu.memory_space<hbm>> -> memref<2x128xi32, #tpu.memory_space<hbm>>
        tpu.enqueue_dma source(%dma_start3A_68 : memref<2x128xi32, #tpu.memory_space<hbm>>) target(%dma_start3A_64 : memref<2x128xi32, #tpu.memory_space<vmem>>) target_semaphore(%run_scoped3A_52 : memref<!tpu.dma_semaphore, #tpu.memory_space<semaphore_mem>>)
        %dma_wait3A = arith.constant 0 : i32
        %dma_wait3A_69 = arith.constant 0 : i32
        %dma_wait3A_70 = tpu.memref_slice %arg6[%run_scoped3A_31, %dma_wait3A, %dma_wait3A_69] : memref<2x2x128xi32, #tpu.memory_space<vmem>> -> memref<1x2x128xi32, #tpu.memory_space<vmem>>
        %dma_wait3A_71 = tpu.memref_squeeze %dma_wait3A_70 : memref<1x2x128xi32, #tpu.memory_space<vmem>> -> memref<2x128xi32, #tpu.memory_space<vmem>>
        %dma_wait3A_72 = arith.constant 0 : i32
        %dma_wait3A_73 = arith.constant 0 : i32
        %dma_wait3A_74 = tpu.memref_slice %arg3[%add3A_30, %dma_wait3A_72, %dma_wait3A_73] : memref<2560x2x128xi32, #tpu.memory_space<hbm>> -> memref<1x2x128xi32, #tpu.memory_space<hbm>>
        %dma_wait3A_75 = tpu.memref_squeeze %dma_wait3A_74 : memref<1x2x128xi32, #tpu.memory_space<hbm>> -> memref<2x128xi32, #tpu.memory_space<hbm>>
        %dma_wait3A_76 = arith.constant 0 : i32
        %dma_wait3A_77 = arith.constant 0 : i32
        %dma_wait3A_78 = tpu.memref_slice %arg6[%run_scoped3A_31, %dma_wait3A_76, %dma_wait3A_77] : memref<2x2x128xi32, #tpu.memory_space<vmem>> -> memref<1x2x128xi32, #tpu.memory_space<vmem>>
        %dma_wait3A_79 = tpu.memref_squeeze %dma_wait3A_78 : memref<1x2x128xi32, #tpu.memory_space<vmem>> -> memref<2x128xi32, #tpu.memory_space<vmem>>
        %dma_wait3A_80 = arith.constant 0 : i32
        %dma_wait3A_81 = arith.constant 0 : i32
        %dma_wait3A_82 = tpu.memref_slice %arg3[%add3A_30, %dma_wait3A_80, %dma_wait3A_81] : memref<2560x2x128xi32, #tpu.memory_space<hbm>> -> memref<1x2x128xi32, #tpu.memory_space<hbm>>
        %dma_wait3A_83 = tpu.memref_squeeze %dma_wait3A_82 : memref<1x2x128xi32, #tpu.memory_space<hbm>> -> memref<2x128xi32, #tpu.memory_space<hbm>>
        tpu.wait_dma2 semaphore(%run_scoped3A_52 : memref<!tpu.dma_semaphore, #tpu.memory_space<semaphore_mem>>) src(%dma_wait3A_83 : memref<2x128xi32, #tpu.memory_space<hbm>>) dst(%dma_wait3A_79 : memref<2x128xi32, #tpu.memory_space<vmem>>)
        tpu.yield
      }) : () -> ()
      %dma_start3A_32 = arith.constant 1 : i32
      %dma_start3A_33 = arith.constant 0 : i32
      %dma_start3A_34 = arith.constant 1 : i32
      %dma_start3A_35 = arith.constant 1 : i32
      %dma_start3A_36 = arith.constant 0 : i32
      %dma_start3A_37 = arith.constant 0 : i32
      %dma_start3A_38 = tpu.memref_slice %arg7[%dma_start3A_34, %dma_start3A_36, %dma_start3A_37] : memref<2x128x128xf32, #tpu.memory_space<vmem>> -> memref<1x128x128xf32, #tpu.memory_space<vmem>>
      %dma_start3A_39 = tpu.memref_squeeze %dma_start3A_38 : memref<1x128x128xf32, #tpu.memory_space<vmem>> -> memref<128x128xf32, #tpu.memory_space<vmem>>
      %dma_start3A_40 = arith.constant 0 : i32
      %dma_start3A_41 = tpu.memref_slice %arg6[%dma_start3A_32, %dma_start3A_33, %dma_start3A_40] : memref<2x2x128xi32, #tpu.memory_space<vmem>> -> memref<1x1x128xi32, #tpu.memory_space<vmem>>
      %dma_start3A_42 = tpu.memref_squeeze %dma_start3A_41 : memref<1x1x128xi32, #tpu.memory_space<vmem>> -> memref<128xi32, #tpu.memory_space<vmem>>
      %dma_start3A_43 = arith.constant 0 : i32
      %dma_start3A_44 = arith.constant 0 : i32
      %dma_start3A_45 = tpu.memref_slice %arg2[%dma_start3A_43, %dma_start3A_44] : memref<10112x128xf32, #tpu.memory_space<hbm>> -> memref<10112x128xf32, #tpu.memory_space<hbm>>
      %dma_start3A_46 = tpu.memref_slice %arg9[%dma_start3A_35] : memref<2x!tpu.dma_semaphore, #tpu.memory_space<semaphore_mem>> -> memref<1x!tpu.dma_semaphore, #tpu.memory_space<semaphore_mem>>
      %dma_start3A_47 = tpu.memref_squeeze %dma_start3A_46 : memref<1x!tpu.dma_semaphore, #tpu.memory_space<semaphore_mem>> -> memref<!tpu.dma_semaphore, #tpu.memory_space<semaphore_mem>>
      tpu.enqueue_indirect_dma source(%dma_start3A_45 : memref<10112x128xf32, #tpu.memory_space<hbm>>) target(%dma_start3A_39 : memref<128x128xf32, #tpu.memory_space<vmem>>) offsets(%dma_start3A_42 : memref<128xi32, #tpu.memory_space<vmem>>) semaphore(%dma_start3A_47 : memref<!tpu.dma_semaphore, #tpu.memory_space<semaphore_mem>>)
      %scan3A = arith.constant 0 : i32
      %scan3A_48 = arith.constant 21 : i32
      %scan3A_49 = arith.addi %scan3A, %scan3A_48 : i32
      %scan3A_50 = arith.constant 1 : i32
      scf.for %scan3A_52 = %scan3A to %scan3A_49 step %scan3A_50  : i32 {
        %mul3A_53 = arith.constant 2 : i32
        %mul3A_54 = arith.muli %scan3A_52, %mul3A_53 : i32
        %add3A_55 = arith.constant 0 : i32
        %add3A_56 = arith.addi %add3A_55, %mul3A_54 : i32
        %add3A_57 = arith.constant 0 : i32
        %add3A_58 = arith.addi %add3A_56, %add3A_57 : i32
        %dma_wait3A = arith.constant 0 : i32
        %dma_wait3A_59 = arith.constant 0 : i32
        %dma_wait3A_60 = arith.constant 0 : i32
        %dma_wait3A_61 = arith.constant 0 : i32
        %dma_wait3A_62 = arith.constant 0 : i32
        %dma_wait3A_63 = arith.constant 0 : i32
        %dma_wait3A_64 = tpu.memref_slice %arg7[%dma_wait3A_60, %dma_wait3A_62, %dma_wait3A_63] : memref<2x128x128xf32, #tpu.memory_space<vmem>> -> memref<1x128x128xf32, #tpu.memory_space<vmem>>
        %dma_wait3A_65 = tpu.memref_squeeze %dma_wait3A_64 : memref<1x128x128xf32, #tpu.memory_space<vmem>> -> memref<128x128xf32, #tpu.memory_space<vmem>>
        %dma_wait3A_66 = arith.constant 0 : i32
        %dma_wait3A_67 = tpu.memref_slice %arg6[%dma_wait3A, %dma_wait3A_59, %dma_wait3A_66] : memref<2x2x128xi32, #tpu.memory_space<vmem>> -> memref<1x1x128xi32, #tpu.memory_space<vmem>>
        %dma_wait3A_68 = tpu.memref_squeeze %dma_wait3A_67 : memref<1x1x128xi32, #tpu.memory_space<vmem>> -> memref<128xi32, #tpu.memory_space<vmem>>
        %dma_wait3A_69 = arith.constant 0 : i32
        %dma_wait3A_70 = arith.constant 0 : i32
        %dma_wait3A_71 = tpu.memref_slice %arg2[%dma_wait3A_69, %dma_wait3A_70] : memref<10112x128xf32, #tpu.memory_space<hbm>> -> memref<10112x128xf32, #tpu.memory_space<hbm>>
        %dma_wait3A_72 = tpu.memref_slice %arg9[%dma_wait3A_61] : memref<2x!tpu.dma_semaphore, #tpu.memory_space<semaphore_mem>> -> memref<1x!tpu.dma_semaphore, #tpu.memory_space<semaphore_mem>>
        %dma_wait3A_73 = tpu.memref_squeeze %dma_wait3A_72 : memref<1x!tpu.dma_semaphore, #tpu.memory_space<semaphore_mem>> -> memref<!tpu.dma_semaphore, #tpu.memory_space<semaphore_mem>>
        tpu.wait_indirect_dma semaphore(%dma_wait3A_73 : memref<!tpu.dma_semaphore, #tpu.memory_space<semaphore_mem>>) src(%dma_wait3A_71 : memref<10112x128xf32, #tpu.memory_space<hbm>>) dst(%dma_wait3A_65 : memref<128x128xf32, #tpu.memory_space<vmem>>)
        %run_scoped3A_74 = arith.constant 0 : i32
        %run_scoped3A_75 = arith.constant 0 : i32
        %run_scoped3A_76 = arith.constant 1 : i32
        "tpu.region"() ({
          %run_scoped3A_111 = tpu.sem_alloc : memref<!tpu.dma_semaphore, #tpu.memory_space<semaphore_mem>>
          %dma_start3A_112 = arith.constant 0 : i32
          %dma_start3A_113 = arith.constant 0 : i32
          %dma_start3A_114 = tpu.memref_slice %arg7[%run_scoped3A_74, %dma_start3A_112, %dma_start3A_113] : memref<2x128x128xf32, #tpu.memory_space<vmem>> -> memref<1x128x128xf32, #tpu.memory_space<vmem>>
          %dma_start3A_115 = tpu.memref_squeeze %dma_start3A_114 : memref<1x128x128xf32, #tpu.memory_space<vmem>> -> memref<128x128xf32, #tpu.memory_space<vmem>>
          %dma_start3A_116 = arith.constant 0 : i32
          %dma_start3A_117 = tpu.memref_slice %arg6[%run_scoped3A_75, %run_scoped3A_76, %dma_start3A_116] : memref<2x2x128xi32, #tpu.memory_space<vmem>> -> memref<1x1x128xi32, #tpu.memory_space<vmem>>
          %dma_start3A_118 = tpu.memref_squeeze %dma_start3A_117 : memref<1x1x128xi32, #tpu.memory_space<vmem>> -> memref<128xi32, #tpu.memory_space<vmem>>
          %dma_start3A_119 = arith.constant 0 : i32
          %dma_start3A_120 = arith.constant 0 : i32
          %dma_start3A_121 = tpu.memref_slice %arg8[%dma_start3A_119, %dma_start3A_120] : memref<10112x128xf32, #tpu.memory_space<vmem_shared>> -> memref<10112x128xf32, #tpu.memory_space<vmem_shared>>
          tpu.enqueue_indirect_dma source(%dma_start3A_115 : memref<128x128xf32, #tpu.memory_space<vmem>>) target(%dma_start3A_121 : memref<10112x128xf32, #tpu.memory_space<vmem_shared>>) offsets(%dma_start3A_118 : memref<128xi32, #tpu.memory_space<vmem>>) semaphore(%run_scoped3A_111 : memref<!tpu.dma_semaphore, #tpu.memory_space<semaphore_mem>>) {add = true}
          %dma_wait3A_122 = arith.constant 0 : i32
          %dma_wait3A_123 = arith.constant 0 : i32
          %dma_wait3A_124 = tpu.memref_slice %arg7[%run_scoped3A_74, %dma_wait3A_122, %dma_wait3A_123] : memref<2x128x128xf32, #tpu.memory_space<vmem>> -> memref<1x128x128xf32, #tpu.memory_space<vmem>>
          %dma_wait3A_125 = tpu.memref_squeeze %dma_wait3A_124 : memref<1x128x128xf32, #tpu.memory_space<vmem>> -> memref<128x128xf32, #tpu.memory_space<vmem>>
          %dma_wait3A_126 = arith.constant 0 : i32
          %dma_wait3A_127 = tpu.memref_slice %arg6[%run_scoped3A_75, %run_scoped3A_76, %dma_wait3A_126] : memref<2x2x128xi32, #tpu.memory_space<vmem>> -> memref<1x1x128xi32, #tpu.memory_space<vmem>>
          %dma_wait3A_128 = tpu.memref_squeeze %dma_wait3A_127 : memref<1x1x128xi32, #tpu.memory_space<vmem>> -> memref<128xi32, #tpu.memory_space<vmem>>
          %dma_wait3A_129 = arith.constant 0 : i32
          %dma_wait3A_130 = arith.constant 0 : i32
          %dma_wait3A_131 = tpu.memref_slice %arg8[%dma_wait3A_129, %dma_wait3A_130] : memref<10112x128xf32, #tpu.memory_space<vmem_shared>> -> memref<10112x128xf32, #tpu.memory_space<vmem_shared>>
          tpu.wait_indirect_dma semaphore(%run_scoped3A_111 : memref<!tpu.dma_semaphore, #tpu.memory_space<semaphore_mem>>) src(%dma_wait3A_125 : memref<128x128xf32, #tpu.memory_space<vmem>>) dst(%dma_wait3A_131 : memref<10112x128xf32, #tpu.memory_space<vmem_shared>>)
          tpu.yield
        }) : () -> ()
        %add3A_77 = arith.constant 2 : i32
        %add3A_78 = arith.addi %add3A_58, %add3A_77 : i32
        %lt3A = arith.constant 42 : i32
        %lt3A_79 = arith.cmpi slt, %add3A_78, %lt3A : i32
        %convert_element_type3A_80 = arith.extui %lt3A_79 : i1 to i32
        %cond3A_81 = arith.constant 0 : i32
        %cond3A_82 = arith.cmpi ne, %convert_element_type3A_80, %cond3A_81 : i32
        scf.if %cond3A_82 {
          %add3A_111 = arith.addi %add3A_11, %add3A_78 : i32
          %run_scoped3A_112 = arith.constant 0 : i32
          "tpu.region"() ({
            %run_scoped3A_129 = tpu.sem_alloc : memref<!tpu.dma_semaphore, #tpu.memory_space<semaphore_mem>>
            %dma_start3A_130 = arith.constant 0 : i32
            %dma_start3A_131 = arith.constant 0 : i32
            %dma_start3A_132 = tpu.memref_slice %arg6[%run_scoped3A_112, %dma_start3A_130, %dma_start3A_131] : memref<2x2x128xi32, #tpu.memory_space<vmem>> -> memref<1x2x128xi32, #tpu.memory_space<vmem>>
            %dma_start3A_133 = tpu.memref_squeeze %dma_start3A_132 : memref<1x2x128xi32, #tpu.memory_space<vmem>> -> memref<2x128xi32, #tpu.memory_space<vmem>>
            %dma_start3A_134 = arith.constant 0 : i32
            %dma_start3A_135 = arith.constant 0 : i32
            %dma_start3A_136 = tpu.memref_slice %arg3[%add3A_111, %dma_start3A_134, %dma_start3A_135] : memref<2560x2x128xi32, #tpu.memory_space<hbm>> -> memref<1x2x128xi32, #tpu.memory_space<hbm>>
            %dma_start3A_137 = tpu.memref_squeeze %dma_start3A_136 : memref<1x2x128xi32, #tpu.memory_space<hbm>> -> memref<2x128xi32, #tpu.memory_space<hbm>>
            %dma_start3A_138 = arith.constant 0 : i32
            %dma_start3A_139 = arith.constant 0 : i32
            %dma_start3A_140 = tpu.memref_slice %arg6[%run_scoped3A_112, %dma_start3A_138, %dma_start3A_139] : memref<2x2x128xi32, #tpu.memory_space<vmem>> -> memref<1x2x128xi32, #tpu.memory_space<vmem>>
            %dma_start3A_141 = tpu.memref_squeeze %dma_start3A_140 : memref<1x2x128xi32, #tpu.memory_space<vmem>> -> memref<2x128xi32, #tpu.memory_space<vmem>>
            %dma_start3A_142 = arith.constant 0 : i32
            %dma_start3A_143 = arith.constant 0 : i32
            %dma_start3A_144 = tpu.memref_slice %arg3[%add3A_111, %dma_start3A_142, %dma_start3A_143] : memref<2560x2x128xi32, #tpu.memory_space<hbm>> -> memref<1x2x128xi32, #tpu.memory_space<hbm>>
            %dma_start3A_145 = tpu.memref_squeeze %dma_start3A_144 : memref<1x2x128xi32, #tpu.memory_space<hbm>> -> memref<2x128xi32, #tpu.memory_space<hbm>>
            tpu.enqueue_dma source(%dma_start3A_145 : memref<2x128xi32, #tpu.memory_space<hbm>>) target(%dma_start3A_141 : memref<2x128xi32, #tpu.memory_space<vmem>>) target_semaphore(%run_scoped3A_129 : memref<!tpu.dma_semaphore, #tpu.memory_space<semaphore_mem>>)
            %dma_wait3A_146 = arith.constant 0 : i32
            %dma_wait3A_147 = arith.constant 0 : i32
            %dma_wait3A_148 = tpu.memref_slice %arg6[%run_scoped3A_112, %dma_wait3A_146, %dma_wait3A_147] : memref<2x2x128xi32, #tpu.memory_space<vmem>> -> memref<1x2x128xi32, #tpu.memory_space<vmem>>
            %dma_wait3A_149 = tpu.memref_squeeze %dma_wait3A_148 : memref<1x2x128xi32, #tpu.memory_space<vmem>> -> memref<2x128xi32, #tpu.memory_space<vmem>>
            %dma_wait3A_150 = arith.constant 0 : i32
            %dma_wait3A_151 = arith.constant 0 : i32
            %dma_wait3A_152 = tpu.memref_slice %arg3[%add3A_111, %dma_wait3A_150, %dma_wait3A_151] : memref<2560x2x128xi32, #tpu.memory_space<hbm>> -> memref<1x2x128xi32, #tpu.memory_space<hbm>>
            %dma_wait3A_153 = tpu.memref_squeeze %dma_wait3A_152 : memref<1x2x128xi32, #tpu.memory_space<hbm>> -> memref<2x128xi32, #tpu.memory_space<hbm>>
            %dma_wait3A_154 = arith.constant 0 : i32
            %dma_wait3A_155 = arith.constant 0 : i32
            %dma_wait3A_156 = tpu.memref_slice %arg6[%run_scoped3A_112, %dma_wait3A_154, %dma_wait3A_155] : memref<2x2x128xi32, #tpu.memory_space<vmem>> -> memref<1x2x128xi32, #tpu.memory_space<vmem>>
            %dma_wait3A_157 = tpu.memref_squeeze %dma_wait3A_156 : memref<1x2x128xi32, #tpu.memory_space<vmem>> -> memref<2x128xi32, #tpu.memory_space<vmem>>
            %dma_wait3A_158 = arith.constant 0 : i32
            %dma_wait3A_159 = arith.constant 0 : i32
            %dma_wait3A_160 = tpu.memref_slice %arg3[%add3A_111, %dma_wait3A_158, %dma_wait3A_159] : memref<2560x2x128xi32, #tpu.memory_space<hbm>> -> memref<1x2x128xi32, #tpu.memory_space<hbm>>
            %dma_wait3A_161 = tpu.memref_squeeze %dma_wait3A_160 : memref<1x2x128xi32, #tpu.memory_space<hbm>> -> memref<2x128xi32, #tpu.memory_space<hbm>>
            tpu.wait_dma2 semaphore(%run_scoped3A_129 : memref<!tpu.dma_semaphore, #tpu.memory_space<semaphore_mem>>) src(%dma_wait3A_161 : memref<2x128xi32, #tpu.memory_space<hbm>>) dst(%dma_wait3A_157 : memref<2x128xi32, #tpu.memory_space<vmem>>)
            tpu.yield
          }) : () -> ()
          %dma_start3A_113 = arith.constant 0 : i32
          %dma_start3A_114 = arith.constant 0 : i32
          %dma_start3A_115 = arith.constant 0 : i32
          %dma_start3A_116 = arith.constant 0 : i32
          %dma_start3A_117 = arith.constant 0 : i32
          %dma_start3A_118 = arith.constant 0 : i32
          %dma_start3A_119 = tpu.memref_slice %arg7[%dma_start3A_115, %dma_start3A_117, %dma_start3A_118] : memref<2x128x128xf32, #tpu.memory_space<vmem>> -> memref<1x128x128xf32, #tpu.memory_space<vmem>>
          %dma_start3A_120 = tpu.memref_squeeze %dma_start3A_119 : memref<1x128x128xf32, #tpu.memory_space<vmem>> -> memref<128x128xf32, #tpu.memory_space<vmem>>
          %dma_start3A_121 = arith.constant 0 : i32
          %dma_start3A_122 = tpu.memref_slice %arg6[%dma_start3A_113, %dma_start3A_114, %dma_start3A_121] : memref<2x2x128xi32, #tpu.memory_space<vmem>> -> memref<1x1x128xi32, #tpu.memory_space<vmem>>
          %dma_start3A_123 = tpu.memref_squeeze %dma_start3A_122 : memref<1x1x128xi32, #tpu.memory_space<vmem>> -> memref<128xi32, #tpu.memory_space<vmem>>
          %dma_start3A_124 = arith.constant 0 : i32
          %dma_start3A_125 = arith.constant 0 : i32
          %dma_start3A_126 = tpu.memref_slice %arg2[%dma_start3A_124, %dma_start3A_125] : memref<10112x128xf32, #tpu.memory_space<hbm>> -> memref<10112x128xf32, #tpu.memory_space<hbm>>
          %dma_start3A_127 = tpu.memref_slice %arg9[%dma_start3A_116] : memref<2x!tpu.dma_semaphore, #tpu.memory_space<semaphore_mem>> -> memref<1x!tpu.dma_semaphore, #tpu.memory_space<semaphore_mem>>
          %dma_start3A_128 = tpu.memref_squeeze %dma_start3A_127 : memref<1x!tpu.dma_semaphore, #tpu.memory_space<semaphore_mem>> -> memref<!tpu.dma_semaphore, #tpu.memory_space<semaphore_mem>>
          tpu.enqueue_indirect_dma source(%dma_start3A_126 : memref<10112x128xf32, #tpu.memory_space<hbm>>) target(%dma_start3A_120 : memref<128x128xf32, #tpu.memory_space<vmem>>) offsets(%dma_start3A_123 : memref<128xi32, #tpu.memory_space<vmem>>) semaphore(%dma_start3A_128 : memref<!tpu.dma_semaphore, #tpu.memory_space<semaphore_mem>>)
        } else {
        }
        %add3A_83 = arith.constant 1 : i32
        %add3A_84 = arith.addi %add3A_56, %add3A_83 : i32
        %dma_wait3A_85 = arith.constant 1 : i32
        %dma_wait3A_86 = arith.constant 0 : i32
        %dma_wait3A_87 = arith.constant 1 : i32
        %dma_wait3A_88 = arith.constant 1 : i32
        %dma_wait3A_89 = arith.constant 0 : i32
        %dma_wait3A_90 = arith.constant 0 : i32
        %dma_wait3A_91 = tpu.memref_slice %arg7[%dma_wait3A_87, %dma_wait3A_89, %dma_wait3A_90] : memref<2x128x128xf32, #tpu.memory_space<vmem>> -> memref<1x128x128xf32, #tpu.memory_space<vmem>>
        %dma_wait3A_92 = tpu.memref_squeeze %dma_wait3A_91 : memref<1x128x128xf32, #tpu.memory_space<vmem>> -> memref<128x128xf32, #tpu.memory_space<vmem>>
        %dma_wait3A_93 = arith.constant 0 : i32
        %dma_wait3A_94 = tpu.memref_slice %arg6[%dma_wait3A_85, %dma_wait3A_86, %dma_wait3A_93] : memref<2x2x128xi32, #tpu.memory_space<vmem>> -> memref<1x1x128xi32, #tpu.memory_space<vmem>>
        %dma_wait3A_95 = tpu.memref_squeeze %dma_wait3A_94 : memref<1x1x128xi32, #tpu.memory_space<vmem>> -> memref<128xi32, #tpu.memory_space<vmem>>
        %dma_wait3A_96 = arith.constant 0 : i32
        %dma_wait3A_97 = arith.constant 0 : i32
        %dma_wait3A_98 = tpu.memref_slice %arg2[%dma_wait3A_96, %dma_wait3A_97] : memref<10112x128xf32, #tpu.memory_space<hbm>> -> memref<10112x128xf32, #tpu.memory_space<hbm>>
        %dma_wait3A_99 = tpu.memref_slice %arg9[%dma_wait3A_88] : memref<2x!tpu.dma_semaphore, #tpu.memory_space<semaphore_mem>> -> memref<1x!tpu.dma_semaphore, #tpu.memory_space<semaphore_mem>>
        %dma_wait3A_100 = tpu.memref_squeeze %dma_wait3A_99 : memref<1x!tpu.dma_semaphore, #tpu.memory_space<semaphore_mem>> -> memref<!tpu.dma_semaphore, #tpu.memory_space<semaphore_mem>>
        tpu.wait_indirect_dma semaphore(%dma_wait3A_100 : memref<!tpu.dma_semaphore, #tpu.memory_space<semaphore_mem>>) src(%dma_wait3A_98 : memref<10112x128xf32, #tpu.memory_space<hbm>>) dst(%dma_wait3A_92 : memref<128x128xf32, #tpu.memory_space<vmem>>)
        %run_scoped3A_101 = arith.constant 1 : i32
        %run_scoped3A_102 = arith.constant 1 : i32
        %run_scoped3A_103 = arith.constant 1 : i32
        "tpu.region"() ({
          %run_scoped3A_111 = tpu.sem_alloc : memref<!tpu.dma_semaphore, #tpu.memory_space<semaphore_mem>>
          %dma_start3A_112 = arith.constant 0 : i32
          %dma_start3A_113 = arith.constant 0 : i32
          %dma_start3A_114 = tpu.memref_slice %arg7[%run_scoped3A_101, %dma_start3A_112, %dma_start3A_113] : memref<2x128x128xf32, #tpu.memory_space<vmem>> -> memref<1x128x128xf32, #tpu.memory_space<vmem>>
          %dma_start3A_115 = tpu.memref_squeeze %dma_start3A_114 : memref<1x128x128xf32, #tpu.memory_space<vmem>> -> memref<128x128xf32, #tpu.memory_space<vmem>>
          %dma_start3A_116 = arith.constant 0 : i32
          %dma_start3A_117 = tpu.memref_slice %arg6[%run_scoped3A_102, %run_scoped3A_103, %dma_start3A_116] : memref<2x2x128xi32, #tpu.memory_space<vmem>> -> memref<1x1x128xi32, #tpu.memory_space<vmem>>
          %dma_start3A_118 = tpu.memref_squeeze %dma_start3A_117 : memref<1x1x128xi32, #tpu.memory_space<vmem>> -> memref<128xi32, #tpu.memory_space<vmem>>
          %dma_start3A_119 = arith.constant 0 : i32
          %dma_start3A_120 = arith.constant 0 : i32
          %dma_start3A_121 = tpu.memref_slice %arg8[%dma_start3A_119, %dma_start3A_120] : memref<10112x128xf32, #tpu.memory_space<vmem_shared>> -> memref<10112x128xf32, #tpu.memory_space<vmem_shared>>
          tpu.enqueue_indirect_dma source(%dma_start3A_115 : memref<128x128xf32, #tpu.memory_space<vmem>>) target(%dma_start3A_121 : memref<10112x128xf32, #tpu.memory_space<vmem_shared>>) offsets(%dma_start3A_118 : memref<128xi32, #tpu.memory_space<vmem>>) semaphore(%run_scoped3A_111 : memref<!tpu.dma_semaphore, #tpu.memory_space<semaphore_mem>>) {add = true}
          %dma_wait3A_122 = arith.constant 0 : i32
          %dma_wait3A_123 = arith.constant 0 : i32
          %dma_wait3A_124 = tpu.memref_slice %arg7[%run_scoped3A_101, %dma_wait3A_122, %dma_wait3A_123] : memref<2x128x128xf32, #tpu.memory_space<vmem>> -> memref<1x128x128xf32, #tpu.memory_space<vmem>>
          %dma_wait3A_125 = tpu.memref_squeeze %dma_wait3A_124 : memref<1x128x128xf32, #tpu.memory_space<vmem>> -> memref<128x128xf32, #tpu.memory_space<vmem>>
          %dma_wait3A_126 = arith.constant 0 : i32
          %dma_wait3A_127 = tpu.memref_slice %arg6[%run_scoped3A_102, %run_scoped3A_103, %dma_wait3A_126] : memref<2x2x128xi32, #tpu.memory_space<vmem>> -> memref<1x1x128xi32, #tpu.memory_space<vmem>>
          %dma_wait3A_128 = tpu.memref_squeeze %dma_wait3A_127 : memref<1x1x128xi32, #tpu.memory_space<vmem>> -> memref<128xi32, #tpu.memory_space<vmem>>
          %dma_wait3A_129 = arith.constant 0 : i32
          %dma_wait3A_130 = arith.constant 0 : i32
          %dma_wait3A_131 = tpu.memref_slice %arg8[%dma_wait3A_129, %dma_wait3A_130] : memref<10112x128xf32, #tpu.memory_space<vmem_shared>> -> memref<10112x128xf32, #tpu.memory_space<vmem_shared>>
          tpu.wait_indirect_dma semaphore(%run_scoped3A_111 : memref<!tpu.dma_semaphore, #tpu.memory_space<semaphore_mem>>) src(%dma_wait3A_125 : memref<128x128xf32, #tpu.memory_space<vmem>>) dst(%dma_wait3A_131 : memref<10112x128xf32, #tpu.memory_space<vmem_shared>>)
          tpu.yield
        }) : () -> ()
        %add3A_104 = arith.constant 2 : i32
        %add3A_105 = arith.addi %add3A_84, %add3A_104 : i32
        %lt3A_106 = arith.constant 42 : i32
        %lt3A_107 = arith.cmpi slt, %add3A_105, %lt3A_106 : i32
        %convert_element_type3A_108 = arith.extui %lt3A_107 : i1 to i32
        %cond3A_109 = arith.constant 0 : i32
        %cond3A_110 = arith.cmpi ne, %convert_element_type3A_108, %cond3A_109 : i32
        scf.if %cond3A_110 {
          %add3A_111 = arith.addi %add3A_11, %add3A_105 : i32
          %run_scoped3A_112 = arith.constant 1 : i32
          "tpu.region"() ({
            %run_scoped3A_129 = tpu.sem_alloc : memref<!tpu.dma_semaphore, #tpu.memory_space<semaphore_mem>>
            %dma_start3A_130 = arith.constant 0 : i32
            %dma_start3A_131 = arith.constant 0 : i32
            %dma_start3A_132 = tpu.memref_slice %arg6[%run_scoped3A_112, %dma_start3A_130, %dma_start3A_131] : memref<2x2x128xi32, #tpu.memory_space<vmem>> -> memref<1x2x128xi32, #tpu.memory_space<vmem>>
            %dma_start3A_133 = tpu.memref_squeeze %dma_start3A_132 : memref<1x2x128xi32, #tpu.memory_space<vmem>> -> memref<2x128xi32, #tpu.memory_space<vmem>>
            %dma_start3A_134 = arith.constant 0 : i32
            %dma_start3A_135 = arith.constant 0 : i32
            %dma_start3A_136 = tpu.memref_slice %arg3[%add3A_111, %dma_start3A_134, %dma_start3A_135] : memref<2560x2x128xi32, #tpu.memory_space<hbm>> -> memref<1x2x128xi32, #tpu.memory_space<hbm>>
            %dma_start3A_137 = tpu.memref_squeeze %dma_start3A_136 : memref<1x2x128xi32, #tpu.memory_space<hbm>> -> memref<2x128xi32, #tpu.memory_space<hbm>>
            %dma_start3A_138 = arith.constant 0 : i32
            %dma_start3A_139 = arith.constant 0 : i32
            %dma_start3A_140 = tpu.memref_slice %arg6[%run_scoped3A_112, %dma_start3A_138, %dma_start3A_139] : memref<2x2x128xi32, #tpu.memory_space<vmem>> -> memref<1x2x128xi32, #tpu.memory_space<vmem>>
            %dma_start3A_141 = tpu.memref_squeeze %dma_start3A_140 : memref<1x2x128xi32, #tpu.memory_space<vmem>> -> memref<2x128xi32, #tpu.memory_space<vmem>>
            %dma_start3A_142 = arith.constant 0 : i32
            %dma_start3A_143 = arith.constant 0 : i32
            %dma_start3A_144 = tpu.memref_slice %arg3[%add3A_111, %dma_start3A_142, %dma_start3A_143] : memref<2560x2x128xi32, #tpu.memory_space<hbm>> -> memref<1x2x128xi32, #tpu.memory_space<hbm>>
            %dma_start3A_145 = tpu.memref_squeeze %dma_start3A_144 : memref<1x2x128xi32, #tpu.memory_space<hbm>> -> memref<2x128xi32, #tpu.memory_space<hbm>>
            tpu.enqueue_dma source(%dma_start3A_145 : memref<2x128xi32, #tpu.memory_space<hbm>>) target(%dma_start3A_141 : memref<2x128xi32, #tpu.memory_space<vmem>>) target_semaphore(%run_scoped3A_129 : memref<!tpu.dma_semaphore, #tpu.memory_space<semaphore_mem>>)
            %dma_wait3A_146 = arith.constant 0 : i32
            %dma_wait3A_147 = arith.constant 0 : i32
            %dma_wait3A_148 = tpu.memref_slice %arg6[%run_scoped3A_112, %dma_wait3A_146, %dma_wait3A_147] : memref<2x2x128xi32, #tpu.memory_space<vmem>> -> memref<1x2x128xi32, #tpu.memory_space<vmem>>
            %dma_wait3A_149 = tpu.memref_squeeze %dma_wait3A_148 : memref<1x2x128xi32, #tpu.memory_space<vmem>> -> memref<2x128xi32, #tpu.memory_space<vmem>>
            %dma_wait3A_150 = arith.constant 0 : i32
            %dma_wait3A_151 = arith.constant 0 : i32
            %dma_wait3A_152 = tpu.memref_slice %arg3[%add3A_111, %dma_wait3A_150, %dma_wait3A_151] : memref<2560x2x128xi32, #tpu.memory_space<hbm>> -> memref<1x2x128xi32, #tpu.memory_space<hbm>>
            %dma_wait3A_153 = tpu.memref_squeeze %dma_wait3A_152 : memref<1x2x128xi32, #tpu.memory_space<hbm>> -> memref<2x128xi32, #tpu.memory_space<hbm>>
            %dma_wait3A_154 = arith.constant 0 : i32
            %dma_wait3A_155 = arith.constant 0 : i32
            %dma_wait3A_156 = tpu.memref_slice %arg6[%run_scoped3A_112, %dma_wait3A_154, %dma_wait3A_155] : memref<2x2x128xi32, #tpu.memory_space<vmem>> -> memref<1x2x128xi32, #tpu.memory_space<vmem>>
            %dma_wait3A_157 = tpu.memref_squeeze %dma_wait3A_156 : memref<1x2x128xi32, #tpu.memory_space<vmem>> -> memref<2x128xi32, #tpu.memory_space<vmem>>
            %dma_wait3A_158 = arith.constant 0 : i32
            %dma_wait3A_159 = arith.constant 0 : i32
            %dma_wait3A_160 = tpu.memref_slice %arg3[%add3A_111, %dma_wait3A_158, %dma_wait3A_159] : memref<2560x2x128xi32, #tpu.memory_space<hbm>> -> memref<1x2x128xi32, #tpu.memory_space<hbm>>
            %dma_wait3A_161 = tpu.memref_squeeze %dma_wait3A_160 : memref<1x2x128xi32, #tpu.memory_space<hbm>> -> memref<2x128xi32, #tpu.memory_space<hbm>>
            tpu.wait_dma2 semaphore(%run_scoped3A_129 : memref<!tpu.dma_semaphore, #tpu.memory_space<semaphore_mem>>) src(%dma_wait3A_161 : memref<2x128xi32, #tpu.memory_space<hbm>>) dst(%dma_wait3A_157 : memref<2x128xi32, #tpu.memory_space<vmem>>)
            tpu.yield
          }) : () -> ()
          %dma_start3A_113 = arith.constant 1 : i32
          %dma_start3A_114 = arith.constant 0 : i32
          %dma_start3A_115 = arith.constant 1 : i32
          %dma_start3A_116 = arith.constant 1 : i32
          %dma_start3A_117 = arith.constant 0 : i32
          %dma_start3A_118 = arith.constant 0 : i32
          %dma_start3A_119 = tpu.memref_slice %arg7[%dma_start3A_115, %dma_start3A_117, %dma_start3A_118] : memref<2x128x128xf32, #tpu.memory_space<vmem>> -> memref<1x128x128xf32, #tpu.memory_space<vmem>>
          %dma_start3A_120 = tpu.memref_squeeze %dma_start3A_119 : memref<1x128x128xf32, #tpu.memory_space<vmem>> -> memref<128x128xf32, #tpu.memory_space<vmem>>
          %dma_start3A_121 = arith.constant 0 : i32
          %dma_start3A_122 = tpu.memref_slice %arg6[%dma_start3A_113, %dma_start3A_114, %dma_start3A_121] : memref<2x2x128xi32, #tpu.memory_space<vmem>> -> memref<1x1x128xi32, #tpu.memory_space<vmem>>
          %dma_start3A_123 = tpu.memref_squeeze %dma_start3A_122 : memref<1x1x128xi32, #tpu.memory_space<vmem>> -> memref<128xi32, #tpu.memory_space<vmem>>
          %dma_start3A_124 = arith.constant 0 : i32
          %dma_start3A_125 = arith.constant 0 : i32
          %dma_start3A_126 = tpu.memref_slice %arg2[%dma_start3A_124, %dma_start3A_125] : memref<10112x128xf32, #tpu.memory_space<hbm>> -> memref<10112x128xf32, #tpu.memory_space<hbm>>
          %dma_start3A_127 = tpu.memref_slice %arg9[%dma_start3A_116] : memref<2x!tpu.dma_semaphore, #tpu.memory_space<semaphore_mem>> -> memref<1x!tpu.dma_semaphore, #tpu.memory_space<semaphore_mem>>
          %dma_start3A_128 = tpu.memref_squeeze %dma_start3A_127 : memref<1x!tpu.dma_semaphore, #tpu.memory_space<semaphore_mem>> -> memref<!tpu.dma_semaphore, #tpu.memory_space<semaphore_mem>>
          tpu.enqueue_indirect_dma source(%dma_start3A_126 : memref<10112x128xf32, #tpu.memory_space<hbm>>) target(%dma_start3A_120 : memref<128x128xf32, #tpu.memory_space<vmem>>) offsets(%dma_start3A_123 : memref<128xi32, #tpu.memory_space<vmem>>) semaphore(%dma_start3A_128 : memref<!tpu.dma_semaphore, #tpu.memory_space<semaphore_mem>>)
        } else {
        }
      }
      %scan3A_51 = arith.constant 21 : i32
    } else {
    }
    %barrier3A_8 = arith.constant 0 : index
    tpu.barrier barrier_id(%barrier3A_8)
    "tpu.region"() ({
      %run_scoped3A = tpu.sem_alloc : memref<!tpu.dma_semaphore, #tpu.memory_space<semaphore_mem>>
      %dma_start3A = arith.constant 0 : i32
      %dma_start3A_9 = tpu.memref_slice %arg5[%arg0, %mul3A_0, %dma_start3A] : memref<2x10112x128xf32, #tpu.memory_space<hbm>> -> memref<1x632x128xf32, #tpu.memory_space<hbm>>
      %dma_start3A_10 = tpu.memref_squeeze %dma_start3A_9 : memref<1x632x128xf32, #tpu.memory_space<hbm>> -> memref<632x128xf32, #tpu.memory_space<hbm>>
      %dma_start3A_11 = arith.constant 0 : i32
      %dma_start3A_12 = tpu.memref_slice %arg8[%mul3A_0, %dma_start3A_11] : memref<10112x128xf32, #tpu.memory_space<vmem_shared>> -> memref<632x128xf32, #tpu.memory_space<vmem_shared>>
      tpu.enqueue_dma source(%dma_start3A_12 : memref<632x128xf32, #tpu.memory_space<vmem_shared>>) target(%dma_start3A_10 : memref<632x128xf32, #tpu.memory_space<hbm>>) target_semaphore(%run_scoped3A : memref<!tpu.dma_semaphore, #tpu.memory_space<semaphore_mem>>)
      %dma_wait3A = arith.constant 0 : i32
      %dma_wait3A_13 = tpu.memref_slice %arg5[%arg0, %mul3A_0, %dma_wait3A] : memref<2x10112x128xf32, #tpu.memory_space<hbm>> -> memref<1x632x128xf32, #tpu.memory_space<hbm>>
      %dma_wait3A_14 = tpu.memref_squeeze %dma_wait3A_13 : memref<1x632x128xf32, #tpu.memory_space<hbm>> -> memref<632x128xf32, #tpu.memory_space<hbm>>
      %dma_wait3A_15 = arith.constant 0 : i32
      %dma_wait3A_16 = tpu.memref_slice %arg8[%mul3A_0, %dma_wait3A_15] : memref<10112x128xf32, #tpu.memory_space<vmem_shared>> -> memref<632x128xf32, #tpu.memory_space<vmem_shared>>
      tpu.wait_dma2 semaphore(%run_scoped3A : memref<!tpu.dma_semaphore, #tpu.memory_space<semaphore_mem>>) src(%dma_wait3A_16 : memref<632x128xf32, #tpu.memory_space<vmem_shared>>) dst(%dma_wait3A_14 : memref<632x128xf32, #tpu.memory_space<hbm>>)
      tpu.yield
    }) : () -> ()
    return
  }
}

#map = affine_map<(d0, d1) -> (0, 0)>
#map1 = affine_map<(d0, d1) -> (0, 0, 0)>
module attributes {stable_mosaic.version = 14 : i64} {
  func.func @body(%arg0: i32, %arg1: i32, %arg2: memref<10112x128xf32, #tpu.memory_space<hbm>>, %arg3: memref<2560x2x128xi32, #tpu.memory_space<hbm>>, %arg4: memref<10112x128xf32, #tpu.memory_space<hbm>>, %arg5: memref<2x10112x128xf32, #tpu.memory_space<hbm>>, %arg6: memref<2x2x128xi32, #tpu.memory_space<vmem>>, %arg7: memref<2x128x128xf32, #tpu.memory_space<vmem>>, %arg8: memref<10112x128xf32, #tpu.memory_space<vmem_shared>>, %arg9: memref<2x!tpu.dma_semaphore, #tpu.memory_space<semaphore_mem>>) attributes {dimension_semantics = [#tpu.dimension_semantics<core_parallel>, #tpu.dimension_semantics<subcore_parallel>], iteration_bounds = array<i64: 2, 16>, scalar_prefetch = 0 : i64, scratch_operands = 4 : i64, tpu.core_type = #tpu.core_type<sc_vector_subcore>, window_params = [{transform_indices = #map}, {transform_indices = #map1}, {transform_indices = #map}, {transform_indices = #map1}]} {
    %mul3A = arith.constant 632 : i32
    %mul3A_0 = arith.muli %arg1, %mul3A : i32
    "tpu.region"() ({
      %run_scoped3A = tpu.sem_alloc : memref<!tpu.dma_semaphore, #tpu.memory_space<semaphore_mem>>
      %dma_start3A = arith.constant 0 : i32
      %dma_start3A_9 = tpu.memref_slice %arg8[%mul3A_0, %dma_start3A] : memref<10112x128xf32, #tpu.memory_space<vmem_shared>> -> memref<632x128xf32, #tpu.memory_space<vmem_shared>>
      %dma_start3A_10 = arith.constant 0 : i32
      %dma_start3A_11 = tpu.memref_slice %arg4[%mul3A_0, %dma_start3A_10] : memref<10112x128xf32, #tpu.memory_space<hbm>> -> memref<632x128xf32, #tpu.memory_space<hbm>>
      tpu.enqueue_dma source(%dma_start3A_11 : memref<632x128xf32, #tpu.memory_space<hbm>>) target(%dma_start3A_9 : memref<632x128xf32, #tpu.memory_space<vmem_shared>>) target_semaphore(%run_scoped3A : memref<!tpu.dma_semaphore, #tpu.memory_space<semaphore_mem>>)
      %dma_wait3A = arith.constant 0 : i32
      %dma_wait3A_12 = tpu.memref_slice %arg8[%mul3A_0, %dma_wait3A] : memref<10112x128xf32, #tpu.memory_space<vmem_shared>> -> memref<632x128xf32, #tpu.memory_space<vmem_shared>>
      %dma_wait3A_13 = arith.constant 0 : i32
      %dma_wait3A_14 = tpu.memref_slice %arg4[%mul3A_0, %dma_wait3A_13] : memref<10112x128xf32, #tpu.memory_space<hbm>> -> memref<632x128xf32, #tpu.memory_space<hbm>>
      tpu.wait_dma2 semaphore(%run_scoped3A : memref<!tpu.dma_semaphore, #tpu.memory_space<semaphore_mem>>) src(%dma_wait3A_14 : memref<632x128xf32, #tpu.memory_space<hbm>>) dst(%dma_wait3A_12 : memref<632x128xf32, #tpu.memory_space<vmem_shared>>)
      tpu.yield
    }) : () -> ()
    %barrier3A = arith.constant 0 : index
    tpu.barrier barrier_id(%barrier3A)
    %eq3A = arith.constant 0 : i32
    %eq3A_1 = arith.cmpi eq, %arg0, %eq3A : i32
    %convert_element_type3A = arith.extui %eq3A_1 : i1 to i32
    %cond3A = arith.constant 0 : i32
    %cond3A_2 = arith.cmpi ne, %convert_element_type3A, %cond3A : i32
    scf.if %cond3A_2 {
      %mul3A_9 = arith.constant 118 : i32
      %mul3A_10 = arith.muli %arg1, %mul3A_9 : i32
      %add3A = arith.constant 0 : i32
      %add3A_11 = arith.addi %mul3A_10, %add3A : i32
      %run_scoped3A = arith.constant 0 : i32
      "tpu.region"() ({
        %run_scoped3A_50 = tpu.sem_alloc : memref<!tpu.dma_semaphore, #tpu.memory_space<semaphore_mem>>
        %dma_start3A_51 = arith.constant 0 : i32
        %dma_start3A_52 = arith.constant 0 : i32
        %dma_start3A_53 = tpu.memref_slice %arg6[%run_scoped3A, %dma_start3A_51, %dma_start3A_52] : memref<2x2x128xi32, #tpu.memory_space<vmem>> -> memref<1x2x128xi32, #tpu.memory_space<vmem>>
        %dma_start3A_54 = tpu.memref_squeeze %dma_start3A_53 : memref<1x2x128xi32, #tpu.memory_space<vmem>> -> memref<2x128xi32, #tpu.memory_space<vmem>>
        %dma_start3A_55 = arith.constant 0 : i32
        %dma_start3A_56 = arith.constant 0 : i32
        %dma_start3A_57 = tpu.memref_slice %arg3[%add3A_11, %dma_start3A_55, %dma_start3A_56] : memref<2560x2x128xi32, #tpu.memory_space<hbm>> -> memref<1x2x128xi32, #tpu.memory_space<hbm>>
        %dma_start3A_58 = tpu.memref_squeeze %dma_start3A_57 : memref<1x2x128xi32, #tpu.memory_space<hbm>> -> memref<2x128xi32, #tpu.memory_space<hbm>>
        %dma_start3A_59 = arith.constant 0 : i32
        %dma_start3A_60 = arith.constant 0 : i32
        %dma_start3A_61 = tpu.memref_slice %arg6[%run_scoped3A, %dma_start3A_59, %dma_start3A_60] : memref<2x2x128xi32, #tpu.memory_space<vmem>> -> memref<1x2x128xi32, #tpu.memory_space<vmem>>
        %dma_start3A_62 = tpu.memref_squeeze %dma_start3A_61 : memref<1x2x128xi32, #tpu.memory_space<vmem>> -> memref<2x128xi32, #tpu.memory_space<vmem>>
        %dma_start3A_63 = arith.constant 0 : i32
        %dma_start3A_64 = arith.constant 0 : i32
        %dma_start3A_65 = tpu.memref_slice %arg3[%add3A_11, %dma_start3A_63, %dma_start3A_64] : memref<2560x2x128xi32, #tpu.memory_space<hbm>> -> memref<1x2x128xi32, #tpu.memory_space<hbm>>
        %dma_start3A_66 = tpu.memref_squeeze %dma_start3A_65 : memref<1x2x128xi32, #tpu.memory_space<hbm>> -> memref<2x128xi32, #tpu.memory_space<hbm>>
        tpu.enqueue_dma source(%dma_start3A_66 : memref<2x128xi32, #tpu.memory_space<hbm>>) target(%dma_start3A_62 : memref<2x128xi32, #tpu.memory_space<vmem>>) target_semaphore(%run_scoped3A_50 : memref<!tpu.dma_semaphore, #tpu.memory_space<semaphore_mem>>)
        %dma_wait3A = arith.constant 0 : i32
        %dma_wait3A_67 = arith.constant 0 : i32
        %dma_wait3A_68 = tpu.memref_slice %arg6[%run_scoped3A, %dma_wait3A, %dma_wait3A_67] : memref<2x2x128xi32, #tpu.memory_space<vmem>> -> memref<1x2x128xi32, #tpu.memory_space<vmem>>
        %dma_wait3A_69 = tpu.memref_squeeze %dma_wait3A_68 : memref<1x2x128xi32, #tpu.memory_space<vmem>> -> memref<2x128xi32, #tpu.memory_space<vmem>>
        %dma_wait3A_70 = arith.constant 0 : i32
        %dma_wait3A_71 = arith.constant 0 : i32
        %dma_wait3A_72 = tpu.memref_slice %arg3[%add3A_11, %dma_wait3A_70, %dma_wait3A_71] : memref<2560x2x128xi32, #tpu.memory_space<hbm>> -> memref<1x2x128xi32, #tpu.memory_space<hbm>>
        %dma_wait3A_73 = tpu.memref_squeeze %dma_wait3A_72 : memref<1x2x128xi32, #tpu.memory_space<hbm>> -> memref<2x128xi32, #tpu.memory_space<hbm>>
        %dma_wait3A_74 = arith.constant 0 : i32
        %dma_wait3A_75 = arith.constant 0 : i32
        %dma_wait3A_76 = tpu.memref_slice %arg6[%run_scoped3A, %dma_wait3A_74, %dma_wait3A_75] : memref<2x2x128xi32, #tpu.memory_space<vmem>> -> memref<1x2x128xi32, #tpu.memory_space<vmem>>
        %dma_wait3A_77 = tpu.memref_squeeze %dma_wait3A_76 : memref<1x2x128xi32, #tpu.memory_space<vmem>> -> memref<2x128xi32, #tpu.memory_space<vmem>>
        %dma_wait3A_78 = arith.constant 0 : i32
        %dma_wait3A_79 = arith.constant 0 : i32
        %dma_wait3A_80 = tpu.memref_slice %arg3[%add3A_11, %dma_wait3A_78, %dma_wait3A_79] : memref<2560x2x128xi32, #tpu.memory_space<hbm>> -> memref<1x2x128xi32, #tpu.memory_space<hbm>>
        %dma_wait3A_81 = tpu.memref_squeeze %dma_wait3A_80 : memref<1x2x128xi32, #tpu.memory_space<hbm>> -> memref<2x128xi32, #tpu.memory_space<hbm>>
        tpu.wait_dma2 semaphore(%run_scoped3A_50 : memref<!tpu.dma_semaphore, #tpu.memory_space<semaphore_mem>>) src(%dma_wait3A_81 : memref<2x128xi32, #tpu.memory_space<hbm>>) dst(%dma_wait3A_77 : memref<2x128xi32, #tpu.memory_space<vmem>>)
        tpu.yield
      }) : () -> ()
      %dma_start3A = arith.constant 0 : i32
      %dma_start3A_12 = arith.constant 0 : i32
      %dma_start3A_13 = arith.constant 0 : i32
      %dma_start3A_14 = arith.constant 0 : i32
      %dma_start3A_15 = arith.constant 0 : i32
      %dma_start3A_16 = arith.constant 0 : i32
      %dma_start3A_17 = tpu.memref_slice %arg7[%dma_start3A_13, %dma_start3A_15, %dma_start3A_16] : memref<2x128x128xf32, #tpu.memory_space<vmem>> -> memref<1x128x128xf32, #tpu.memory_space<vmem>>
      %dma_start3A_18 = tpu.memref_squeeze %dma_start3A_17 : memref<1x128x128xf32, #tpu.memory_space<vmem>> -> memref<128x128xf32, #tpu.memory_space<vmem>>
      %dma_start3A_19 = arith.constant 0 : i32
      %dma_start3A_20 = tpu.memref_slice %arg6[%dma_start3A, %dma_start3A_12, %dma_start3A_19] : memref<2x2x128xi32, #tpu.memory_space<vmem>> -> memref<1x1x128xi32, #tpu.memory_space<vmem>>
      %dma_start3A_21 = tpu.memref_squeeze %dma_start3A_20 : memref<1x1x128xi32, #tpu.memory_space<vmem>> -> memref<128xi32, #tpu.memory_space<vmem>>
      %dma_start3A_22 = arith.constant 0 : i32
      %dma_start3A_23 = arith.constant 0 : i32
      %dma_start3A_24 = tpu.memref_slice %arg2[%dma_start3A_22, %dma_start3A_23] : memref<10112x128xf32, #tpu.memory_space<hbm>> -> memref<10112x128xf32, #tpu.memory_space<hbm>>
      %dma_start3A_25 = tpu.memref_slice %arg9[%dma_start3A_14] : memref<2x!tpu.dma_semaphore, #tpu.memory_space<semaphore_mem>> -> memref<1x!tpu.dma_semaphore, #tpu.memory_space<semaphore_mem>>
      %dma_start3A_26 = tpu.memref_squeeze %dma_start3A_25 : memref<1x!tpu.dma_semaphore, #tpu.memory_space<semaphore_mem>> -> memref<!tpu.dma_semaphore, #tpu.memory_space<semaphore_mem>>
      tpu.enqueue_indirect_dma source(%dma_start3A_24 : memref<10112x128xf32, #tpu.memory_space<hbm>>) target(%dma_start3A_18 : memref<128x128xf32, #tpu.memory_space<vmem>>) offsets(%dma_start3A_21 : memref<128xi32, #tpu.memory_space<vmem>>) semaphore(%dma_start3A_26 : memref<!tpu.dma_semaphore, #tpu.memory_space<semaphore_mem>>)
      %add3A_27 = arith.constant 1 : i32
      %add3A_28 = arith.addi %mul3A_10, %add3A_27 : i32
      %run_scoped3A_29 = arith.constant 1 : i32
      "tpu.region"() ({
        %run_scoped3A_50 = tpu.sem_alloc : memref<!tpu.dma_semaphore, #tpu.memory_space<semaphore_mem>>
        %dma_start3A_51 = arith.constant 0 : i32
        %dma_start3A_52 = arith.constant 0 : i32
        %dma_start3A_53 = tpu.memref_slice %arg6[%run_scoped3A_29, %dma_start3A_51, %dma_start3A_52] : memref<2x2x128xi32, #tpu.memory_space<vmem>> -> memref<1x2x128xi32, #tpu.memory_space<vmem>>
        %dma_start3A_54 = tpu.memref_squeeze %dma_start3A_53 : memref<1x2x128xi32, #tpu.memory_space<vmem>> -> memref<2x128xi32, #tpu.memory_space<vmem>>
        %dma_start3A_55 = arith.constant 0 : i32
        %dma_start3A_56 = arith.constant 0 : i32
        %dma_start3A_57 = tpu.memref_slice %arg3[%add3A_28, %dma_start3A_55, %dma_start3A_56] : memref<2560x2x128xi32, #tpu.memory_space<hbm>> -> memref<1x2x128xi32, #tpu.memory_space<hbm>>
        %dma_start3A_58 = tpu.memref_squeeze %dma_start3A_57 : memref<1x2x128xi32, #tpu.memory_space<hbm>> -> memref<2x128xi32, #tpu.memory_space<hbm>>
        %dma_start3A_59 = arith.constant 0 : i32
        %dma_start3A_60 = arith.constant 0 : i32
        %dma_start3A_61 = tpu.memref_slice %arg6[%run_scoped3A_29, %dma_start3A_59, %dma_start3A_60] : memref<2x2x128xi32, #tpu.memory_space<vmem>> -> memref<1x2x128xi32, #tpu.memory_space<vmem>>
        %dma_start3A_62 = tpu.memref_squeeze %dma_start3A_61 : memref<1x2x128xi32, #tpu.memory_space<vmem>> -> memref<2x128xi32, #tpu.memory_space<vmem>>
        %dma_start3A_63 = arith.constant 0 : i32
        %dma_start3A_64 = arith.constant 0 : i32
        %dma_start3A_65 = tpu.memref_slice %arg3[%add3A_28, %dma_start3A_63, %dma_start3A_64] : memref<2560x2x128xi32, #tpu.memory_space<hbm>> -> memref<1x2x128xi32, #tpu.memory_space<hbm>>
        %dma_start3A_66 = tpu.memref_squeeze %dma_start3A_65 : memref<1x2x128xi32, #tpu.memory_space<hbm>> -> memref<2x128xi32, #tpu.memory_space<hbm>>
        tpu.enqueue_dma source(%dma_start3A_66 : memref<2x128xi32, #tpu.memory_space<hbm>>) target(%dma_start3A_62 : memref<2x128xi32, #tpu.memory_space<vmem>>) target_semaphore(%run_scoped3A_50 : memref<!tpu.dma_semaphore, #tpu.memory_space<semaphore_mem>>)
        %dma_wait3A = arith.constant 0 : i32
        %dma_wait3A_67 = arith.constant 0 : i32
        %dma_wait3A_68 = tpu.memref_slice %arg6[%run_scoped3A_29, %dma_wait3A, %dma_wait3A_67] : memref<2x2x128xi32, #tpu.memory_space<vmem>> -> memref<1x2x128xi32, #tpu.memory_space<vmem>>
        %dma_wait3A_69 = tpu.memref_squeeze %dma_wait3A_68 : memref<1x2x128xi32, #tpu.memory_space<vmem>> -> memref<2x128xi32, #tpu.memory_space<vmem>>
        %dma_wait3A_70 = arith.constant 0 : i32
        %dma_wait3A_71 = arith.constant 0 : i32
        %dma_wait3A_72 = tpu.memref_slice %arg3[%add3A_28, %dma_wait3A_70, %dma_wait3A_71] : memref<2560x2x128xi32, #tpu.memory_space<hbm>> -> memref<1x2x128xi32, #tpu.memory_space<hbm>>
        %dma_wait3A_73 = tpu.memref_squeeze %dma_wait3A_72 : memref<1x2x128xi32, #tpu.memory_space<hbm>> -> memref<2x128xi32, #tpu.memory_space<hbm>>
        %dma_wait3A_74 = arith.constant 0 : i32
        %dma_wait3A_75 = arith.constant 0 : i32
        %dma_wait3A_76 = tpu.memref_slice %arg6[%run_scoped3A_29, %dma_wait3A_74, %dma_wait3A_75] : memref<2x2x128xi32, #tpu.memory_space<vmem>> -> memref<1x2x128xi32, #tpu.memory_space<vmem>>
        %dma_wait3A_77 = tpu.memref_squeeze %dma_wait3A_76 : memref<1x2x128xi32, #tpu.memory_space<vmem>> -> memref<2x128xi32, #tpu.memory_space<vmem>>
        %dma_wait3A_78 = arith.constant 0 : i32
        %dma_wait3A_79 = arith.constant 0 : i32
        %dma_wait3A_80 = tpu.memref_slice %arg3[%add3A_28, %dma_wait3A_78, %dma_wait3A_79] : memref<2560x2x128xi32, #tpu.memory_space<hbm>> -> memref<1x2x128xi32, #tpu.memory_space<hbm>>
        %dma_wait3A_81 = tpu.memref_squeeze %dma_wait3A_80 : memref<1x2x128xi32, #tpu.memory_space<hbm>> -> memref<2x128xi32, #tpu.memory_space<hbm>>
        tpu.wait_dma2 semaphore(%run_scoped3A_50 : memref<!tpu.dma_semaphore, #tpu.memory_space<semaphore_mem>>) src(%dma_wait3A_81 : memref<2x128xi32, #tpu.memory_space<hbm>>) dst(%dma_wait3A_77 : memref<2x128xi32, #tpu.memory_space<vmem>>)
        tpu.yield
      }) : () -> ()
      %dma_start3A_30 = arith.constant 1 : i32
      %dma_start3A_31 = arith.constant 0 : i32
      %dma_start3A_32 = arith.constant 1 : i32
      %dma_start3A_33 = arith.constant 1 : i32
      %dma_start3A_34 = arith.constant 0 : i32
      %dma_start3A_35 = arith.constant 0 : i32
      %dma_start3A_36 = tpu.memref_slice %arg7[%dma_start3A_32, %dma_start3A_34, %dma_start3A_35] : memref<2x128x128xf32, #tpu.memory_space<vmem>> -> memref<1x128x128xf32, #tpu.memory_space<vmem>>
      %dma_start3A_37 = tpu.memref_squeeze %dma_start3A_36 : memref<1x128x128xf32, #tpu.memory_space<vmem>> -> memref<128x128xf32, #tpu.memory_space<vmem>>
      %dma_start3A_38 = arith.constant 0 : i32
      %dma_start3A_39 = tpu.memref_slice %arg6[%dma_start3A_30, %dma_start3A_31, %dma_start3A_38] : memref<2x2x128xi32, #tpu.memory_space<vmem>> -> memref<1x1x128xi32, #tpu.memory_space<vmem>>
      %dma_start3A_40 = tpu.memref_squeeze %dma_start3A_39 : memref<1x1x128xi32, #tpu.memory_space<vmem>> -> memref<128xi32, #tpu.memory_space<vmem>>
      %dma_start3A_41 = arith.constant 0 : i32
      %dma_start3A_42 = arith.constant 0 : i32
      %dma_start3A_43 = tpu.memref_slice %arg2[%dma_start3A_41, %dma_start3A_42] : memref<10112x128xf32, #tpu.memory_space<hbm>> -> memref<10112x128xf32, #tpu.memory_space<hbm>>
      %dma_start3A_44 = tpu.memref_slice %arg9[%dma_start3A_33] : memref<2x!tpu.dma_semaphore, #tpu.memory_space<semaphore_mem>> -> memref<1x!tpu.dma_semaphore, #tpu.memory_space<semaphore_mem>>
      %dma_start3A_45 = tpu.memref_squeeze %dma_start3A_44 : memref<1x!tpu.dma_semaphore, #tpu.memory_space<semaphore_mem>> -> memref<!tpu.dma_semaphore, #tpu.memory_space<semaphore_mem>>
      tpu.enqueue_indirect_dma source(%dma_start3A_43 : memref<10112x128xf32, #tpu.memory_space<hbm>>) target(%dma_start3A_37 : memref<128x128xf32, #tpu.memory_space<vmem>>) offsets(%dma_start3A_40 : memref<128xi32, #tpu.memory_space<vmem>>) semaphore(%dma_start3A_45 : memref<!tpu.dma_semaphore, #tpu.memory_space<semaphore_mem>>)
      %scan3A = arith.constant 0 : i32
      %scan3A_46 = arith.constant 59 : i32
      %scan3A_47 = arith.addi %scan3A, %scan3A_46 : i32
      %scan3A_48 = arith.constant 1 : i32
      scf.for %scan3A_50 = %scan3A to %scan3A_47 step %scan3A_48  : i32 {
        %mul3A_51 = arith.constant 2 : i32
        %mul3A_52 = arith.muli %scan3A_50, %mul3A_51 : i32
        %add3A_53 = arith.constant 0 : i32
        %add3A_54 = arith.addi %add3A_53, %mul3A_52 : i32
        %add3A_55 = arith.constant 0 : i32
        %add3A_56 = arith.addi %add3A_54, %add3A_55 : i32
        %dma_wait3A = arith.constant 0 : i32
        %dma_wait3A_57 = arith.constant 0 : i32
        %dma_wait3A_58 = arith.constant 0 : i32
        %dma_wait3A_59 = arith.constant 0 : i32
        %dma_wait3A_60 = arith.constant 0 : i32
        %dma_wait3A_61 = arith.constant 0 : i32
        %dma_wait3A_62 = tpu.memref_slice %arg7[%dma_wait3A_58, %dma_wait3A_60, %dma_wait3A_61] : memref<2x128x128xf32, #tpu.memory_space<vmem>> -> memref<1x128x128xf32, #tpu.memory_space<vmem>>
        %dma_wait3A_63 = tpu.memref_squeeze %dma_wait3A_62 : memref<1x128x128xf32, #tpu.memory_space<vmem>> -> memref<128x128xf32, #tpu.memory_space<vmem>>
        %dma_wait3A_64 = arith.constant 0 : i32
        %dma_wait3A_65 = tpu.memref_slice %arg6[%dma_wait3A, %dma_wait3A_57, %dma_wait3A_64] : memref<2x2x128xi32, #tpu.memory_space<vmem>> -> memref<1x1x128xi32, #tpu.memory_space<vmem>>
        %dma_wait3A_66 = tpu.memref_squeeze %dma_wait3A_65 : memref<1x1x128xi32, #tpu.memory_space<vmem>> -> memref<128xi32, #tpu.memory_space<vmem>>
        %dma_wait3A_67 = arith.constant 0 : i32
        %dma_wait3A_68 = arith.constant 0 : i32
        %dma_wait3A_69 = tpu.memref_slice %arg2[%dma_wait3A_67, %dma_wait3A_68] : memref<10112x128xf32, #tpu.memory_space<hbm>> -> memref<10112x128xf32, #tpu.memory_space<hbm>>
        %dma_wait3A_70 = tpu.memref_slice %arg9[%dma_wait3A_59] : memref<2x!tpu.dma_semaphore, #tpu.memory_space<semaphore_mem>> -> memref<1x!tpu.dma_semaphore, #tpu.memory_space<semaphore_mem>>
        %dma_wait3A_71 = tpu.memref_squeeze %dma_wait3A_70 : memref<1x!tpu.dma_semaphore, #tpu.memory_space<semaphore_mem>> -> memref<!tpu.dma_semaphore, #tpu.memory_space<semaphore_mem>>
        tpu.wait_indirect_dma semaphore(%dma_wait3A_71 : memref<!tpu.dma_semaphore, #tpu.memory_space<semaphore_mem>>) src(%dma_wait3A_69 : memref<10112x128xf32, #tpu.memory_space<hbm>>) dst(%dma_wait3A_63 : memref<128x128xf32, #tpu.memory_space<vmem>>)
        %run_scoped3A_72 = arith.constant 0 : i32
        %run_scoped3A_73 = arith.constant 0 : i32
        %run_scoped3A_74 = arith.constant 1 : i32
        "tpu.region"() ({
          %run_scoped3A_109 = tpu.sem_alloc : memref<!tpu.dma_semaphore, #tpu.memory_space<semaphore_mem>>
          %dma_start3A_110 = arith.constant 0 : i32
          %dma_start3A_111 = arith.constant 0 : i32
          %dma_start3A_112 = tpu.memref_slice %arg7[%run_scoped3A_72, %dma_start3A_110, %dma_start3A_111] : memref<2x128x128xf32, #tpu.memory_space<vmem>> -> memref<1x128x128xf32, #tpu.memory_space<vmem>>
          %dma_start3A_113 = tpu.memref_squeeze %dma_start3A_112 : memref<1x128x128xf32, #tpu.memory_space<vmem>> -> memref<128x128xf32, #tpu.memory_space<vmem>>
          %dma_start3A_114 = arith.constant 0 : i32
          %dma_start3A_115 = tpu.memref_slice %arg6[%run_scoped3A_73, %run_scoped3A_74, %dma_start3A_114] : memref<2x2x128xi32, #tpu.memory_space<vmem>> -> memref<1x1x128xi32, #tpu.memory_space<vmem>>
          %dma_start3A_116 = tpu.memref_squeeze %dma_start3A_115 : memref<1x1x128xi32, #tpu.memory_space<vmem>> -> memref<128xi32, #tpu.memory_space<vmem>>
          %dma_start3A_117 = arith.constant 0 : i32
          %dma_start3A_118 = arith.constant 0 : i32
          %dma_start3A_119 = tpu.memref_slice %arg8[%dma_start3A_117, %dma_start3A_118] : memref<10112x128xf32, #tpu.memory_space<vmem_shared>> -> memref<10112x128xf32, #tpu.memory_space<vmem_shared>>
          tpu.enqueue_indirect_dma source(%dma_start3A_113 : memref<128x128xf32, #tpu.memory_space<vmem>>) target(%dma_start3A_119 : memref<10112x128xf32, #tpu.memory_space<vmem_shared>>) offsets(%dma_start3A_116 : memref<128xi32, #tpu.memory_space<vmem>>) semaphore(%run_scoped3A_109 : memref<!tpu.dma_semaphore, #tpu.memory_space<semaphore_mem>>) {add = true}
          %dma_wait3A_120 = arith.constant 0 : i32
          %dma_wait3A_121 = arith.constant 0 : i32
          %dma_wait3A_122 = tpu.memref_slice %arg7[%run_scoped3A_72, %dma_wait3A_120, %dma_wait3A_121] : memref<2x128x128xf32, #tpu.memory_space<vmem>> -> memref<1x128x128xf32, #tpu.memory_space<vmem>>
          %dma_wait3A_123 = tpu.memref_squeeze %dma_wait3A_122 : memref<1x128x128xf32, #tpu.memory_space<vmem>> -> memref<128x128xf32, #tpu.memory_space<vmem>>
          %dma_wait3A_124 = arith.constant 0 : i32
          %dma_wait3A_125 = tpu.memref_slice %arg6[%run_scoped3A_73, %run_scoped3A_74, %dma_wait3A_124] : memref<2x2x128xi32, #tpu.memory_space<vmem>> -> memref<1x1x128xi32, #tpu.memory_space<vmem>>
          %dma_wait3A_126 = tpu.memref_squeeze %dma_wait3A_125 : memref<1x1x128xi32, #tpu.memory_space<vmem>> -> memref<128xi32, #tpu.memory_space<vmem>>
          %dma_wait3A_127 = arith.constant 0 : i32
          %dma_wait3A_128 = arith.constant 0 : i32
          %dma_wait3A_129 = tpu.memref_slice %arg8[%dma_wait3A_127, %dma_wait3A_128] : memref<10112x128xf32, #tpu.memory_space<vmem_shared>> -> memref<10112x128xf32, #tpu.memory_space<vmem_shared>>
          tpu.wait_indirect_dma semaphore(%run_scoped3A_109 : memref<!tpu.dma_semaphore, #tpu.memory_space<semaphore_mem>>) src(%dma_wait3A_123 : memref<128x128xf32, #tpu.memory_space<vmem>>) dst(%dma_wait3A_129 : memref<10112x128xf32, #tpu.memory_space<vmem_shared>>)
          tpu.yield
        }) : () -> ()
        %add3A_75 = arith.constant 2 : i32
        %add3A_76 = arith.addi %add3A_56, %add3A_75 : i32
        %lt3A = arith.constant 118 : i32
        %lt3A_77 = arith.cmpi slt, %add3A_76, %lt3A : i32
        %convert_element_type3A_78 = arith.extui %lt3A_77 : i1 to i32
        %cond3A_79 = arith.constant 0 : i32
        %cond3A_80 = arith.cmpi ne, %convert_element_type3A_78, %cond3A_79 : i32
        scf.if %cond3A_80 {
          %add3A_109 = arith.addi %mul3A_10, %add3A_76 : i32
          %run_scoped3A_110 = arith.constant 0 : i32
          "tpu.region"() ({
            %run_scoped3A_127 = tpu.sem_alloc : memref<!tpu.dma_semaphore, #tpu.memory_space<semaphore_mem>>
            %dma_start3A_128 = arith.constant 0 : i32
            %dma_start3A_129 = arith.constant 0 : i32
            %dma_start3A_130 = tpu.memref_slice %arg6[%run_scoped3A_110, %dma_start3A_128, %dma_start3A_129] : memref<2x2x128xi32, #tpu.memory_space<vmem>> -> memref<1x2x128xi32, #tpu.memory_space<vmem>>
            %dma_start3A_131 = tpu.memref_squeeze %dma_start3A_130 : memref<1x2x128xi32, #tpu.memory_space<vmem>> -> memref<2x128xi32, #tpu.memory_space<vmem>>
            %dma_start3A_132 = arith.constant 0 : i32
            %dma_start3A_133 = arith.constant 0 : i32
            %dma_start3A_134 = tpu.memref_slice %arg3[%add3A_109, %dma_start3A_132, %dma_start3A_133] : memref<2560x2x128xi32, #tpu.memory_space<hbm>> -> memref<1x2x128xi32, #tpu.memory_space<hbm>>
            %dma_start3A_135 = tpu.memref_squeeze %dma_start3A_134 : memref<1x2x128xi32, #tpu.memory_space<hbm>> -> memref<2x128xi32, #tpu.memory_space<hbm>>
            %dma_start3A_136 = arith.constant 0 : i32
            %dma_start3A_137 = arith.constant 0 : i32
            %dma_start3A_138 = tpu.memref_slice %arg6[%run_scoped3A_110, %dma_start3A_136, %dma_start3A_137] : memref<2x2x128xi32, #tpu.memory_space<vmem>> -> memref<1x2x128xi32, #tpu.memory_space<vmem>>
            %dma_start3A_139 = tpu.memref_squeeze %dma_start3A_138 : memref<1x2x128xi32, #tpu.memory_space<vmem>> -> memref<2x128xi32, #tpu.memory_space<vmem>>
            %dma_start3A_140 = arith.constant 0 : i32
            %dma_start3A_141 = arith.constant 0 : i32
            %dma_start3A_142 = tpu.memref_slice %arg3[%add3A_109, %dma_start3A_140, %dma_start3A_141] : memref<2560x2x128xi32, #tpu.memory_space<hbm>> -> memref<1x2x128xi32, #tpu.memory_space<hbm>>
            %dma_start3A_143 = tpu.memref_squeeze %dma_start3A_142 : memref<1x2x128xi32, #tpu.memory_space<hbm>> -> memref<2x128xi32, #tpu.memory_space<hbm>>
            tpu.enqueue_dma source(%dma_start3A_143 : memref<2x128xi32, #tpu.memory_space<hbm>>) target(%dma_start3A_139 : memref<2x128xi32, #tpu.memory_space<vmem>>) target_semaphore(%run_scoped3A_127 : memref<!tpu.dma_semaphore, #tpu.memory_space<semaphore_mem>>)
            %dma_wait3A_144 = arith.constant 0 : i32
            %dma_wait3A_145 = arith.constant 0 : i32
            %dma_wait3A_146 = tpu.memref_slice %arg6[%run_scoped3A_110, %dma_wait3A_144, %dma_wait3A_145] : memref<2x2x128xi32, #tpu.memory_space<vmem>> -> memref<1x2x128xi32, #tpu.memory_space<vmem>>
            %dma_wait3A_147 = tpu.memref_squeeze %dma_wait3A_146 : memref<1x2x128xi32, #tpu.memory_space<vmem>> -> memref<2x128xi32, #tpu.memory_space<vmem>>
            %dma_wait3A_148 = arith.constant 0 : i32
            %dma_wait3A_149 = arith.constant 0 : i32
            %dma_wait3A_150 = tpu.memref_slice %arg3[%add3A_109, %dma_wait3A_148, %dma_wait3A_149] : memref<2560x2x128xi32, #tpu.memory_space<hbm>> -> memref<1x2x128xi32, #tpu.memory_space<hbm>>
            %dma_wait3A_151 = tpu.memref_squeeze %dma_wait3A_150 : memref<1x2x128xi32, #tpu.memory_space<hbm>> -> memref<2x128xi32, #tpu.memory_space<hbm>>
            %dma_wait3A_152 = arith.constant 0 : i32
            %dma_wait3A_153 = arith.constant 0 : i32
            %dma_wait3A_154 = tpu.memref_slice %arg6[%run_scoped3A_110, %dma_wait3A_152, %dma_wait3A_153] : memref<2x2x128xi32, #tpu.memory_space<vmem>> -> memref<1x2x128xi32, #tpu.memory_space<vmem>>
            %dma_wait3A_155 = tpu.memref_squeeze %dma_wait3A_154 : memref<1x2x128xi32, #tpu.memory_space<vmem>> -> memref<2x128xi32, #tpu.memory_space<vmem>>
            %dma_wait3A_156 = arith.constant 0 : i32
            %dma_wait3A_157 = arith.constant 0 : i32
            %dma_wait3A_158 = tpu.memref_slice %arg3[%add3A_109, %dma_wait3A_156, %dma_wait3A_157] : memref<2560x2x128xi32, #tpu.memory_space<hbm>> -> memref<1x2x128xi32, #tpu.memory_space<hbm>>
            %dma_wait3A_159 = tpu.memref_squeeze %dma_wait3A_158 : memref<1x2x128xi32, #tpu.memory_space<hbm>> -> memref<2x128xi32, #tpu.memory_space<hbm>>
            tpu.wait_dma2 semaphore(%run_scoped3A_127 : memref<!tpu.dma_semaphore, #tpu.memory_space<semaphore_mem>>) src(%dma_wait3A_159 : memref<2x128xi32, #tpu.memory_space<hbm>>) dst(%dma_wait3A_155 : memref<2x128xi32, #tpu.memory_space<vmem>>)
            tpu.yield
          }) : () -> ()
          %dma_start3A_111 = arith.constant 0 : i32
          %dma_start3A_112 = arith.constant 0 : i32
          %dma_start3A_113 = arith.constant 0 : i32
          %dma_start3A_114 = arith.constant 0 : i32
          %dma_start3A_115 = arith.constant 0 : i32
          %dma_start3A_116 = arith.constant 0 : i32
          %dma_start3A_117 = tpu.memref_slice %arg7[%dma_start3A_113, %dma_start3A_115, %dma_start3A_116] : memref<2x128x128xf32, #tpu.memory_space<vmem>> -> memref<1x128x128xf32, #tpu.memory_space<vmem>>
          %dma_start3A_118 = tpu.memref_squeeze %dma_start3A_117 : memref<1x128x128xf32, #tpu.memory_space<vmem>> -> memref<128x128xf32, #tpu.memory_space<vmem>>
          %dma_start3A_119 = arith.constant 0 : i32
          %dma_start3A_120 = tpu.memref_slice %arg6[%dma_start3A_111, %dma_start3A_112, %dma_start3A_119] : memref<2x2x128xi32, #tpu.memory_space<vmem>> -> memref<1x1x128xi32, #tpu.memory_space<vmem>>
          %dma_start3A_121 = tpu.memref_squeeze %dma_start3A_120 : memref<1x1x128xi32, #tpu.memory_space<vmem>> -> memref<128xi32, #tpu.memory_space<vmem>>
          %dma_start3A_122 = arith.constant 0 : i32
          %dma_start3A_123 = arith.constant 0 : i32
          %dma_start3A_124 = tpu.memref_slice %arg2[%dma_start3A_122, %dma_start3A_123] : memref<10112x128xf32, #tpu.memory_space<hbm>> -> memref<10112x128xf32, #tpu.memory_space<hbm>>
          %dma_start3A_125 = tpu.memref_slice %arg9[%dma_start3A_114] : memref<2x!tpu.dma_semaphore, #tpu.memory_space<semaphore_mem>> -> memref<1x!tpu.dma_semaphore, #tpu.memory_space<semaphore_mem>>
          %dma_start3A_126 = tpu.memref_squeeze %dma_start3A_125 : memref<1x!tpu.dma_semaphore, #tpu.memory_space<semaphore_mem>> -> memref<!tpu.dma_semaphore, #tpu.memory_space<semaphore_mem>>
          tpu.enqueue_indirect_dma source(%dma_start3A_124 : memref<10112x128xf32, #tpu.memory_space<hbm>>) target(%dma_start3A_118 : memref<128x128xf32, #tpu.memory_space<vmem>>) offsets(%dma_start3A_121 : memref<128xi32, #tpu.memory_space<vmem>>) semaphore(%dma_start3A_126 : memref<!tpu.dma_semaphore, #tpu.memory_space<semaphore_mem>>)
        } else {
        }
        %add3A_81 = arith.constant 1 : i32
        %add3A_82 = arith.addi %add3A_54, %add3A_81 : i32
        %dma_wait3A_83 = arith.constant 1 : i32
        %dma_wait3A_84 = arith.constant 0 : i32
        %dma_wait3A_85 = arith.constant 1 : i32
        %dma_wait3A_86 = arith.constant 1 : i32
        %dma_wait3A_87 = arith.constant 0 : i32
        %dma_wait3A_88 = arith.constant 0 : i32
        %dma_wait3A_89 = tpu.memref_slice %arg7[%dma_wait3A_85, %dma_wait3A_87, %dma_wait3A_88] : memref<2x128x128xf32, #tpu.memory_space<vmem>> -> memref<1x128x128xf32, #tpu.memory_space<vmem>>
        %dma_wait3A_90 = tpu.memref_squeeze %dma_wait3A_89 : memref<1x128x128xf32, #tpu.memory_space<vmem>> -> memref<128x128xf32, #tpu.memory_space<vmem>>
        %dma_wait3A_91 = arith.constant 0 : i32
        %dma_wait3A_92 = tpu.memref_slice %arg6[%dma_wait3A_83, %dma_wait3A_84, %dma_wait3A_91] : memref<2x2x128xi32, #tpu.memory_space<vmem>> -> memref<1x1x128xi32, #tpu.memory_space<vmem>>
        %dma_wait3A_93 = tpu.memref_squeeze %dma_wait3A_92 : memref<1x1x128xi32, #tpu.memory_space<vmem>> -> memref<128xi32, #tpu.memory_space<vmem>>
        %dma_wait3A_94 = arith.constant 0 : i32
        %dma_wait3A_95 = arith.constant 0 : i32
        %dma_wait3A_96 = tpu.memref_slice %arg2[%dma_wait3A_94, %dma_wait3A_95] : memref<10112x128xf32, #tpu.memory_space<hbm>> -> memref<10112x128xf32, #tpu.memory_space<hbm>>
        %dma_wait3A_97 = tpu.memref_slice %arg9[%dma_wait3A_86] : memref<2x!tpu.dma_semaphore, #tpu.memory_space<semaphore_mem>> -> memref<1x!tpu.dma_semaphore, #tpu.memory_space<semaphore_mem>>
        %dma_wait3A_98 = tpu.memref_squeeze %dma_wait3A_97 : memref<1x!tpu.dma_semaphore, #tpu.memory_space<semaphore_mem>> -> memref<!tpu.dma_semaphore, #tpu.memory_space<semaphore_mem>>
        tpu.wait_indirect_dma semaphore(%dma_wait3A_98 : memref<!tpu.dma_semaphore, #tpu.memory_space<semaphore_mem>>) src(%dma_wait3A_96 : memref<10112x128xf32, #tpu.memory_space<hbm>>) dst(%dma_wait3A_90 : memref<128x128xf32, #tpu.memory_space<vmem>>)
        %run_scoped3A_99 = arith.constant 1 : i32
        %run_scoped3A_100 = arith.constant 1 : i32
        %run_scoped3A_101 = arith.constant 1 : i32
        "tpu.region"() ({
          %run_scoped3A_109 = tpu.sem_alloc : memref<!tpu.dma_semaphore, #tpu.memory_space<semaphore_mem>>
          %dma_start3A_110 = arith.constant 0 : i32
          %dma_start3A_111 = arith.constant 0 : i32
          %dma_start3A_112 = tpu.memref_slice %arg7[%run_scoped3A_99, %dma_start3A_110, %dma_start3A_111] : memref<2x128x128xf32, #tpu.memory_space<vmem>> -> memref<1x128x128xf32, #tpu.memory_space<vmem>>
          %dma_start3A_113 = tpu.memref_squeeze %dma_start3A_112 : memref<1x128x128xf32, #tpu.memory_space<vmem>> -> memref<128x128xf32, #tpu.memory_space<vmem>>
          %dma_start3A_114 = arith.constant 0 : i32
          %dma_start3A_115 = tpu.memref_slice %arg6[%run_scoped3A_100, %run_scoped3A_101, %dma_start3A_114] : memref<2x2x128xi32, #tpu.memory_space<vmem>> -> memref<1x1x128xi32, #tpu.memory_space<vmem>>
          %dma_start3A_116 = tpu.memref_squeeze %dma_start3A_115 : memref<1x1x128xi32, #tpu.memory_space<vmem>> -> memref<128xi32, #tpu.memory_space<vmem>>
          %dma_start3A_117 = arith.constant 0 : i32
          %dma_start3A_118 = arith.constant 0 : i32
          %dma_start3A_119 = tpu.memref_slice %arg8[%dma_start3A_117, %dma_start3A_118] : memref<10112x128xf32, #tpu.memory_space<vmem_shared>> -> memref<10112x128xf32, #tpu.memory_space<vmem_shared>>
          tpu.enqueue_indirect_dma source(%dma_start3A_113 : memref<128x128xf32, #tpu.memory_space<vmem>>) target(%dma_start3A_119 : memref<10112x128xf32, #tpu.memory_space<vmem_shared>>) offsets(%dma_start3A_116 : memref<128xi32, #tpu.memory_space<vmem>>) semaphore(%run_scoped3A_109 : memref<!tpu.dma_semaphore, #tpu.memory_space<semaphore_mem>>) {add = true}
          %dma_wait3A_120 = arith.constant 0 : i32
          %dma_wait3A_121 = arith.constant 0 : i32
          %dma_wait3A_122 = tpu.memref_slice %arg7[%run_scoped3A_99, %dma_wait3A_120, %dma_wait3A_121] : memref<2x128x128xf32, #tpu.memory_space<vmem>> -> memref<1x128x128xf32, #tpu.memory_space<vmem>>
          %dma_wait3A_123 = tpu.memref_squeeze %dma_wait3A_122 : memref<1x128x128xf32, #tpu.memory_space<vmem>> -> memref<128x128xf32, #tpu.memory_space<vmem>>
          %dma_wait3A_124 = arith.constant 0 : i32
          %dma_wait3A_125 = tpu.memref_slice %arg6[%run_scoped3A_100, %run_scoped3A_101, %dma_wait3A_124] : memref<2x2x128xi32, #tpu.memory_space<vmem>> -> memref<1x1x128xi32, #tpu.memory_space<vmem>>
          %dma_wait3A_126 = tpu.memref_squeeze %dma_wait3A_125 : memref<1x1x128xi32, #tpu.memory_space<vmem>> -> memref<128xi32, #tpu.memory_space<vmem>>
          %dma_wait3A_127 = arith.constant 0 : i32
          %dma_wait3A_128 = arith.constant 0 : i32
          %dma_wait3A_129 = tpu.memref_slice %arg8[%dma_wait3A_127, %dma_wait3A_128] : memref<10112x128xf32, #tpu.memory_space<vmem_shared>> -> memref<10112x128xf32, #tpu.memory_space<vmem_shared>>
          tpu.wait_indirect_dma semaphore(%run_scoped3A_109 : memref<!tpu.dma_semaphore, #tpu.memory_space<semaphore_mem>>) src(%dma_wait3A_123 : memref<128x128xf32, #tpu.memory_space<vmem>>) dst(%dma_wait3A_129 : memref<10112x128xf32, #tpu.memory_space<vmem_shared>>)
          tpu.yield
        }) : () -> ()
        %add3A_102 = arith.constant 2 : i32
        %add3A_103 = arith.addi %add3A_82, %add3A_102 : i32
        %lt3A_104 = arith.constant 118 : i32
        %lt3A_105 = arith.cmpi slt, %add3A_103, %lt3A_104 : i32
        %convert_element_type3A_106 = arith.extui %lt3A_105 : i1 to i32
        %cond3A_107 = arith.constant 0 : i32
        %cond3A_108 = arith.cmpi ne, %convert_element_type3A_106, %cond3A_107 : i32
        scf.if %cond3A_108 {
          %add3A_109 = arith.addi %mul3A_10, %add3A_103 : i32
          %run_scoped3A_110 = arith.constant 1 : i32
          "tpu.region"() ({
            %run_scoped3A_127 = tpu.sem_alloc : memref<!tpu.dma_semaphore, #tpu.memory_space<semaphore_mem>>
            %dma_start3A_128 = arith.constant 0 : i32
            %dma_start3A_129 = arith.constant 0 : i32
            %dma_start3A_130 = tpu.memref_slice %arg6[%run_scoped3A_110, %dma_start3A_128, %dma_start3A_129] : memref<2x2x128xi32, #tpu.memory_space<vmem>> -> memref<1x2x128xi32, #tpu.memory_space<vmem>>
            %dma_start3A_131 = tpu.memref_squeeze %dma_start3A_130 : memref<1x2x128xi32, #tpu.memory_space<vmem>> -> memref<2x128xi32, #tpu.memory_space<vmem>>
            %dma_start3A_132 = arith.constant 0 : i32
            %dma_start3A_133 = arith.constant 0 : i32
            %dma_start3A_134 = tpu.memref_slice %arg3[%add3A_109, %dma_start3A_132, %dma_start3A_133] : memref<2560x2x128xi32, #tpu.memory_space<hbm>> -> memref<1x2x128xi32, #tpu.memory_space<hbm>>
            %dma_start3A_135 = tpu.memref_squeeze %dma_start3A_134 : memref<1x2x128xi32, #tpu.memory_space<hbm>> -> memref<2x128xi32, #tpu.memory_space<hbm>>
            %dma_start3A_136 = arith.constant 0 : i32
            %dma_start3A_137 = arith.constant 0 : i32
            %dma_start3A_138 = tpu.memref_slice %arg6[%run_scoped3A_110, %dma_start3A_136, %dma_start3A_137] : memref<2x2x128xi32, #tpu.memory_space<vmem>> -> memref<1x2x128xi32, #tpu.memory_space<vmem>>
            %dma_start3A_139 = tpu.memref_squeeze %dma_start3A_138 : memref<1x2x128xi32, #tpu.memory_space<vmem>> -> memref<2x128xi32, #tpu.memory_space<vmem>>
            %dma_start3A_140 = arith.constant 0 : i32
            %dma_start3A_141 = arith.constant 0 : i32
            %dma_start3A_142 = tpu.memref_slice %arg3[%add3A_109, %dma_start3A_140, %dma_start3A_141] : memref<2560x2x128xi32, #tpu.memory_space<hbm>> -> memref<1x2x128xi32, #tpu.memory_space<hbm>>
            %dma_start3A_143 = tpu.memref_squeeze %dma_start3A_142 : memref<1x2x128xi32, #tpu.memory_space<hbm>> -> memref<2x128xi32, #tpu.memory_space<hbm>>
            tpu.enqueue_dma source(%dma_start3A_143 : memref<2x128xi32, #tpu.memory_space<hbm>>) target(%dma_start3A_139 : memref<2x128xi32, #tpu.memory_space<vmem>>) target_semaphore(%run_scoped3A_127 : memref<!tpu.dma_semaphore, #tpu.memory_space<semaphore_mem>>)
            %dma_wait3A_144 = arith.constant 0 : i32
            %dma_wait3A_145 = arith.constant 0 : i32
            %dma_wait3A_146 = tpu.memref_slice %arg6[%run_scoped3A_110, %dma_wait3A_144, %dma_wait3A_145] : memref<2x2x128xi32, #tpu.memory_space<vmem>> -> memref<1x2x128xi32, #tpu.memory_space<vmem>>
            %dma_wait3A_147 = tpu.memref_squeeze %dma_wait3A_146 : memref<1x2x128xi32, #tpu.memory_space<vmem>> -> memref<2x128xi32, #tpu.memory_space<vmem>>
            %dma_wait3A_148 = arith.constant 0 : i32
            %dma_wait3A_149 = arith.constant 0 : i32
            %dma_wait3A_150 = tpu.memref_slice %arg3[%add3A_109, %dma_wait3A_148, %dma_wait3A_149] : memref<2560x2x128xi32, #tpu.memory_space<hbm>> -> memref<1x2x128xi32, #tpu.memory_space<hbm>>
            %dma_wait3A_151 = tpu.memref_squeeze %dma_wait3A_150 : memref<1x2x128xi32, #tpu.memory_space<hbm>> -> memref<2x128xi32, #tpu.memory_space<hbm>>
            %dma_wait3A_152 = arith.constant 0 : i32
            %dma_wait3A_153 = arith.constant 0 : i32
            %dma_wait3A_154 = tpu.memref_slice %arg6[%run_scoped3A_110, %dma_wait3A_152, %dma_wait3A_153] : memref<2x2x128xi32, #tpu.memory_space<vmem>> -> memref<1x2x128xi32, #tpu.memory_space<vmem>>
            %dma_wait3A_155 = tpu.memref_squeeze %dma_wait3A_154 : memref<1x2x128xi32, #tpu.memory_space<vmem>> -> memref<2x128xi32, #tpu.memory_space<vmem>>
            %dma_wait3A_156 = arith.constant 0 : i32
            %dma_wait3A_157 = arith.constant 0 : i32
            %dma_wait3A_158 = tpu.memref_slice %arg3[%add3A_109, %dma_wait3A_156, %dma_wait3A_157] : memref<2560x2x128xi32, #tpu.memory_space<hbm>> -> memref<1x2x128xi32, #tpu.memory_space<hbm>>
            %dma_wait3A_159 = tpu.memref_squeeze %dma_wait3A_158 : memref<1x2x128xi32, #tpu.memory_space<hbm>> -> memref<2x128xi32, #tpu.memory_space<hbm>>
            tpu.wait_dma2 semaphore(%run_scoped3A_127 : memref<!tpu.dma_semaphore, #tpu.memory_space<semaphore_mem>>) src(%dma_wait3A_159 : memref<2x128xi32, #tpu.memory_space<hbm>>) dst(%dma_wait3A_155 : memref<2x128xi32, #tpu.memory_space<vmem>>)
            tpu.yield
          }) : () -> ()
          %dma_start3A_111 = arith.constant 1 : i32
          %dma_start3A_112 = arith.constant 0 : i32
          %dma_start3A_113 = arith.constant 1 : i32
          %dma_start3A_114 = arith.constant 1 : i32
          %dma_start3A_115 = arith.constant 0 : i32
          %dma_start3A_116 = arith.constant 0 : i32
          %dma_start3A_117 = tpu.memref_slice %arg7[%dma_start3A_113, %dma_start3A_115, %dma_start3A_116] : memref<2x128x128xf32, #tpu.memory_space<vmem>> -> memref<1x128x128xf32, #tpu.memory_space<vmem>>
          %dma_start3A_118 = tpu.memref_squeeze %dma_start3A_117 : memref<1x128x128xf32, #tpu.memory_space<vmem>> -> memref<128x128xf32, #tpu.memory_space<vmem>>
          %dma_start3A_119 = arith.constant 0 : i32
          %dma_start3A_120 = tpu.memref_slice %arg6[%dma_start3A_111, %dma_start3A_112, %dma_start3A_119] : memref<2x2x128xi32, #tpu.memory_space<vmem>> -> memref<1x1x128xi32, #tpu.memory_space<vmem>>
          %dma_start3A_121 = tpu.memref_squeeze %dma_start3A_120 : memref<1x1x128xi32, #tpu.memory_space<vmem>> -> memref<128xi32, #tpu.memory_space<vmem>>
          %dma_start3A_122 = arith.constant 0 : i32
          %dma_start3A_123 = arith.constant 0 : i32
          %dma_start3A_124 = tpu.memref_slice %arg2[%dma_start3A_122, %dma_start3A_123] : memref<10112x128xf32, #tpu.memory_space<hbm>> -> memref<10112x128xf32, #tpu.memory_space<hbm>>
          %dma_start3A_125 = tpu.memref_slice %arg9[%dma_start3A_114] : memref<2x!tpu.dma_semaphore, #tpu.memory_space<semaphore_mem>> -> memref<1x!tpu.dma_semaphore, #tpu.memory_space<semaphore_mem>>
          %dma_start3A_126 = tpu.memref_squeeze %dma_start3A_125 : memref<1x!tpu.dma_semaphore, #tpu.memory_space<semaphore_mem>> -> memref<!tpu.dma_semaphore, #tpu.memory_space<semaphore_mem>>
          tpu.enqueue_indirect_dma source(%dma_start3A_124 : memref<10112x128xf32, #tpu.memory_space<hbm>>) target(%dma_start3A_118 : memref<128x128xf32, #tpu.memory_space<vmem>>) offsets(%dma_start3A_121 : memref<128xi32, #tpu.memory_space<vmem>>) semaphore(%dma_start3A_126 : memref<!tpu.dma_semaphore, #tpu.memory_space<semaphore_mem>>)
        } else {
        }
      }
      %scan3A_49 = arith.constant 59 : i32
    } else {
    }
    %eq3A_3 = arith.constant 1 : i32
    %eq3A_4 = arith.cmpi eq, %arg0, %eq3A_3 : i32
    %convert_element_type3A_5 = arith.extui %eq3A_4 : i1 to i32
    %cond3A_6 = arith.constant 0 : i32
    %cond3A_7 = arith.cmpi ne, %convert_element_type3A_5, %cond3A_6 : i32
    scf.if %cond3A_7 {
      %mul3A_9 = arith.constant 42 : i32
      %mul3A_10 = arith.muli %arg1, %mul3A_9 : i32
      %add3A = arith.constant 1888 : i32
      %add3A_11 = arith.addi %add3A, %mul3A_10 : i32
      %add3A_12 = arith.constant 0 : i32
      %add3A_13 = arith.addi %add3A_11, %add3A_12 : i32
      %run_scoped3A = arith.constant 0 : i32
      "tpu.region"() ({
        %run_scoped3A_52 = tpu.sem_alloc : memref<!tpu.dma_semaphore, #tpu.memory_space<semaphore_mem>>
        %dma_start3A_53 = arith.constant 0 : i32
        %dma_start3A_54 = arith.constant 0 : i32
        %dma_start3A_55 = tpu.memref_slice %arg6[%run_scoped3A, %dma_start3A_53, %dma_start3A_54] : memref<2x2x128xi32, #tpu.memory_space<vmem>> -> memref<1x2x128xi32, #tpu.memory_space<vmem>>
        %dma_start3A_56 = tpu.memref_squeeze %dma_start3A_55 : memref<1x2x128xi32, #tpu.memory_space<vmem>> -> memref<2x128xi32, #tpu.memory_space<vmem>>
        %dma_start3A_57 = arith.constant 0 : i32
        %dma_start3A_58 = arith.constant 0 : i32
        %dma_start3A_59 = tpu.memref_slice %arg3[%add3A_13, %dma_start3A_57, %dma_start3A_58] : memref<2560x2x128xi32, #tpu.memory_space<hbm>> -> memref<1x2x128xi32, #tpu.memory_space<hbm>>
        %dma_start3A_60 = tpu.memref_squeeze %dma_start3A_59 : memref<1x2x128xi32, #tpu.memory_space<hbm>> -> memref<2x128xi32, #tpu.memory_space<hbm>>
        %dma_start3A_61 = arith.constant 0 : i32
        %dma_start3A_62 = arith.constant 0 : i32
        %dma_start3A_63 = tpu.memref_slice %arg6[%run_scoped3A, %dma_start3A_61, %dma_start3A_62] : memref<2x2x128xi32, #tpu.memory_space<vmem>> -> memref<1x2x128xi32, #tpu.memory_space<vmem>>
        %dma_start3A_64 = tpu.memref_squeeze %dma_start3A_63 : memref<1x2x128xi32, #tpu.memory_space<vmem>> -> memref<2x128xi32, #tpu.memory_space<vmem>>
        %dma_start3A_65 = arith.constant 0 : i32
        %dma_start3A_66 = arith.constant 0 : i32
        %dma_start3A_67 = tpu.memref_slice %arg3[%add3A_13, %dma_start3A_65, %dma_start3A_66] : memref<2560x2x128xi32, #tpu.memory_space<hbm>> -> memref<1x2x128xi32, #tpu.memory_space<hbm>>
        %dma_start3A_68 = tpu.memref_squeeze %dma_start3A_67 : memref<1x2x128xi32, #tpu.memory_space<hbm>> -> memref<2x128xi32, #tpu.memory_space<hbm>>
        tpu.enqueue_dma source(%dma_start3A_68 : memref<2x128xi32, #tpu.memory_space<hbm>>) target(%dma_start3A_64 : memref<2x128xi32, #tpu.memory_space<vmem>>) target_semaphore(%run_scoped3A_52 : memref<!tpu.dma_semaphore, #tpu.memory_space<semaphore_mem>>)
        %dma_wait3A = arith.constant 0 : i32
        %dma_wait3A_69 = arith.constant 0 : i32
        %dma_wait3A_70 = tpu.memref_slice %arg6[%run_scoped3A, %dma_wait3A, %dma_wait3A_69] : memref<2x2x128xi32, #tpu.memory_space<vmem>> -> memref<1x2x128xi32, #tpu.memory_space<vmem>>
        %dma_wait3A_71 = tpu.memref_squeeze %dma_wait3A_70 : memref<1x2x128xi32, #tpu.memory_space<vmem>> -> memref<2x128xi32, #tpu.memory_space<vmem>>
        %dma_wait3A_72 = arith.constant 0 : i32
        %dma_wait3A_73 = arith.constant 0 : i32
        %dma_wait3A_74 = tpu.memref_slice %arg3[%add3A_13, %dma_wait3A_72, %dma_wait3A_73] : memref<2560x2x128xi32, #tpu.memory_space<hbm>> -> memref<1x2x128xi32, #tpu.memory_space<hbm>>
        %dma_wait3A_75 = tpu.memref_squeeze %dma_wait3A_74 : memref<1x2x128xi32, #tpu.memory_space<hbm>> -> memref<2x128xi32, #tpu.memory_space<hbm>>
        %dma_wait3A_76 = arith.constant 0 : i32
        %dma_wait3A_77 = arith.constant 0 : i32
        %dma_wait3A_78 = tpu.memref_slice %arg6[%run_scoped3A, %dma_wait3A_76, %dma_wait3A_77] : memref<2x2x128xi32, #tpu.memory_space<vmem>> -> memref<1x2x128xi32, #tpu.memory_space<vmem>>
        %dma_wait3A_79 = tpu.memref_squeeze %dma_wait3A_78 : memref<1x2x128xi32, #tpu.memory_space<vmem>> -> memref<2x128xi32, #tpu.memory_space<vmem>>
        %dma_wait3A_80 = arith.constant 0 : i32
        %dma_wait3A_81 = arith.constant 0 : i32
        %dma_wait3A_82 = tpu.memref_slice %arg3[%add3A_13, %dma_wait3A_80, %dma_wait3A_81] : memref<2560x2x128xi32, #tpu.memory_space<hbm>> -> memref<1x2x128xi32, #tpu.memory_space<hbm>>
        %dma_wait3A_83 = tpu.memref_squeeze %dma_wait3A_82 : memref<1x2x128xi32, #tpu.memory_space<hbm>> -> memref<2x128xi32, #tpu.memory_space<hbm>>
        tpu.wait_dma2 semaphore(%run_scoped3A_52 : memref<!tpu.dma_semaphore, #tpu.memory_space<semaphore_mem>>) src(%dma_wait3A_83 : memref<2x128xi32, #tpu.memory_space<hbm>>) dst(%dma_wait3A_79 : memref<2x128xi32, #tpu.memory_space<vmem>>)
        tpu.yield
      }) : () -> ()
      %dma_start3A = arith.constant 0 : i32
      %dma_start3A_14 = arith.constant 0 : i32
      %dma_start3A_15 = arith.constant 0 : i32
      %dma_start3A_16 = arith.constant 0 : i32
      %dma_start3A_17 = arith.constant 0 : i32
      %dma_start3A_18 = arith.constant 0 : i32
      %dma_start3A_19 = tpu.memref_slice %arg7[%dma_start3A_15, %dma_start3A_17, %dma_start3A_18] : memref<2x128x128xf32, #tpu.memory_space<vmem>> -> memref<1x128x128xf32, #tpu.memory_space<vmem>>
      %dma_start3A_20 = tpu.memref_squeeze %dma_start3A_19 : memref<1x128x128xf32, #tpu.memory_space<vmem>> -> memref<128x128xf32, #tpu.memory_space<vmem>>
      %dma_start3A_21 = arith.constant 0 : i32
      %dma_start3A_22 = tpu.memref_slice %arg6[%dma_start3A, %dma_start3A_14, %dma_start3A_21] : memref<2x2x128xi32, #tpu.memory_space<vmem>> -> memref<1x1x128xi32, #tpu.memory_space<vmem>>
      %dma_start3A_23 = tpu.memref_squeeze %dma_start3A_22 : memref<1x1x128xi32, #tpu.memory_space<vmem>> -> memref<128xi32, #tpu.memory_space<vmem>>
      %dma_start3A_24 = arith.constant 0 : i32
      %dma_start3A_25 = arith.constant 0 : i32
      %dma_start3A_26 = tpu.memref_slice %arg2[%dma_start3A_24, %dma_start3A_25] : memref<10112x128xf32, #tpu.memory_space<hbm>> -> memref<10112x128xf32, #tpu.memory_space<hbm>>
      %dma_start3A_27 = tpu.memref_slice %arg9[%dma_start3A_16] : memref<2x!tpu.dma_semaphore, #tpu.memory_space<semaphore_mem>> -> memref<1x!tpu.dma_semaphore, #tpu.memory_space<semaphore_mem>>
      %dma_start3A_28 = tpu.memref_squeeze %dma_start3A_27 : memref<1x!tpu.dma_semaphore, #tpu.memory_space<semaphore_mem>> -> memref<!tpu.dma_semaphore, #tpu.memory_space<semaphore_mem>>
      tpu.enqueue_indirect_dma source(%dma_start3A_26 : memref<10112x128xf32, #tpu.memory_space<hbm>>) target(%dma_start3A_20 : memref<128x128xf32, #tpu.memory_space<vmem>>) offsets(%dma_start3A_23 : memref<128xi32, #tpu.memory_space<vmem>>) semaphore(%dma_start3A_28 : memref<!tpu.dma_semaphore, #tpu.memory_space<semaphore_mem>>)
      %add3A_29 = arith.constant 1 : i32
      %add3A_30 = arith.addi %add3A_11, %add3A_29 : i32
      %run_scoped3A_31 = arith.constant 1 : i32
      "tpu.region"() ({
        %run_scoped3A_52 = tpu.sem_alloc : memref<!tpu.dma_semaphore, #tpu.memory_space<semaphore_mem>>
        %dma_start3A_53 = arith.constant 0 : i32
        %dma_start3A_54 = arith.constant 0 : i32
        %dma_start3A_55 = tpu.memref_slice %arg6[%run_scoped3A_31, %dma_start3A_53, %dma_start3A_54] : memref<2x2x128xi32, #tpu.memory_space<vmem>> -> memref<1x2x128xi32, #tpu.memory_space<vmem>>
        %dma_start3A_56 = tpu.memref_squeeze %dma_start3A_55 : memref<1x2x128xi32, #tpu.memory_space<vmem>> -> memref<2x128xi32, #tpu.memory_space<vmem>>
        %dma_start3A_57 = arith.constant 0 : i32
        %dma_start3A_58 = arith.constant 0 : i32
        %dma_start3A_59 = tpu.memref_slice %arg3[%add3A_30, %dma_start3A_57, %dma_start3A_58] : memref<2560x2x128xi32, #tpu.memory_space<hbm>> -> memref<1x2x128xi32, #tpu.memory_space<hbm>>
        %dma_start3A_60 = tpu.memref_squeeze %dma_start3A_59 : memref<1x2x128xi32, #tpu.memory_space<hbm>> -> memref<2x128xi32, #tpu.memory_space<hbm>>
        %dma_start3A_61 = arith.constant 0 : i32
        %dma_start3A_62 = arith.constant 0 : i32
        %dma_start3A_63 = tpu.memref_slice %arg6[%run_scoped3A_31, %dma_start3A_61, %dma_start3A_62] : memref<2x2x128xi32, #tpu.memory_space<vmem>> -> memref<1x2x128xi32, #tpu.memory_space<vmem>>
        %dma_start3A_64 = tpu.memref_squeeze %dma_start3A_63 : memref<1x2x128xi32, #tpu.memory_space<vmem>> -> memref<2x128xi32, #tpu.memory_space<vmem>>
        %dma_start3A_65 = arith.constant 0 : i32
        %dma_start3A_66 = arith.constant 0 : i32
        %dma_start3A_67 = tpu.memref_slice %arg3[%add3A_30, %dma_start3A_65, %dma_start3A_66] : memref<2560x2x128xi32, #tpu.memory_space<hbm>> -> memref<1x2x128xi32, #tpu.memory_space<hbm>>
        %dma_start3A_68 = tpu.memref_squeeze %dma_start3A_67 : memref<1x2x128xi32, #tpu.memory_space<hbm>> -> memref<2x128xi32, #tpu.memory_space<hbm>>
        tpu.enqueue_dma source(%dma_start3A_68 : memref<2x128xi32, #tpu.memory_space<hbm>>) target(%dma_start3A_64 : memref<2x128xi32, #tpu.memory_space<vmem>>) target_semaphore(%run_scoped3A_52 : memref<!tpu.dma_semaphore, #tpu.memory_space<semaphore_mem>>)
        %dma_wait3A = arith.constant 0 : i32
        %dma_wait3A_69 = arith.constant 0 : i32
        %dma_wait3A_70 = tpu.memref_slice %arg6[%run_scoped3A_31, %dma_wait3A, %dma_wait3A_69] : memref<2x2x128xi32, #tpu.memory_space<vmem>> -> memref<1x2x128xi32, #tpu.memory_space<vmem>>
        %dma_wait3A_71 = tpu.memref_squeeze %dma_wait3A_70 : memref<1x2x128xi32, #tpu.memory_space<vmem>> -> memref<2x128xi32, #tpu.memory_space<vmem>>
        %dma_wait3A_72 = arith.constant 0 : i32
        %dma_wait3A_73 = arith.constant 0 : i32
        %dma_wait3A_74 = tpu.memref_slice %arg3[%add3A_30, %dma_wait3A_72, %dma_wait3A_73] : memref<2560x2x128xi32, #tpu.memory_space<hbm>> -> memref<1x2x128xi32, #tpu.memory_space<hbm>>
        %dma_wait3A_75 = tpu.memref_squeeze %dma_wait3A_74 : memref<1x2x128xi32, #tpu.memory_space<hbm>> -> memref<2x128xi32, #tpu.memory_space<hbm>>
        %dma_wait3A_76 = arith.constant 0 : i32
        %dma_wait3A_77 = arith.constant 0 : i32
        %dma_wait3A_78 = tpu.memref_slice %arg6[%run_scoped3A_31, %dma_wait3A_76, %dma_wait3A_77] : memref<2x2x128xi32, #tpu.memory_space<vmem>> -> memref<1x2x128xi32, #tpu.memory_space<vmem>>
        %dma_wait3A_79 = tpu.memref_squeeze %dma_wait3A_78 : memref<1x2x128xi32, #tpu.memory_space<vmem>> -> memref<2x128xi32, #tpu.memory_space<vmem>>
        %dma_wait3A_80 = arith.constant 0 : i32
        %dma_wait3A_81 = arith.constant 0 : i32
        %dma_wait3A_82 = tpu.memref_slice %arg3[%add3A_30, %dma_wait3A_80, %dma_wait3A_81] : memref<2560x2x128xi32, #tpu.memory_space<hbm>> -> memref<1x2x128xi32, #tpu.memory_space<hbm>>
        %dma_wait3A_83 = tpu.memref_squeeze %dma_wait3A_82 : memref<1x2x128xi32, #tpu.memory_space<hbm>> -> memref<2x128xi32, #tpu.memory_space<hbm>>
        tpu.wait_dma2 semaphore(%run_scoped3A_52 : memref<!tpu.dma_semaphore, #tpu.memory_space<semaphore_mem>>) src(%dma_wait3A_83 : memref<2x128xi32, #tpu.memory_space<hbm>>) dst(%dma_wait3A_79 : memref<2x128xi32, #tpu.memory_space<vmem>>)
        tpu.yield
      }) : () -> ()
      %dma_start3A_32 = arith.constant 1 : i32
      %dma_start3A_33 = arith.constant 0 : i32
      %dma_start3A_34 = arith.constant 1 : i32
      %dma_start3A_35 = arith.constant 1 : i32
      %dma_start3A_36 = arith.constant 0 : i32
      %dma_start3A_37 = arith.constant 0 : i32
      %dma_start3A_38 = tpu.memref_slice %arg7[%dma_start3A_34, %dma_start3A_36, %dma_start3A_37] : memref<2x128x128xf32, #tpu.memory_space<vmem>> -> memref<1x128x128xf32, #tpu.memory_space<vmem>>
      %dma_start3A_39 = tpu.memref_squeeze %dma_start3A_38 : memref<1x128x128xf32, #tpu.memory_space<vmem>> -> memref<128x128xf32, #tpu.memory_space<vmem>>
      %dma_start3A_40 = arith.constant 0 : i32
      %dma_start3A_41 = tpu.memref_slice %arg6[%dma_start3A_32, %dma_start3A_33, %dma_start3A_40] : memref<2x2x128xi32, #tpu.memory_space<vmem>> -> memref<1x1x128xi32, #tpu.memory_space<vmem>>
      %dma_start3A_42 = tpu.memref_squeeze %dma_start3A_41 : memref<1x1x128xi32, #tpu.memory_space<vmem>> -> memref<128xi32, #tpu.memory_space<vmem>>
      %dma_start3A_43 = arith.constant 0 : i32
      %dma_start3A_44 = arith.constant 0 : i32
      %dma_start3A_45 = tpu.memref_slice %arg2[%dma_start3A_43, %dma_start3A_44] : memref<10112x128xf32, #tpu.memory_space<hbm>> -> memref<10112x128xf32, #tpu.memory_space<hbm>>
      %dma_start3A_46 = tpu.memref_slice %arg9[%dma_start3A_35] : memref<2x!tpu.dma_semaphore, #tpu.memory_space<semaphore_mem>> -> memref<1x!tpu.dma_semaphore, #tpu.memory_space<semaphore_mem>>
      %dma_start3A_47 = tpu.memref_squeeze %dma_start3A_46 : memref<1x!tpu.dma_semaphore, #tpu.memory_space<semaphore_mem>> -> memref<!tpu.dma_semaphore, #tpu.memory_space<semaphore_mem>>
      tpu.enqueue_indirect_dma source(%dma_start3A_45 : memref<10112x128xf32, #tpu.memory_space<hbm>>) target(%dma_start3A_39 : memref<128x128xf32, #tpu.memory_space<vmem>>) offsets(%dma_start3A_42 : memref<128xi32, #tpu.memory_space<vmem>>) semaphore(%dma_start3A_47 : memref<!tpu.dma_semaphore, #tpu.memory_space<semaphore_mem>>)
      %scan3A = arith.constant 0 : i32
      %scan3A_48 = arith.constant 21 : i32
      %scan3A_49 = arith.addi %scan3A, %scan3A_48 : i32
      %scan3A_50 = arith.constant 1 : i32
      scf.for %scan3A_52 = %scan3A to %scan3A_49 step %scan3A_50  : i32 {
        %mul3A_53 = arith.constant 2 : i32
        %mul3A_54 = arith.muli %scan3A_52, %mul3A_53 : i32
        %add3A_55 = arith.constant 0 : i32
        %add3A_56 = arith.addi %add3A_55, %mul3A_54 : i32
        %add3A_57 = arith.constant 0 : i32
        %add3A_58 = arith.addi %add3A_56, %add3A_57 : i32
        %dma_wait3A = arith.constant 0 : i32
        %dma_wait3A_59 = arith.constant 0 : i32
        %dma_wait3A_60 = arith.constant 0 : i32
        %dma_wait3A_61 = arith.constant 0 : i32
        %dma_wait3A_62 = arith.constant 0 : i32
        %dma_wait3A_63 = arith.constant 0 : i32
        %dma_wait3A_64 = tpu.memref_slice %arg7[%dma_wait3A_60, %dma_wait3A_62, %dma_wait3A_63] : memref<2x128x128xf32, #tpu.memory_space<vmem>> -> memref<1x128x128xf32, #tpu.memory_space<vmem>>
        %dma_wait3A_65 = tpu.memref_squeeze %dma_wait3A_64 : memref<1x128x128xf32, #tpu.memory_space<vmem>> -> memref<128x128xf32, #tpu.memory_space<vmem>>
        %dma_wait3A_66 = arith.constant 0 : i32
        %dma_wait3A_67 = tpu.memref_slice %arg6[%dma_wait3A, %dma_wait3A_59, %dma_wait3A_66] : memref<2x2x128xi32, #tpu.memory_space<vmem>> -> memref<1x1x128xi32, #tpu.memory_space<vmem>>
        %dma_wait3A_68 = tpu.memref_squeeze %dma_wait3A_67 : memref<1x1x128xi32, #tpu.memory_space<vmem>> -> memref<128xi32, #tpu.memory_space<vmem>>
        %dma_wait3A_69 = arith.constant 0 : i32
        %dma_wait3A_70 = arith.constant 0 : i32
        %dma_wait3A_71 = tpu.memref_slice %arg2[%dma_wait3A_69, %dma_wait3A_70] : memref<10112x128xf32, #tpu.memory_space<hbm>> -> memref<10112x128xf32, #tpu.memory_space<hbm>>
        %dma_wait3A_72 = tpu.memref_slice %arg9[%dma_wait3A_61] : memref<2x!tpu.dma_semaphore, #tpu.memory_space<semaphore_mem>> -> memref<1x!tpu.dma_semaphore, #tpu.memory_space<semaphore_mem>>
        %dma_wait3A_73 = tpu.memref_squeeze %dma_wait3A_72 : memref<1x!tpu.dma_semaphore, #tpu.memory_space<semaphore_mem>> -> memref<!tpu.dma_semaphore, #tpu.memory_space<semaphore_mem>>
        tpu.wait_indirect_dma semaphore(%dma_wait3A_73 : memref<!tpu.dma_semaphore, #tpu.memory_space<semaphore_mem>>) src(%dma_wait3A_71 : memref<10112x128xf32, #tpu.memory_space<hbm>>) dst(%dma_wait3A_65 : memref<128x128xf32, #tpu.memory_space<vmem>>)
        %run_scoped3A_74 = arith.constant 0 : i32
        %run_scoped3A_75 = arith.constant 0 : i32
        %run_scoped3A_76 = arith.constant 1 : i32
        "tpu.region"() ({
          %run_scoped3A_111 = tpu.sem_alloc : memref<!tpu.dma_semaphore, #tpu.memory_space<semaphore_mem>>
          %dma_start3A_112 = arith.constant 0 : i32
          %dma_start3A_113 = arith.constant 0 : i32
          %dma_start3A_114 = tpu.memref_slice %arg7[%run_scoped3A_74, %dma_start3A_112, %dma_start3A_113] : memref<2x128x128xf32, #tpu.memory_space<vmem>> -> memref<1x128x128xf32, #tpu.memory_space<vmem>>
          %dma_start3A_115 = tpu.memref_squeeze %dma_start3A_114 : memref<1x128x128xf32, #tpu.memory_space<vmem>> -> memref<128x128xf32, #tpu.memory_space<vmem>>
          %dma_start3A_116 = arith.constant 0 : i32
          %dma_start3A_117 = tpu.memref_slice %arg6[%run_scoped3A_75, %run_scoped3A_76, %dma_start3A_116] : memref<2x2x128xi32, #tpu.memory_space<vmem>> -> memref<1x1x128xi32, #tpu.memory_space<vmem>>
          %dma_start3A_118 = tpu.memref_squeeze %dma_start3A_117 : memref<1x1x128xi32, #tpu.memory_space<vmem>> -> memref<128xi32, #tpu.memory_space<vmem>>
          %dma_start3A_119 = arith.constant 0 : i32
          %dma_start3A_120 = arith.constant 0 : i32
          %dma_start3A_121 = tpu.memref_slice %arg8[%dma_start3A_119, %dma_start3A_120] : memref<10112x128xf32, #tpu.memory_space<vmem_shared>> -> memref<10112x128xf32, #tpu.memory_space<vmem_shared>>
          tpu.enqueue_indirect_dma source(%dma_start3A_115 : memref<128x128xf32, #tpu.memory_space<vmem>>) target(%dma_start3A_121 : memref<10112x128xf32, #tpu.memory_space<vmem_shared>>) offsets(%dma_start3A_118 : memref<128xi32, #tpu.memory_space<vmem>>) semaphore(%run_scoped3A_111 : memref<!tpu.dma_semaphore, #tpu.memory_space<semaphore_mem>>) {add = true}
          %dma_wait3A_122 = arith.constant 0 : i32
          %dma_wait3A_123 = arith.constant 0 : i32
          %dma_wait3A_124 = tpu.memref_slice %arg7[%run_scoped3A_74, %dma_wait3A_122, %dma_wait3A_123] : memref<2x128x128xf32, #tpu.memory_space<vmem>> -> memref<1x128x128xf32, #tpu.memory_space<vmem>>
          %dma_wait3A_125 = tpu.memref_squeeze %dma_wait3A_124 : memref<1x128x128xf32, #tpu.memory_space<vmem>> -> memref<128x128xf32, #tpu.memory_space<vmem>>
          %dma_wait3A_126 = arith.constant 0 : i32
          %dma_wait3A_127 = tpu.memref_slice %arg6[%run_scoped3A_75, %run_scoped3A_76, %dma_wait3A_126] : memref<2x2x128xi32, #tpu.memory_space<vmem>> -> memref<1x1x128xi32, #tpu.memory_space<vmem>>
          %dma_wait3A_128 = tpu.memref_squeeze %dma_wait3A_127 : memref<1x1x128xi32, #tpu.memory_space<vmem>> -> memref<128xi32, #tpu.memory_space<vmem>>
          %dma_wait3A_129 = arith.constant 0 : i32
          %dma_wait3A_130 = arith.constant 0 : i32
          %dma_wait3A_131 = tpu.memref_slice %arg8[%dma_wait3A_129, %dma_wait3A_130] : memref<10112x128xf32, #tpu.memory_space<vmem_shared>> -> memref<10112x128xf32, #tpu.memory_space<vmem_shared>>
          tpu.wait_indirect_dma semaphore(%run_scoped3A_111 : memref<!tpu.dma_semaphore, #tpu.memory_space<semaphore_mem>>) src(%dma_wait3A_125 : memref<128x128xf32, #tpu.memory_space<vmem>>) dst(%dma_wait3A_131 : memref<10112x128xf32, #tpu.memory_space<vmem_shared>>)
          tpu.yield
        }) : () -> ()
        %add3A_77 = arith.constant 2 : i32
        %add3A_78 = arith.addi %add3A_58, %add3A_77 : i32
        %lt3A = arith.constant 42 : i32
        %lt3A_79 = arith.cmpi slt, %add3A_78, %lt3A : i32
        %convert_element_type3A_80 = arith.extui %lt3A_79 : i1 to i32
        %cond3A_81 = arith.constant 0 : i32
        %cond3A_82 = arith.cmpi ne, %convert_element_type3A_80, %cond3A_81 : i32
        scf.if %cond3A_82 {
          %add3A_111 = arith.addi %add3A_11, %add3A_78 : i32
          %run_scoped3A_112 = arith.constant 0 : i32
          "tpu.region"() ({
            %run_scoped3A_129 = tpu.sem_alloc : memref<!tpu.dma_semaphore, #tpu.memory_space<semaphore_mem>>
            %dma_start3A_130 = arith.constant 0 : i32
            %dma_start3A_131 = arith.constant 0 : i32
            %dma_start3A_132 = tpu.memref_slice %arg6[%run_scoped3A_112, %dma_start3A_130, %dma_start3A_131] : memref<2x2x128xi32, #tpu.memory_space<vmem>> -> memref<1x2x128xi32, #tpu.memory_space<vmem>>
            %dma_start3A_133 = tpu.memref_squeeze %dma_start3A_132 : memref<1x2x128xi32, #tpu.memory_space<vmem>> -> memref<2x128xi32, #tpu.memory_space<vmem>>
            %dma_start3A_134 = arith.constant 0 : i32
            %dma_start3A_135 = arith.constant 0 : i32
            %dma_start3A_136 = tpu.memref_slice %arg3[%add3A_111, %dma_start3A_134, %dma_start3A_135] : memref<2560x2x128xi32, #tpu.memory_space<hbm>> -> memref<1x2x128xi32, #tpu.memory_space<hbm>>
            %dma_start3A_137 = tpu.memref_squeeze %dma_start3A_136 : memref<1x2x128xi32, #tpu.memory_space<hbm>> -> memref<2x128xi32, #tpu.memory_space<hbm>>
            %dma_start3A_138 = arith.constant 0 : i32
            %dma_start3A_139 = arith.constant 0 : i32
            %dma_start3A_140 = tpu.memref_slice %arg6[%run_scoped3A_112, %dma_start3A_138, %dma_start3A_139] : memref<2x2x128xi32, #tpu.memory_space<vmem>> -> memref<1x2x128xi32, #tpu.memory_space<vmem>>
            %dma_start3A_141 = tpu.memref_squeeze %dma_start3A_140 : memref<1x2x128xi32, #tpu.memory_space<vmem>> -> memref<2x128xi32, #tpu.memory_space<vmem>>
            %dma_start3A_142 = arith.constant 0 : i32
            %dma_start3A_143 = arith.constant 0 : i32
            %dma_start3A_144 = tpu.memref_slice %arg3[%add3A_111, %dma_start3A_142, %dma_start3A_143] : memref<2560x2x128xi32, #tpu.memory_space<hbm>> -> memref<1x2x128xi32, #tpu.memory_space<hbm>>
            %dma_start3A_145 = tpu.memref_squeeze %dma_start3A_144 : memref<1x2x128xi32, #tpu.memory_space<hbm>> -> memref<2x128xi32, #tpu.memory_space<hbm>>
            tpu.enqueue_dma source(%dma_start3A_145 : memref<2x128xi32, #tpu.memory_space<hbm>>) target(%dma_start3A_141 : memref<2x128xi32, #tpu.memory_space<vmem>>) target_semaphore(%run_scoped3A_129 : memref<!tpu.dma_semaphore, #tpu.memory_space<semaphore_mem>>)
            %dma_wait3A_146 = arith.constant 0 : i32
            %dma_wait3A_147 = arith.constant 0 : i32
            %dma_wait3A_148 = tpu.memref_slice %arg6[%run_scoped3A_112, %dma_wait3A_146, %dma_wait3A_147] : memref<2x2x128xi32, #tpu.memory_space<vmem>> -> memref<1x2x128xi32, #tpu.memory_space<vmem>>
            %dma_wait3A_149 = tpu.memref_squeeze %dma_wait3A_148 : memref<1x2x128xi32, #tpu.memory_space<vmem>> -> memref<2x128xi32, #tpu.memory_space<vmem>>
            %dma_wait3A_150 = arith.constant 0 : i32
            %dma_wait3A_151 = arith.constant 0 : i32
            %dma_wait3A_152 = tpu.memref_slice %arg3[%add3A_111, %dma_wait3A_150, %dma_wait3A_151] : memref<2560x2x128xi32, #tpu.memory_space<hbm>> -> memref<1x2x128xi32, #tpu.memory_space<hbm>>
            %dma_wait3A_153 = tpu.memref_squeeze %dma_wait3A_152 : memref<1x2x128xi32, #tpu.memory_space<hbm>> -> memref<2x128xi32, #tpu.memory_space<hbm>>
            %dma_wait3A_154 = arith.constant 0 : i32
            %dma_wait3A_155 = arith.constant 0 : i32
            %dma_wait3A_156 = tpu.memref_slice %arg6[%run_scoped3A_112, %dma_wait3A_154, %dma_wait3A_155] : memref<2x2x128xi32, #tpu.memory_space<vmem>> -> memref<1x2x128xi32, #tpu.memory_space<vmem>>
            %dma_wait3A_157 = tpu.memref_squeeze %dma_wait3A_156 : memref<1x2x128xi32, #tpu.memory_space<vmem>> -> memref<2x128xi32, #tpu.memory_space<vmem>>
            %dma_wait3A_158 = arith.constant 0 : i32
            %dma_wait3A_159 = arith.constant 0 : i32
            %dma_wait3A_160 = tpu.memref_slice %arg3[%add3A_111, %dma_wait3A_158, %dma_wait3A_159] : memref<2560x2x128xi32, #tpu.memory_space<hbm>> -> memref<1x2x128xi32, #tpu.memory_space<hbm>>
            %dma_wait3A_161 = tpu.memref_squeeze %dma_wait3A_160 : memref<1x2x128xi32, #tpu.memory_space<hbm>> -> memref<2x128xi32, #tpu.memory_space<hbm>>
            tpu.wait_dma2 semaphore(%run_scoped3A_129 : memref<!tpu.dma_semaphore, #tpu.memory_space<semaphore_mem>>) src(%dma_wait3A_161 : memref<2x128xi32, #tpu.memory_space<hbm>>) dst(%dma_wait3A_157 : memref<2x128xi32, #tpu.memory_space<vmem>>)
            tpu.yield
          }) : () -> ()
          %dma_start3A_113 = arith.constant 0 : i32
          %dma_start3A_114 = arith.constant 0 : i32
          %dma_start3A_115 = arith.constant 0 : i32
          %dma_start3A_116 = arith.constant 0 : i32
          %dma_start3A_117 = arith.constant 0 : i32
          %dma_start3A_118 = arith.constant 0 : i32
          %dma_start3A_119 = tpu.memref_slice %arg7[%dma_start3A_115, %dma_start3A_117, %dma_start3A_118] : memref<2x128x128xf32, #tpu.memory_space<vmem>> -> memref<1x128x128xf32, #tpu.memory_space<vmem>>
          %dma_start3A_120 = tpu.memref_squeeze %dma_start3A_119 : memref<1x128x128xf32, #tpu.memory_space<vmem>> -> memref<128x128xf32, #tpu.memory_space<vmem>>
          %dma_start3A_121 = arith.constant 0 : i32
          %dma_start3A_122 = tpu.memref_slice %arg6[%dma_start3A_113, %dma_start3A_114, %dma_start3A_121] : memref<2x2x128xi32, #tpu.memory_space<vmem>> -> memref<1x1x128xi32, #tpu.memory_space<vmem>>
          %dma_start3A_123 = tpu.memref_squeeze %dma_start3A_122 : memref<1x1x128xi32, #tpu.memory_space<vmem>> -> memref<128xi32, #tpu.memory_space<vmem>>
          %dma_start3A_124 = arith.constant 0 : i32
          %dma_start3A_125 = arith.constant 0 : i32
          %dma_start3A_126 = tpu.memref_slice %arg2[%dma_start3A_124, %dma_start3A_125] : memref<10112x128xf32, #tpu.memory_space<hbm>> -> memref<10112x128xf32, #tpu.memory_space<hbm>>
          %dma_start3A_127 = tpu.memref_slice %arg9[%dma_start3A_116] : memref<2x!tpu.dma_semaphore, #tpu.memory_space<semaphore_mem>> -> memref<1x!tpu.dma_semaphore, #tpu.memory_space<semaphore_mem>>
          %dma_start3A_128 = tpu.memref_squeeze %dma_start3A_127 : memref<1x!tpu.dma_semaphore, #tpu.memory_space<semaphore_mem>> -> memref<!tpu.dma_semaphore, #tpu.memory_space<semaphore_mem>>
          tpu.enqueue_indirect_dma source(%dma_start3A_126 : memref<10112x128xf32, #tpu.memory_space<hbm>>) target(%dma_start3A_120 : memref<128x128xf32, #tpu.memory_space<vmem>>) offsets(%dma_start3A_123 : memref<128xi32, #tpu.memory_space<vmem>>) semaphore(%dma_start3A_128 : memref<!tpu.dma_semaphore, #tpu.memory_space<semaphore_mem>>)
        } else {
        }
        %add3A_83 = arith.constant 1 : i32
        %add3A_84 = arith.addi %add3A_56, %add3A_83 : i32
        %dma_wait3A_85 = arith.constant 1 : i32
        %dma_wait3A_86 = arith.constant 0 : i32
        %dma_wait3A_87 = arith.constant 1 : i32
        %dma_wait3A_88 = arith.constant 1 : i32
        %dma_wait3A_89 = arith.constant 0 : i32
        %dma_wait3A_90 = arith.constant 0 : i32
        %dma_wait3A_91 = tpu.memref_slice %arg7[%dma_wait3A_87, %dma_wait3A_89, %dma_wait3A_90] : memref<2x128x128xf32, #tpu.memory_space<vmem>> -> memref<1x128x128xf32, #tpu.memory_space<vmem>>
        %dma_wait3A_92 = tpu.memref_squeeze %dma_wait3A_91 : memref<1x128x128xf32, #tpu.memory_space<vmem>> -> memref<128x128xf32, #tpu.memory_space<vmem>>
        %dma_wait3A_93 = arith.constant 0 : i32
        %dma_wait3A_94 = tpu.memref_slice %arg6[%dma_wait3A_85, %dma_wait3A_86, %dma_wait3A_93] : memref<2x2x128xi32, #tpu.memory_space<vmem>> -> memref<1x1x128xi32, #tpu.memory_space<vmem>>
        %dma_wait3A_95 = tpu.memref_squeeze %dma_wait3A_94 : memref<1x1x128xi32, #tpu.memory_space<vmem>> -> memref<128xi32, #tpu.memory_space<vmem>>
        %dma_wait3A_96 = arith.constant 0 : i32
        %dma_wait3A_97 = arith.constant 0 : i32
        %dma_wait3A_98 = tpu.memref_slice %arg2[%dma_wait3A_96, %dma_wait3A_97] : memref<10112x128xf32, #tpu.memory_space<hbm>> -> memref<10112x128xf32, #tpu.memory_space<hbm>>
        %dma_wait3A_99 = tpu.memref_slice %arg9[%dma_wait3A_88] : memref<2x!tpu.dma_semaphore, #tpu.memory_space<semaphore_mem>> -> memref<1x!tpu.dma_semaphore, #tpu.memory_space<semaphore_mem>>
        %dma_wait3A_100 = tpu.memref_squeeze %dma_wait3A_99 : memref<1x!tpu.dma_semaphore, #tpu.memory_space<semaphore_mem>> -> memref<!tpu.dma_semaphore, #tpu.memory_space<semaphore_mem>>
        tpu.wait_indirect_dma semaphore(%dma_wait3A_100 : memref<!tpu.dma_semaphore, #tpu.memory_space<semaphore_mem>>) src(%dma_wait3A_98 : memref<10112x128xf32, #tpu.memory_space<hbm>>) dst(%dma_wait3A_92 : memref<128x128xf32, #tpu.memory_space<vmem>>)
        %run_scoped3A_101 = arith.constant 1 : i32
        %run_scoped3A_102 = arith.constant 1 : i32
        %run_scoped3A_103 = arith.constant 1 : i32
        "tpu.region"() ({
          %run_scoped3A_111 = tpu.sem_alloc : memref<!tpu.dma_semaphore, #tpu.memory_space<semaphore_mem>>
          %dma_start3A_112 = arith.constant 0 : i32
          %dma_start3A_113 = arith.constant 0 : i32
          %dma_start3A_114 = tpu.memref_slice %arg7[%run_scoped3A_101, %dma_start3A_112, %dma_start3A_113] : memref<2x128x128xf32, #tpu.memory_space<vmem>> -> memref<1x128x128xf32, #tpu.memory_space<vmem>>
          %dma_start3A_115 = tpu.memref_squeeze %dma_start3A_114 : memref<1x128x128xf32, #tpu.memory_space<vmem>> -> memref<128x128xf32, #tpu.memory_space<vmem>>
          %dma_start3A_116 = arith.constant 0 : i32
          %dma_start3A_117 = tpu.memref_slice %arg6[%run_scoped3A_102, %run_scoped3A_103, %dma_start3A_116] : memref<2x2x128xi32, #tpu.memory_space<vmem>> -> memref<1x1x128xi32, #tpu.memory_space<vmem>>
          %dma_start3A_118 = tpu.memref_squeeze %dma_start3A_117 : memref<1x1x128xi32, #tpu.memory_space<vmem>> -> memref<128xi32, #tpu.memory_space<vmem>>
          %dma_start3A_119 = arith.constant 0 : i32
          %dma_start3A_120 = arith.constant 0 : i32
          %dma_start3A_121 = tpu.memref_slice %arg8[%dma_start3A_119, %dma_start3A_120] : memref<10112x128xf32, #tpu.memory_space<vmem_shared>> -> memref<10112x128xf32, #tpu.memory_space<vmem_shared>>
          tpu.enqueue_indirect_dma source(%dma_start3A_115 : memref<128x128xf32, #tpu.memory_space<vmem>>) target(%dma_start3A_121 : memref<10112x128xf32, #tpu.memory_space<vmem_shared>>) offsets(%dma_start3A_118 : memref<128xi32, #tpu.memory_space<vmem>>) semaphore(%run_scoped3A_111 : memref<!tpu.dma_semaphore, #tpu.memory_space<semaphore_mem>>) {add = true}
          %dma_wait3A_122 = arith.constant 0 : i32
          %dma_wait3A_123 = arith.constant 0 : i32
          %dma_wait3A_124 = tpu.memref_slice %arg7[%run_scoped3A_101, %dma_wait3A_122, %dma_wait3A_123] : memref<2x128x128xf32, #tpu.memory_space<vmem>> -> memref<1x128x128xf32, #tpu.memory_space<vmem>>
          %dma_wait3A_125 = tpu.memref_squeeze %dma_wait3A_124 : memref<1x128x128xf32, #tpu.memory_space<vmem>> -> memref<128x128xf32, #tpu.memory_space<vmem>>
          %dma_wait3A_126 = arith.constant 0 : i32
          %dma_wait3A_127 = tpu.memref_slice %arg6[%run_scoped3A_102, %run_scoped3A_103, %dma_wait3A_126] : memref<2x2x128xi32, #tpu.memory_space<vmem>> -> memref<1x1x128xi32, #tpu.memory_space<vmem>>
          %dma_wait3A_128 = tpu.memref_squeeze %dma_wait3A_127 : memref<1x1x128xi32, #tpu.memory_space<vmem>> -> memref<128xi32, #tpu.memory_space<vmem>>
          %dma_wait3A_129 = arith.constant 0 : i32
          %dma_wait3A_130 = arith.constant 0 : i32
          %dma_wait3A_131 = tpu.memref_slice %arg8[%dma_wait3A_129, %dma_wait3A_130] : memref<10112x128xf32, #tpu.memory_space<vmem_shared>> -> memref<10112x128xf32, #tpu.memory_space<vmem_shared>>
          tpu.wait_indirect_dma semaphore(%run_scoped3A_111 : memref<!tpu.dma_semaphore, #tpu.memory_space<semaphore_mem>>) src(%dma_wait3A_125 : memref<128x128xf32, #tpu.memory_space<vmem>>) dst(%dma_wait3A_131 : memref<10112x128xf32, #tpu.memory_space<vmem_shared>>)
          tpu.yield
        }) : () -> ()
        %add3A_104 = arith.constant 2 : i32
        %add3A_105 = arith.addi %add3A_84, %add3A_104 : i32
        %lt3A_106 = arith.constant 42 : i32
        %lt3A_107 = arith.cmpi slt, %add3A_105, %lt3A_106 : i32
        %convert_element_type3A_108 = arith.extui %lt3A_107 : i1 to i32
        %cond3A_109 = arith.constant 0 : i32
        %cond3A_110 = arith.cmpi ne, %convert_element_type3A_108, %cond3A_109 : i32
        scf.if %cond3A_110 {
          %add3A_111 = arith.addi %add3A_11, %add3A_105 : i32
          %run_scoped3A_112 = arith.constant 1 : i32
          "tpu.region"() ({
            %run_scoped3A_129 = tpu.sem_alloc : memref<!tpu.dma_semaphore, #tpu.memory_space<semaphore_mem>>
            %dma_start3A_130 = arith.constant 0 : i32
            %dma_start3A_131 = arith.constant 0 : i32
            %dma_start3A_132 = tpu.memref_slice %arg6[%run_scoped3A_112, %dma_start3A_130, %dma_start3A_131] : memref<2x2x128xi32, #tpu.memory_space<vmem>> -> memref<1x2x128xi32, #tpu.memory_space<vmem>>
            %dma_start3A_133 = tpu.memref_squeeze %dma_start3A_132 : memref<1x2x128xi32, #tpu.memory_space<vmem>> -> memref<2x128xi32, #tpu.memory_space<vmem>>
            %dma_start3A_134 = arith.constant 0 : i32
            %dma_start3A_135 = arith.constant 0 : i32
            %dma_start3A_136 = tpu.memref_slice %arg3[%add3A_111, %dma_start3A_134, %dma_start3A_135] : memref<2560x2x128xi32, #tpu.memory_space<hbm>> -> memref<1x2x128xi32, #tpu.memory_space<hbm>>
            %dma_start3A_137 = tpu.memref_squeeze %dma_start3A_136 : memref<1x2x128xi32, #tpu.memory_space<hbm>> -> memref<2x128xi32, #tpu.memory_space<hbm>>
            %dma_start3A_138 = arith.constant 0 : i32
            %dma_start3A_139 = arith.constant 0 : i32
            %dma_start3A_140 = tpu.memref_slice %arg6[%run_scoped3A_112, %dma_start3A_138, %dma_start3A_139] : memref<2x2x128xi32, #tpu.memory_space<vmem>> -> memref<1x2x128xi32, #tpu.memory_space<vmem>>
            %dma_start3A_141 = tpu.memref_squeeze %dma_start3A_140 : memref<1x2x128xi32, #tpu.memory_space<vmem>> -> memref<2x128xi32, #tpu.memory_space<vmem>>
            %dma_start3A_142 = arith.constant 0 : i32
            %dma_start3A_143 = arith.constant 0 : i32
            %dma_start3A_144 = tpu.memref_slice %arg3[%add3A_111, %dma_start3A_142, %dma_start3A_143] : memref<2560x2x128xi32, #tpu.memory_space<hbm>> -> memref<1x2x128xi32, #tpu.memory_space<hbm>>
            %dma_start3A_145 = tpu.memref_squeeze %dma_start3A_144 : memref<1x2x128xi32, #tpu.memory_space<hbm>> -> memref<2x128xi32, #tpu.memory_space<hbm>>
            tpu.enqueue_dma source(%dma_start3A_145 : memref<2x128xi32, #tpu.memory_space<hbm>>) target(%dma_start3A_141 : memref<2x128xi32, #tpu.memory_space<vmem>>) target_semaphore(%run_scoped3A_129 : memref<!tpu.dma_semaphore, #tpu.memory_space<semaphore_mem>>)
            %dma_wait3A_146 = arith.constant 0 : i32
            %dma_wait3A_147 = arith.constant 0 : i32
            %dma_wait3A_148 = tpu.memref_slice %arg6[%run_scoped3A_112, %dma_wait3A_146, %dma_wait3A_147] : memref<2x2x128xi32, #tpu.memory_space<vmem>> -> memref<1x2x128xi32, #tpu.memory_space<vmem>>
            %dma_wait3A_149 = tpu.memref_squeeze %dma_wait3A_148 : memref<1x2x128xi32, #tpu.memory_space<vmem>> -> memref<2x128xi32, #tpu.memory_space<vmem>>
            %dma_wait3A_150 = arith.constant 0 : i32
            %dma_wait3A_151 = arith.constant 0 : i32
            %dma_wait3A_152 = tpu.memref_slice %arg3[%add3A_111, %dma_wait3A_150, %dma_wait3A_151] : memref<2560x2x128xi32, #tpu.memory_space<hbm>> -> memref<1x2x128xi32, #tpu.memory_space<hbm>>
            %dma_wait3A_153 = tpu.memref_squeeze %dma_wait3A_152 : memref<1x2x128xi32, #tpu.memory_space<hbm>> -> memref<2x128xi32, #tpu.memory_space<hbm>>
            %dma_wait3A_154 = arith.constant 0 : i32
            %dma_wait3A_155 = arith.constant 0 : i32
            %dma_wait3A_156 = tpu.memref_slice %arg6[%run_scoped3A_112, %dma_wait3A_154, %dma_wait3A_155] : memref<2x2x128xi32, #tpu.memory_space<vmem>> -> memref<1x2x128xi32, #tpu.memory_space<vmem>>
            %dma_wait3A_157 = tpu.memref_squeeze %dma_wait3A_156 : memref<1x2x128xi32, #tpu.memory_space<vmem>> -> memref<2x128xi32, #tpu.memory_space<vmem>>
            %dma_wait3A_158 = arith.constant 0 : i32
            %dma_wait3A_159 = arith.constant 0 : i32
            %dma_wait3A_160 = tpu.memref_slice %arg3[%add3A_111, %dma_wait3A_158, %dma_wait3A_159] : memref<2560x2x128xi32, #tpu.memory_space<hbm>> -> memref<1x2x128xi32, #tpu.memory_space<hbm>>
            %dma_wait3A_161 = tpu.memref_squeeze %dma_wait3A_160 : memref<1x2x128xi32, #tpu.memory_space<hbm>> -> memref<2x128xi32, #tpu.memory_space<hbm>>
            tpu.wait_dma2 semaphore(%run_scoped3A_129 : memref<!tpu.dma_semaphore, #tpu.memory_space<semaphore_mem>>) src(%dma_wait3A_161 : memref<2x128xi32, #tpu.memory_space<hbm>>) dst(%dma_wait3A_157 : memref<2x128xi32, #tpu.memory_space<vmem>>)
            tpu.yield
          }) : () -> ()
          %dma_start3A_113 = arith.constant 1 : i32
          %dma_start3A_114 = arith.constant 0 : i32
          %dma_start3A_115 = arith.constant 1 : i32
          %dma_start3A_116 = arith.constant 1 : i32
          %dma_start3A_117 = arith.constant 0 : i32
          %dma_start3A_118 = arith.constant 0 : i32
          %dma_start3A_119 = tpu.memref_slice %arg7[%dma_start3A_115, %dma_start3A_117, %dma_start3A_118] : memref<2x128x128xf32, #tpu.memory_space<vmem>> -> memref<1x128x128xf32, #tpu.memory_space<vmem>>
          %dma_start3A_120 = tpu.memref_squeeze %dma_start3A_119 : memref<1x128x128xf32, #tpu.memory_space<vmem>> -> memref<128x128xf32, #tpu.memory_space<vmem>>
          %dma_start3A_121 = arith.constant 0 : i32
          %dma_start3A_122 = tpu.memref_slice %arg6[%dma_start3A_113, %dma_start3A_114, %dma_start3A_121] : memref<2x2x128xi32, #tpu.memory_space<vmem>> -> memref<1x1x128xi32, #tpu.memory_space<vmem>>
          %dma_start3A_123 = tpu.memref_squeeze %dma_start3A_122 : memref<1x1x128xi32, #tpu.memory_space<vmem>> -> memref<128xi32, #tpu.memory_space<vmem>>
          %dma_start3A_124 = arith.constant 0 : i32
          %dma_start3A_125 = arith.constant 0 : i32
          %dma_start3A_126 = tpu.memref_slice %arg2[%dma_start3A_124, %dma_start3A_125] : memref<10112x128xf32, #tpu.memory_space<hbm>> -> memref<10112x128xf32, #tpu.memory_space<hbm>>
          %dma_start3A_127 = tpu.memref_slice %arg9[%dma_start3A_116] : memref<2x!tpu.dma_semaphore, #tpu.memory_space<semaphore_mem>> -> memref<1x!tpu.dma_semaphore, #tpu.memory_space<semaphore_mem>>
          %dma_start3A_128 = tpu.memref_squeeze %dma_start3A_127 : memref<1x!tpu.dma_semaphore, #tpu.memory_space<semaphore_mem>> -> memref<!tpu.dma_semaphore, #tpu.memory_space<semaphore_mem>>
          tpu.enqueue_indirect_dma source(%dma_start3A_126 : memref<10112x128xf32, #tpu.memory_space<hbm>>) target(%dma_start3A_120 : memref<128x128xf32, #tpu.memory_space<vmem>>) offsets(%dma_start3A_123 : memref<128xi32, #tpu.memory_space<vmem>>) semaphore(%dma_start3A_128 : memref<!tpu.dma_semaphore, #tpu.memory_space<semaphore_mem>>)
        } else {
        }
      }
      %scan3A_51 = arith.constant 21 : i32
    } else {
    }
    %barrier3A_8 = arith.constant 0 : index
    tpu.barrier barrier_id(%barrier3A_8)
    "tpu.region"() ({
      %run_scoped3A = tpu.sem_alloc : memref<!tpu.dma_semaphore, #tpu.memory_space<semaphore_mem>>
      %dma_start3A = arith.constant 0 : i32
      %dma_start3A_9 = tpu.memref_slice %arg5[%arg0, %mul3A_0, %dma_start3A] : memref<2x10112x128xf32, #tpu.memory_space<hbm>> -> memref<1x632x128xf32, #tpu.memory_space<hbm>>
      %dma_start3A_10 = tpu.memref_squeeze %dma_start3A_9 : memref<1x632x128xf32, #tpu.memory_space<hbm>> -> memref<632x128xf32, #tpu.memory_space<hbm>>
      %dma_start3A_11 = arith.constant 0 : i32
      %dma_start3A_12 = tpu.memref_slice %arg8[%mul3A_0, %dma_start3A_11] : memref<10112x128xf32, #tpu.memory_space<vmem_shared>> -> memref<632x128xf32, #tpu.memory_space<vmem_shared>>
      tpu.enqueue_dma source(%dma_start3A_12 : memref<632x128xf32, #tpu.memory_space<vmem_shared>>) target(%dma_start3A_10 : memref<632x128xf32, #tpu.memory_space<hbm>>) target_semaphore(%run_scoped3A : memref<!tpu.dma_semaphore, #tpu.memory_space<semaphore_mem>>)
      %dma_wait3A = arith.constant 0 : i32
      %dma_wait3A_13 = tpu.memref_slice %arg5[%arg0, %mul3A_0, %dma_wait3A] : memref<2x10112x128xf32, #tpu.memory_space<hbm>> -> memref<1x632x128xf32, #tpu.memory_space<hbm>>
      %dma_wait3A_14 = tpu.memref_squeeze %dma_wait3A_13 : memref<1x632x128xf32, #tpu.memory_space<hbm>> -> memref<632x128xf32, #tpu.memory_space<hbm>>
      %dma_wait3A_15 = arith.constant 0 : i32
      %dma_wait3A_16 = tpu.memref_slice %arg8[%mul3A_0, %dma_wait3A_15] : memref<10112x128xf32, #tpu.memory_space<vmem_shared>> -> memref<632x128xf32, #tpu.memory_space<vmem_shared>>
      tpu.wait_dma2 semaphore(%run_scoped3A : memref<!tpu.dma_semaphore, #tpu.memory_space<semaphore_mem>>) src(%dma_wait3A_16 : memref<632x128xf32, #tpu.memory_space<vmem_shared>>) dst(%dma_wait3A_14 : memref<632x128xf32, #tpu.memory_space<hbm>>)
      tpu.yield
    }) : () -> ()
    return
  }
}

#map = affine_map<(d0, d1) -> (0, 0)>
#map1 = affine_map<(d0, d1) -> (0, 0, 0)>
module attributes {stable_mosaic.version = 14 : i64} {
  func.func @body(%arg0: i32, %arg1: i32, %arg2: memref<2560x128xi32, #tpu.memory_space<hbm>>, %arg3: memref<10112x128xf32, #tpu.memory_space<hbm>>, %arg4: memref<2x10112x128xf32, #tpu.memory_space<hbm>>, %arg5: memref<2x128xi32, #tpu.memory_space<vmem>>, %arg6: memref<128x128xf32, #tpu.memory_space<vmem>>, %arg7: memref<10112x128xf32, #tpu.memory_space<vmem_shared>>, %arg8: memref<2x!tpu.dma_semaphore, #tpu.memory_space<semaphore_mem>>) attributes {dimension_semantics = [#tpu.dimension_semantics<core_parallel>, #tpu.dimension_semantics<subcore_parallel>], iteration_bounds = array<i64: 2, 16>, scalar_prefetch = 0 : i64, scratch_operands = 4 : i64, tpu.core_type = #tpu.core_type<sc_vector_subcore>, window_params = [{transform_indices = #map}, {transform_indices = #map}, {transform_indices = #map1}]} {
    %mul3A = arith.constant 16 : i32
    %mul3A_0 = arith.muli %arg0, %mul3A : i32
    %add3A = arith.addi %mul3A_0, %arg1 : i32
    %mul3A_1 = arith.constant 632 : i32
    %mul3A_2 = arith.muli %arg1, %mul3A_1 : i32
    %mul3A_3 = arith.constant 80 : i32
    %mul3A_4 = arith.muli %add3A, %mul3A_3 : i32
    "tpu.region"() ({
      %run_scoped3A = tpu.sem_alloc : memref<!tpu.dma_semaphore, #tpu.memory_space<semaphore_mem>>
      %dma_start3A_50 = arith.constant 0 : i32
      %dma_start3A_51 = tpu.memref_slice %arg7[%mul3A_2, %dma_start3A_50] : memref<10112x128xf32, #tpu.memory_space<vmem_shared>> -> memref<632x128xf32, #tpu.memory_space<vmem_shared>>
      %dma_start3A_52 = arith.constant 0 : i32
      %dma_start3A_53 = tpu.memref_slice %arg3[%mul3A_2, %dma_start3A_52] : memref<10112x128xf32, #tpu.memory_space<hbm>> -> memref<632x128xf32, #tpu.memory_space<hbm>>
      tpu.enqueue_dma source(%dma_start3A_53 : memref<632x128xf32, #tpu.memory_space<hbm>>) target(%dma_start3A_51 : memref<632x128xf32, #tpu.memory_space<vmem_shared>>) target_semaphore(%run_scoped3A : memref<!tpu.dma_semaphore, #tpu.memory_space<semaphore_mem>>)
      %dma_wait3A = arith.constant 0 : i32
      %dma_wait3A_54 = tpu.memref_slice %arg7[%mul3A_2, %dma_wait3A] : memref<10112x128xf32, #tpu.memory_space<vmem_shared>> -> memref<632x128xf32, #tpu.memory_space<vmem_shared>>
      %dma_wait3A_55 = arith.constant 0 : i32
      %dma_wait3A_56 = tpu.memref_slice %arg3[%mul3A_2, %dma_wait3A_55] : memref<10112x128xf32, #tpu.memory_space<hbm>> -> memref<632x128xf32, #tpu.memory_space<hbm>>
      tpu.wait_dma2 semaphore(%run_scoped3A : memref<!tpu.dma_semaphore, #tpu.memory_space<semaphore_mem>>) src(%dma_wait3A_56 : memref<632x128xf32, #tpu.memory_space<hbm>>) dst(%dma_wait3A_54 : memref<632x128xf32, #tpu.memory_space<vmem_shared>>)
      tpu.yield
    }) : () -> ()
    %scan3A = arith.constant 0 : i32
    %scan3A_5 = arith.constant 128 : i32
    %scan3A_6 = arith.addi %scan3A, %scan3A_5 : i32
    %scan3A_7 = arith.constant 1 : i32
    scf.for %scan3A_50 = %scan3A to %scan3A_6 step %scan3A_7  : i32 {
      %mul3A_51 = arith.constant 1 : i32
      %mul3A_52 = arith.muli %scan3A_50, %mul3A_51 : i32
      %add3A_53 = arith.constant 0 : i32
      %add3A_54 = arith.addi %add3A_53, %mul3A_52 : i32
      %scan3A_55 = arith.constant 0 : i32
      %scan3A_56 = arith.constant 8 : i32
      %scan3A_57 = arith.addi %scan3A_55, %scan3A_56 : i32
      %scan3A_58 = arith.constant 1 : i32
      scf.for %scan3A_60 = %scan3A_55 to %scan3A_57 step %scan3A_58  : i32 {
        %mul3A_61 = arith.constant 16 : i32
        %mul3A_62 = arith.muli %scan3A_60, %mul3A_61 : i32
        %add3A_63 = arith.constant 0 : i32
        %add3A_64 = arith.addi %add3A_63, %mul3A_62 : i32
        %broadcast_in_dim3A = arith.constant 1.000000e+00 : f32
        %broadcast_in_dim3A_65 = vector.broadcast %broadcast_in_dim3A : f32 to vector<16xf32>
        %swap3A = arith.index_cast %add3A_54 : i32 to index
        %swap3A_66 = arith.index_cast %add3A_64 : i32 to index
        %swap3A_67 = tpu.vector_load %arg6[%swap3A, %swap3A_66] {strides = array<i32>} : memref<128x128xf32, #tpu.memory_space<vmem>>, vector<1x16xf32>,
        %swap3A_68 = vector.shape_cast %swap3A_67 : vector<1x16xf32> to vector<16xf32>
        %swap3A_69 = vector.shape_cast %broadcast_in_dim3A_65 : vector<16xf32> to vector<1x16xf32>
        tpu.vector_store %arg6[%swap3A, %swap3A_66], %swap3A_69 {strides = array<i32>} : memref<128x128xf32, #tpu.memory_space<vmem>>, vector<1x16xf32>,
      }
      %scan3A_59 = arith.constant 8 : i32
    }
    %scan3A_8 = arith.constant 128 : i32
    %barrier3A = arith.constant 0 : index
    tpu.barrier barrier_id(%barrier3A)
    %add3A_9 = arith.constant 0 : i32
    %add3A_10 = arith.addi %mul3A_4, %add3A_9 : i32
    %dma_start3A = arith.constant 0 : i32
    %dma_start3A_11 = arith.constant 0 : i32
    %dma_start3A_12 = arith.constant 0 : i32
    %dma_start3A_13 = tpu.memref_slice %arg5[%dma_start3A, %dma_start3A_12] : memref<2x128xi32, #tpu.memory_space<vmem>> -> memref<1x128xi32, #tpu.memory_space<vmem>>
    %dma_start3A_14 = tpu.memref_squeeze %dma_start3A_13 : memref<1x128xi32, #tpu.memory_space<vmem>> -> memref<128xi32, #tpu.memory_space<vmem>>
    %dma_start3A_15 = arith.constant 0 : i32
    %dma_start3A_16 = tpu.memref_slice %arg2[%add3A_10, %dma_start3A_15] : memref<2560x128xi32, #tpu.memory_space<hbm>> -> memref<1x128xi32, #tpu.memory_space<hbm>>
    %dma_start3A_17 = tpu.memref_squeeze %dma_start3A_16 : memref<1x128xi32, #tpu.memory_space<hbm>> -> memref<128xi32, #tpu.memory_space<hbm>>
    %dma_start3A_18 = tpu.memref_slice %arg8[%dma_start3A_11] : memref<2x!tpu.dma_semaphore, #tpu.memory_space<semaphore_mem>> -> memref<1x!tpu.dma_semaphore, #tpu.memory_space<semaphore_mem>>
    %dma_start3A_19 = tpu.memref_squeeze %dma_start3A_18 : memref<1x!tpu.dma_semaphore, #tpu.memory_space<semaphore_mem>> -> memref<!tpu.dma_semaphore, #tpu.memory_space<semaphore_mem>>
    %dma_start3A_20 = arith.constant 0 : i32
    %dma_start3A_21 = tpu.memref_slice %arg5[%dma_start3A, %dma_start3A_20] : memref<2x128xi32, #tpu.memory_space<vmem>> -> memref<1x128xi32, #tpu.memory_space<vmem>>
    %dma_start3A_22 = tpu.memref_squeeze %dma_start3A_21 : memref<1x128xi32, #tpu.memory_space<vmem>> -> memref<128xi32, #tpu.memory_space<vmem>>
    %dma_start3A_23 = arith.constant 0 : i32
    %dma_start3A_24 = tpu.memref_slice %arg2[%add3A_10, %dma_start3A_23] : memref<2560x128xi32, #tpu.memory_space<hbm>> -> memref<1x128xi32, #tpu.memory_space<hbm>>
    %dma_start3A_25 = tpu.memref_squeeze %dma_start3A_24 : memref<1x128xi32, #tpu.memory_space<hbm>> -> memref<128xi32, #tpu.memory_space<hbm>>
    tpu.enqueue_dma source(%dma_start3A_25 : memref<128xi32, #tpu.memory_space<hbm>>) target(%dma_start3A_22 : memref<128xi32, #tpu.memory_space<vmem>>) target_semaphore(%dma_start3A_19 : memref<!tpu.dma_semaphore, #tpu.memory_space<semaphore_mem>>)
    %add3A_26 = arith.constant 1 : i32
    %add3A_27 = arith.addi %mul3A_4, %add3A_26 : i32
    %dma_start3A_28 = arith.constant 1 : i32
    %dma_start3A_29 = arith.constant 1 : i32
    %dma_start3A_30 = arith.constant 0 : i32
    %dma_start3A_31 = tpu.memref_slice %arg5[%dma_start3A_28, %dma_start3A_30] : memref<2x128xi32, #tpu.memory_space<vmem>> -> memref<1x128xi32, #tpu.memory_space<vmem>>
    %dma_start3A_32 = tpu.memref_squeeze %dma_start3A_31 : memref<1x128xi32, #tpu.memory_space<vmem>> -> memref<128xi32, #tpu.memory_space<vmem>>
    %dma_start3A_33 = arith.constant 0 : i32
    %dma_start3A_34 = tpu.memref_slice %arg2[%add3A_27, %dma_start3A_33] : memref<2560x128xi32, #tpu.memory_space<hbm>> -> memref<1x128xi32, #tpu.memory_space<hbm>>
    %dma_start3A_35 = tpu.memref_squeeze %dma_start3A_34 : memref<1x128xi32, #tpu.memory_space<hbm>> -> memref<128xi32, #tpu.memory_space<hbm>>
    %dma_start3A_36 = tpu.memref_slice %arg8[%dma_start3A_29] : memref<2x!tpu.dma_semaphore, #tpu.memory_space<semaphore_mem>> -> memref<1x!tpu.dma_semaphore, #tpu.memory_space<semaphore_mem>>
    %dma_start3A_37 = tpu.memref_squeeze %dma_start3A_36 : memref<1x!tpu.dma_semaphore, #tpu.memory_space<semaphore_mem>> -> memref<!tpu.dma_semaphore, #tpu.memory_space<semaphore_mem>>
    %dma_start3A_38 = arith.constant 0 : i32
    %dma_start3A_39 = tpu.memref_slice %arg5[%dma_start3A_28, %dma_start3A_38] : memref<2x128xi32, #tpu.memory_space<vmem>> -> memref<1x128xi32, #tpu.memory_space<vmem>>
    %dma_start3A_40 = tpu.memref_squeeze %dma_start3A_39 : memref<1x128xi32, #tpu.memory_space<vmem>> -> memref<128xi32, #tpu.memory_space<vmem>>
    %dma_start3A_41 = arith.constant 0 : i32
    %dma_start3A_42 = tpu.memref_slice %arg2[%add3A_27, %dma_start3A_41] : memref<2560x128xi32, #tpu.memory_space<hbm>> -> memref<1x128xi32, #tpu.memory_space<hbm>>
    %dma_start3A_43 = tpu.memref_squeeze %dma_start3A_42 : memref<1x128xi32, #tpu.memory_space<hbm>> -> memref<128xi32, #tpu.memory_space<hbm>>
    tpu.enqueue_dma source(%dma_start3A_43 : memref<128xi32, #tpu.memory_space<hbm>>) target(%dma_start3A_40 : memref<128xi32, #tpu.memory_space<vmem>>) target_semaphore(%dma_start3A_37 : memref<!tpu.dma_semaphore, #tpu.memory_space<semaphore_mem>>)
    %scan3A_44 = arith.constant 0 : i32
    %scan3A_45 = arith.constant 40 : i32
    %scan3A_46 = arith.addi %scan3A_44, %scan3A_45 : i32
    %scan3A_47 = arith.constant 1 : i32
    scf.for %scan3A_50 = %scan3A_44 to %scan3A_46 step %scan3A_47  : i32 {
      %mul3A_51 = arith.constant 2 : i32
      %mul3A_52 = arith.muli %scan3A_50, %mul3A_51 : i32
      %add3A_53 = arith.constant 0 : i32
      %add3A_54 = arith.addi %add3A_53, %mul3A_52 : i32
      %add3A_55 = arith.constant 0 : i32
      %add3A_56 = arith.addi %add3A_54, %add3A_55 : i32
      %add3A_57 = arith.addi %mul3A_4, %add3A_56 : i32
      %dma_wait3A = arith.constant 0 : i32
      %dma_wait3A_58 = arith.constant 0 : i32
      %dma_wait3A_59 = arith.constant 0 : i32
      %dma_wait3A_60 = tpu.memref_slice %arg5[%dma_wait3A, %dma_wait3A_59] : memref<2x128xi32, #tpu.memory_space<vmem>> -> memref<1x128xi32, #tpu.memory_space<vmem>>
      %dma_wait3A_61 = tpu.memref_squeeze %dma_wait3A_60 : memref<1x128xi32, #tpu.memory_space<vmem>> -> memref<128xi32, #tpu.memory_space<vmem>>
      %dma_wait3A_62 = arith.constant 0 : i32
      %dma_wait3A_63 = tpu.memref_slice %arg2[%add3A_57, %dma_wait3A_62] : memref<2560x128xi32, #tpu.memory_space<hbm>> -> memref<1x128xi32, #tpu.memory_space<hbm>>
      %dma_wait3A_64 = tpu.memref_squeeze %dma_wait3A_63 : memref<1x128xi32, #tpu.memory_space<hbm>> -> memref<128xi32, #tpu.memory_space<hbm>>
      %dma_wait3A_65 = tpu.memref_slice %arg8[%dma_wait3A_58] : memref<2x!tpu.dma_semaphore, #tpu.memory_space<semaphore_mem>> -> memref<1x!tpu.dma_semaphore, #tpu.memory_space<semaphore_mem>>
      %dma_wait3A_66 = tpu.memref_squeeze %dma_wait3A_65 : memref<1x!tpu.dma_semaphore, #tpu.memory_space<semaphore_mem>> -> memref<!tpu.dma_semaphore, #tpu.memory_space<semaphore_mem>>
      %dma_wait3A_67 = arith.constant 0 : i32
      %dma_wait3A_68 = tpu.memref_slice %arg5[%dma_wait3A, %dma_wait3A_67] : memref<2x128xi32, #tpu.memory_space<vmem>> -> memref<1x128xi32, #tpu.memory_space<vmem>>
      %dma_wait3A_69 = tpu.memref_squeeze %dma_wait3A_68 : memref<1x128xi32, #tpu.memory_space<vmem>> -> memref<128xi32, #tpu.memory_space<vmem>>
      %dma_wait3A_70 = arith.constant 0 : i32
      %dma_wait3A_71 = tpu.memref_slice %arg2[%add3A_57, %dma_wait3A_70] : memref<2560x128xi32, #tpu.memory_space<hbm>> -> memref<1x128xi32, #tpu.memory_space<hbm>>
      %dma_wait3A_72 = tpu.memref_squeeze %dma_wait3A_71 : memref<1x128xi32, #tpu.memory_space<hbm>> -> memref<128xi32, #tpu.memory_space<hbm>>
      tpu.wait_dma2 semaphore(%dma_wait3A_66 : memref<!tpu.dma_semaphore, #tpu.memory_space<semaphore_mem>>) src(%dma_wait3A_72 : memref<128xi32, #tpu.memory_space<hbm>>) dst(%dma_wait3A_69 : memref<128xi32, #tpu.memory_space<vmem>>)
      %run_scoped3A = arith.constant 0 : i32
      "tpu.region"() ({
        %run_scoped3A_104 = tpu.sem_alloc : memref<!tpu.dma_semaphore, #tpu.memory_space<semaphore_mem>>
        %dma_start3A_105 = arith.constant 0 : i32
        %dma_start3A_106 = tpu.memref_slice %arg5[%run_scoped3A, %dma_start3A_105] : memref<2x128xi32, #tpu.memory_space<vmem>> -> memref<1x128xi32, #tpu.memory_space<vmem>>
        %dma_start3A_107 = tpu.memref_squeeze %dma_start3A_106 : memref<1x128xi32, #tpu.memory_space<vmem>> -> memref<128xi32, #tpu.memory_space<vmem>>
        %dma_start3A_108 = arith.constant 0 : i32
        %dma_start3A_109 = arith.constant 0 : i32
        %dma_start3A_110 = tpu.memref_slice %arg7[%dma_start3A_108, %dma_start3A_109] : memref<10112x128xf32, #tpu.memory_space<vmem_shared>> -> memref<10112x128xf32, #tpu.memory_space<vmem_shared>>
        tpu.enqueue_indirect_dma source(%arg6 : memref<128x128xf32, #tpu.memory_space<vmem>>) target(%dma_start3A_110 : memref<10112x128xf32, #tpu.memory_space<vmem_shared>>) offsets(%dma_start3A_107 : memref<128xi32, #tpu.memory_space<vmem>>) semaphore(%run_scoped3A_104 : memref<!tpu.dma_semaphore, #tpu.memory_space<semaphore_mem>>) {add = true}
        %dma_wait3A_111 = arith.constant 0 : i32
        %dma_wait3A_112 = tpu.memref_slice %arg5[%run_scoped3A, %dma_wait3A_111] : memref<2x128xi32, #tpu.memory_space<vmem>> -> memref<1x128xi32, #tpu.memory_space<vmem>>
        %dma_wait3A_113 = tpu.memref_squeeze %dma_wait3A_112 : memref<1x128xi32, #tpu.memory_space<vmem>> -> memref<128xi32, #tpu.memory_space<vmem>>
        %dma_wait3A_114 = arith.constant 0 : i32
        %dma_wait3A_115 = arith.constant 0 : i32
        %dma_wait3A_116 = tpu.memref_slice %arg7[%dma_wait3A_114, %dma_wait3A_115] : memref<10112x128xf32, #tpu.memory_space<vmem_shared>> -> memref<10112x128xf32, #tpu.memory_space<vmem_shared>>
        tpu.wait_indirect_dma semaphore(%run_scoped3A_104 : memref<!tpu.dma_semaphore, #tpu.memory_space<semaphore_mem>>) src(%arg6 : memref<128x128xf32, #tpu.memory_space<vmem>>) dst(%dma_wait3A_116 : memref<10112x128xf32, #tpu.memory_space<vmem_shared>>)
        tpu.yield
      }) : () -> ()
      %add3A_73 = arith.constant 2 : i32
      %add3A_74 = arith.addi %add3A_56, %add3A_73 : i32
      %lt3A = arith.constant 80 : i32
      %lt3A_75 = arith.cmpi slt, %add3A_74, %lt3A : i32
      %convert_element_type3A = arith.extui %lt3A_75 : i1 to i32
      %cond3A = arith.constant 0 : i32
      %cond3A_76 = arith.cmpi ne, %convert_element_type3A, %cond3A : i32
      scf.if %cond3A_76 {
        %add3A_104 = arith.addi %mul3A_4, %add3A_74 : i32
        %dma_start3A_105 = arith.constant 0 : i32
        %dma_start3A_106 = arith.constant 0 : i32
        %dma_start3A_107 = arith.constant 0 : i32
        %dma_start3A_108 = tpu.memref_slice %arg5[%dma_start3A_105, %dma_start3A_107] : memref<2x128xi32, #tpu.memory_space<vmem>> -> memref<1x128xi32, #tpu.memory_space<vmem>>
        %dma_start3A_109 = tpu.memref_squeeze %dma_start3A_108 : memref<1x128xi32, #tpu.memory_space<vmem>> -> memref<128xi32, #tpu.memory_space<vmem>>
        %dma_start3A_110 = arith.constant 0 : i32
        %dma_start3A_111 = tpu.memref_slice %arg2[%add3A_104, %dma_start3A_110] : memref<2560x128xi32, #tpu.memory_space<hbm>> -> memref<1x128xi32, #tpu.memory_space<hbm>>
        %dma_start3A_112 = tpu.memref_squeeze %dma_start3A_111 : memref<1x128xi32, #tpu.memory_space<hbm>> -> memref<128xi32, #tpu.memory_space<hbm>>
        %dma_start3A_113 = tpu.memref_slice %arg8[%dma_start3A_106] : memref<2x!tpu.dma_semaphore, #tpu.memory_space<semaphore_mem>> -> memref<1x!tpu.dma_semaphore, #tpu.memory_space<semaphore_mem>>
        %dma_start3A_114 = tpu.memref_squeeze %dma_start3A_113 : memref<1x!tpu.dma_semaphore, #tpu.memory_space<semaphore_mem>> -> memref<!tpu.dma_semaphore, #tpu.memory_space<semaphore_mem>>
        %dma_start3A_115 = arith.constant 0 : i32
        %dma_start3A_116 = tpu.memref_slice %arg5[%dma_start3A_105, %dma_start3A_115] : memref<2x128xi32, #tpu.memory_space<vmem>> -> memref<1x128xi32, #tpu.memory_space<vmem>>
        %dma_start3A_117 = tpu.memref_squeeze %dma_start3A_116 : memref<1x128xi32, #tpu.memory_space<vmem>> -> memref<128xi32, #tpu.memory_space<vmem>>
        %dma_start3A_118 = arith.constant 0 : i32
        %dma_start3A_119 = tpu.memref_slice %arg2[%add3A_104, %dma_start3A_118] : memref<2560x128xi32, #tpu.memory_space<hbm>> -> memref<1x128xi32, #tpu.memory_space<hbm>>
        %dma_start3A_120 = tpu.memref_squeeze %dma_start3A_119 : memref<1x128xi32, #tpu.memory_space<hbm>> -> memref<128xi32, #tpu.memory_space<hbm>>
        tpu.enqueue_dma source(%dma_start3A_120 : memref<128xi32, #tpu.memory_space<hbm>>) target(%dma_start3A_117 : memref<128xi32, #tpu.memory_space<vmem>>) target_semaphore(%dma_start3A_114 : memref<!tpu.dma_semaphore, #tpu.memory_space<semaphore_mem>>)
      } else {
      }
      %add3A_77 = arith.constant 1 : i32
      %add3A_78 = arith.addi %add3A_54, %add3A_77 : i32
      %add3A_79 = arith.addi %mul3A_4, %add3A_78 : i32
      %dma_wait3A_80 = arith.constant 1 : i32
      %dma_wait3A_81 = arith.constant 1 : i32
      %dma_wait3A_82 = arith.constant 0 : i32
      %dma_wait3A_83 = tpu.memref_slice %arg5[%dma_wait3A_80, %dma_wait3A_82] : memref<2x128xi32, #tpu.memory_space<vmem>> -> memref<1x128xi32, #tpu.memory_space<vmem>>
      %dma_wait3A_84 = tpu.memref_squeeze %dma_wait3A_83 : memref<1x128xi32, #tpu.memory_space<vmem>> -> memref<128xi32, #tpu.memory_space<vmem>>
      %dma_wait3A_85 = arith.constant 0 : i32
      %dma_wait3A_86 = tpu.memref_slice %arg2[%add3A_79, %dma_wait3A_85] : memref<2560x128xi32, #tpu.memory_space<hbm>> -> memref<1x128xi32, #tpu.memory_space<hbm>>
      %dma_wait3A_87 = tpu.memref_squeeze %dma_wait3A_86 : memref<1x128xi32, #tpu.memory_space<hbm>> -> memref<128xi32, #tpu.memory_space<hbm>>
      %dma_wait3A_88 = tpu.memref_slice %arg8[%dma_wait3A_81] : memref<2x!tpu.dma_semaphore, #tpu.memory_space<semaphore_mem>> -> memref<1x!tpu.dma_semaphore, #tpu.memory_space<semaphore_mem>>
      %dma_wait3A_89 = tpu.memref_squeeze %dma_wait3A_88 : memref<1x!tpu.dma_semaphore, #tpu.memory_space<semaphore_mem>> -> memref<!tpu.dma_semaphore, #tpu.memory_space<semaphore_mem>>
      %dma_wait3A_90 = arith.constant 0 : i32
      %dma_wait3A_91 = tpu.memref_slice %arg5[%dma_wait3A_80, %dma_wait3A_90] : memref<2x128xi32, #tpu.memory_space<vmem>> -> memref<1x128xi32, #tpu.memory_space<vmem>>
      %dma_wait3A_92 = tpu.memref_squeeze %dma_wait3A_91 : memref<1x128xi32, #tpu.memory_space<vmem>> -> memref<128xi32, #tpu.memory_space<vmem>>
      %dma_wait3A_93 = arith.constant 0 : i32
      %dma_wait3A_94 = tpu.memref_slice %arg2[%add3A_79, %dma_wait3A_93] : memref<2560x128xi32, #tpu.memory_space<hbm>> -> memref<1x128xi32, #tpu.memory_space<hbm>>
      %dma_wait3A_95 = tpu.memref_squeeze %dma_wait3A_94 : memref<1x128xi32, #tpu.memory_space<hbm>> -> memref<128xi32, #tpu.memory_space<hbm>>
      tpu.wait_dma2 semaphore(%dma_wait3A_89 : memref<!tpu.dma_semaphore, #tpu.memory_space<semaphore_mem>>) src(%dma_wait3A_95 : memref<128xi32, #tpu.memory_space<hbm>>) dst(%dma_wait3A_92 : memref<128xi32, #tpu.memory_space<vmem>>)
      %run_scoped3A_96 = arith.constant 1 : i32
      "tpu.region"() ({
        %run_scoped3A_104 = tpu.sem_alloc : memref<!tpu.dma_semaphore, #tpu.memory_space<semaphore_mem>>
        %dma_start3A_105 = arith.constant 0 : i32
        %dma_start3A_106 = tpu.memref_slice %arg5[%run_scoped3A_96, %dma_start3A_105] : memref<2x128xi32, #tpu.memory_space<vmem>> -> memref<1x128xi32, #tpu.memory_space<vmem>>
        %dma_start3A_107 = tpu.memref_squeeze %dma_start3A_106 : memref<1x128xi32, #tpu.memory_space<vmem>> -> memref<128xi32, #tpu.memory_space<vmem>>
        %dma_start3A_108 = arith.constant 0 : i32
        %dma_start3A_109 = arith.constant 0 : i32
        %dma_start3A_110 = tpu.memref_slice %arg7[%dma_start3A_108, %dma_start3A_109] : memref<10112x128xf32, #tpu.memory_space<vmem_shared>> -> memref<10112x128xf32, #tpu.memory_space<vmem_shared>>
        tpu.enqueue_indirect_dma source(%arg6 : memref<128x128xf32, #tpu.memory_space<vmem>>) target(%dma_start3A_110 : memref<10112x128xf32, #tpu.memory_space<vmem_shared>>) offsets(%dma_start3A_107 : memref<128xi32, #tpu.memory_space<vmem>>) semaphore(%run_scoped3A_104 : memref<!tpu.dma_semaphore, #tpu.memory_space<semaphore_mem>>) {add = true}
        %dma_wait3A_111 = arith.constant 0 : i32
        %dma_wait3A_112 = tpu.memref_slice %arg5[%run_scoped3A_96, %dma_wait3A_111] : memref<2x128xi32, #tpu.memory_space<vmem>> -> memref<1x128xi32, #tpu.memory_space<vmem>>
        %dma_wait3A_113 = tpu.memref_squeeze %dma_wait3A_112 : memref<1x128xi32, #tpu.memory_space<vmem>> -> memref<128xi32, #tpu.memory_space<vmem>>
        %dma_wait3A_114 = arith.constant 0 : i32
        %dma_wait3A_115 = arith.constant 0 : i32
        %dma_wait3A_116 = tpu.memref_slice %arg7[%dma_wait3A_114, %dma_wait3A_115] : memref<10112x128xf32, #tpu.memory_space<vmem_shared>> -> memref<10112x128xf32, #tpu.memory_space<vmem_shared>>
        tpu.wait_indirect_dma semaphore(%run_scoped3A_104 : memref<!tpu.dma_semaphore, #tpu.memory_space<semaphore_mem>>) src(%arg6 : memref<128x128xf32, #tpu.memory_space<vmem>>) dst(%dma_wait3A_116 : memref<10112x128xf32, #tpu.memory_space<vmem_shared>>)
        tpu.yield
      }) : () -> ()
      %add3A_97 = arith.constant 2 : i32
      %add3A_98 = arith.addi %add3A_78, %add3A_97 : i32
      %lt3A_99 = arith.constant 80 : i32
      %lt3A_100 = arith.cmpi slt, %add3A_98, %lt3A_99 : i32
      %convert_element_type3A_101 = arith.extui %lt3A_100 : i1 to i32
      %cond3A_102 = arith.constant 0 : i32
      %cond3A_103 = arith.cmpi ne, %convert_element_type3A_101, %cond3A_102 : i32
      scf.if %cond3A_103 {
        %add3A_104 = arith.addi %mul3A_4, %add3A_98 : i32
        %dma_start3A_105 = arith.constant 1 : i32
        %dma_start3A_106 = arith.constant 1 : i32
        %dma_start3A_107 = arith.constant 0 : i32
        %dma_start3A_108 = tpu.memref_slice %arg5[%dma_start3A_105, %dma_start3A_107] : memref<2x128xi32, #tpu.memory_space<vmem>> -> memref<1x128xi32, #tpu.memory_space<vmem>>
        %dma_start3A_109 = tpu.memref_squeeze %dma_start3A_108 : memref<1x128xi32, #tpu.memory_space<vmem>> -> memref<128xi32, #tpu.memory_space<vmem>>
        %dma_start3A_110 = arith.constant 0 : i32
        %dma_start3A_111 = tpu.memref_slice %arg2[%add3A_104, %dma_start3A_110] : memref<2560x128xi32, #tpu.memory_space<hbm>> -> memref<1x128xi32, #tpu.memory_space<hbm>>
        %dma_start3A_112 = tpu.memref_squeeze %dma_start3A_111 : memref<1x128xi32, #tpu.memory_space<hbm>> -> memref<128xi32, #tpu.memory_space<hbm>>
        %dma_start3A_113 = tpu.memref_slice %arg8[%dma_start3A_106] : memref<2x!tpu.dma_semaphore, #tpu.memory_space<semaphore_mem>> -> memref<1x!tpu.dma_semaphore, #tpu.memory_space<semaphore_mem>>
        %dma_start3A_114 = tpu.memref_squeeze %dma_start3A_113 : memref<1x!tpu.dma_semaphore, #tpu.memory_space<semaphore_mem>> -> memref<!tpu.dma_semaphore, #tpu.memory_space<semaphore_mem>>
        %dma_start3A_115 = arith.constant 0 : i32
        %dma_start3A_116 = tpu.memref_slice %arg5[%dma_start3A_105, %dma_start3A_115] : memref<2x128xi32, #tpu.memory_space<vmem>> -> memref<1x128xi32, #tpu.memory_space<vmem>>
        %dma_start3A_117 = tpu.memref_squeeze %dma_start3A_116 : memref<1x128xi32, #tpu.memory_space<vmem>> -> memref<128xi32, #tpu.memory_space<vmem>>
        %dma_start3A_118 = arith.constant 0 : i32
        %dma_start3A_119 = tpu.memref_slice %arg2[%add3A_104, %dma_start3A_118] : memref<2560x128xi32, #tpu.memory_space<hbm>> -> memref<1x128xi32, #tpu.memory_space<hbm>>
        %dma_start3A_120 = tpu.memref_squeeze %dma_start3A_119 : memref<1x128xi32, #tpu.memory_space<hbm>> -> memref<128xi32, #tpu.memory_space<hbm>>
        tpu.enqueue_dma source(%dma_start3A_120 : memref<128xi32, #tpu.memory_space<hbm>>) target(%dma_start3A_117 : memref<128xi32, #tpu.memory_space<vmem>>) target_semaphore(%dma_start3A_114 : memref<!tpu.dma_semaphore, #tpu.memory_space<semaphore_mem>>)
      } else {
      }
    }
    %scan3A_48 = arith.constant 40 : i32
    %barrier3A_49 = arith.constant 0 : index
    tpu.barrier barrier_id(%barrier3A_49)
    "tpu.region"() ({
      %run_scoped3A = tpu.sem_alloc : memref<!tpu.dma_semaphore, #tpu.memory_space<semaphore_mem>>
      %dma_start3A_50 = arith.constant 0 : i32
      %dma_start3A_51 = tpu.memref_slice %arg4[%arg0, %mul3A_2, %dma_start3A_50] : memref<2x10112x128xf32, #tpu.memory_space<hbm>> -> memref<1x632x128xf32, #tpu.memory_space<hbm>>
      %dma_start3A_52 = tpu.memref_squeeze %dma_start3A_51 : memref<1x632x128xf32, #tpu.memory_space<hbm>> -> memref<632x128xf32, #tpu.memory_space<hbm>>
      %dma_start3A_53 = arith.constant 0 : i32
      %dma_start3A_54 = tpu.memref_slice %arg7[%mul3A_2, %dma_start3A_53] : memref<10112x128xf32, #tpu.memory_space<vmem_shared>> -> memref<632x128xf32, #tpu.memory_space<vmem_shared>>
      tpu.enqueue_dma source(%dma_start3A_54 : memref<632x128xf32, #tpu.memory_space<vmem_shared>>) target(%dma_start3A_52 : memref<632x128xf32, #tpu.memory_space<hbm>>) target_semaphore(%run_scoped3A : memref<!tpu.dma_semaphore, #tpu.memory_space<semaphore_mem>>)
      %dma_wait3A = arith.constant 0 : i32
      %dma_wait3A_55 = tpu.memref_slice %arg4[%arg0, %mul3A_2, %dma_wait3A] : memref<2x10112x128xf32, #tpu.memory_space<hbm>> -> memref<1x632x128xf32, #tpu.memory_space<hbm>>
      %dma_wait3A_56 = tpu.memref_squeeze %dma_wait3A_55 : memref<1x632x128xf32, #tpu.memory_space<hbm>> -> memref<632x128xf32, #tpu.memory_space<hbm>>
      %dma_wait3A_57 = arith.constant 0 : i32
      %dma_wait3A_58 = tpu.memref_slice %arg7[%mul3A_2, %dma_wait3A_57] : memref<10112x128xf32, #tpu.memory_space<vmem_shared>> -> memref<632x128xf32, #tpu.memory_space<vmem_shared>>
      tpu.wait_dma2 semaphore(%run_scoped3A : memref<!tpu.dma_semaphore, #tpu.memory_space<semaphore_mem>>) src(%dma_wait3A_58 : memref<632x128xf32, #tpu.memory_space<vmem_shared>>) dst(%dma_wait3A_56 : memref<632x128xf32, #tpu.memory_space<hbm>>)
      tpu.yield
    }) : () -> ()
    return
  }
}

module attributes {stable_mosaic.version = 14 : i64} {
  func.func @_mm_kernel(%arg0: i32, %arg1: memref<632x128xf32, #tpu.memory_space<vmem>>, %arg2: memref<128x128xf32, #tpu.memory_space<vmem>>, %arg3: memref<632x128xf32, #tpu.memory_space<vmem>>) attributes {dimension_semantics = [#tpu.dimension_semantics<arbitrary>], iteration_bounds = array<i64: 16>, scalar_prefetch = 0 : i64, scratch_operands = 0 : i64, tpu.core_type = #tpu.core_type<tc>, window_params = [{transform_indices = @transform_0, window_bounds = array<i64: 632, 128>}, {pipeline_mode = #tpu.pipeline_mode<synchronous>, transform_indices = @transform_1, window_bounds = array<i64: 128, 128>}, {transform_indices = @transform_2, window_bounds = array<i64: 632, 128>}]} {
    %get3A = arith.constant 0 : index
    %get3A_0 = arith.constant 0 : index
    %get3A_1 = vector.load %arg1[%get3A, %get3A_0] : memref<632x128xf32, #tpu.memory_space<vmem>>, vector<632x128xf32>
    %get3A_2 = arith.constant 0 : index
    %get3A_3 = arith.constant 0 : index
    %get3A_4 = vector.load %arg2[%get3A_2, %get3A_3] : memref<128x128xf32, #tpu.memory_space<vmem>>, vector<128x128xf32>
    %dot_general3A = arith.constant dense<0.000000e+00> : vector<632x128xf32>
    %dot_general3A_5 = tpu.matmul %get3A_1, %get3A_4, %dot_general3A {dimension_numbers = #tpu.dot_dimension_numbers<[1], [0], [0], [1], [0, 0, 1, 1], [], []>, precision = #tpu.contract_precision<fp32>, transpose_lhs_hint = false} : vector<632x128xf32>, vector<128x128xf32>, vector<632x128xf32> -> vector<632x128xf32>
    %swap3A = arith.constant 0 : index
    %swap3A_6 = arith.constant 0 : index
    %swap3A_7 = vector.load %arg3[%swap3A, %swap3A_6] : memref<632x128xf32, #tpu.memory_space<vmem>>, vector<632x128xf32>
    tpu.vector_store %arg3[%swap3A, %swap3A_6], %dot_general3A_5 {strides = array<i32>} : memref<632x128xf32, #tpu.memory_space<vmem>>, vector<632x128xf32>,
    return
  }
  func.func @transform_0(%arg0: i32) -> (i32, i32) {
    %c0_i32 = arith.constant 0 : i32
    %c0_i32_0 = arith.constant 0 : i32
    return %arg0, %c0_i32 : i32, i32
  }
  func.func @transform_1(%arg0: i32) -> (i32, i32) {
    %c0_i32 = arith.constant 0 : i32
    %c0_i32_0 = arith.constant 0 : i32
    %c0_i32_1 = arith.constant 0 : i32
    return %c0_i32, %c0_i32_0 : i32, i32
  }
  func.func @transform_2(%arg0: i32) -> (i32, i32) {
    %c0_i32 = arith.constant 0 : i32
    %c0_i32_0 = arith.constant 0 : i32
    return %arg0, %c0_i32 : i32, i32
  }
}

module attributes {stable_mosaic.version = 14 : i64} {
  func.func @_mid_kernel(%arg0: i32, %arg1: memref<2x632x128xf32, #tpu.memory_space<vmem>>, %arg2: memref<2x632x128xf32, #tpu.memory_space<vmem>>, %arg3: memref<1x128xf32, #tpu.memory_space<vmem>>, %arg4: memref<128x128xf32, #tpu.memory_space<vmem>>, %arg5: memref<632x128xf32, #tpu.memory_space<vmem>>) attributes {dimension_semantics = [#tpu.dimension_semantics<arbitrary>], iteration_bounds = array<i64: 16>, scalar_prefetch = 0 : i64, scratch_operands = 0 : i64, tpu.core_type = #tpu.core_type<tc>, window_params = [{transform_indices = @transform_0, window_bounds = array<i64: 2, 632, 128>}, {transform_indices = @transform_1, window_bounds = array<i64: 2, 632, 128>}, {pipeline_mode = #tpu.pipeline_mode<synchronous>, transform_indices = @transform_2, window_bounds = array<i64: 1, 128>}, {pipeline_mode = #tpu.pipeline_mode<synchronous>, transform_indices = @transform_3, window_bounds = array<i64: 128, 128>}, {transform_indices = @transform_4, window_bounds = array<i64: 632, 128>}]} {
    %get3A = arith.constant 0 : index
    %get3A_0 = arith.constant 0 : index
    %get3A_1 = arith.constant 0 : index
    %get3A_2 = vector.load %arg2[%get3A, %get3A_0, %get3A_1] : memref<2x632x128xf32, #tpu.memory_space<vmem>>, vector<1x632x1xf32>
    %get3A_3 = vector.shape_cast %get3A_2 : vector<1x632x1xf32> to vector<632x1xf32>
    %get3A_4 = arith.constant 1 : index
    %get3A_5 = arith.constant 0 : index
    %get3A_6 = arith.constant 0 : index
    %get3A_7 = vector.load %arg2[%get3A_4, %get3A_5, %get3A_6] : memref<2x632x128xf32, #tpu.memory_space<vmem>>, vector<1x632x1xf32>
    %get3A_8 = vector.shape_cast %get3A_7 : vector<1x632x1xf32> to vector<632x1xf32>
    %add3A = arith.addf %get3A_3, %get3A_8 : vector<632x1xf32>
    %max3A = arith.constant 1.000000e+00 : f32
    %max3A_9 = vector.broadcast %max3A : f32 to vector<632x1xf32>
    %max3A_10 = arith.maximumf %add3A, %max3A_9 : vector<632x1xf32>
    %div3A = arith.constant 1.000000e+00 : f32
    %div3A_11 = vector.broadcast %div3A : f32 to vector<632x1xf32>
    %div3A_12 = arith.divf %div3A_11, %max3A_10 : vector<632x1xf32>
    %get3A_13 = arith.constant 0 : index
    %get3A_14 = arith.constant 0 : index
    %get3A_15 = arith.constant 0 : index
    %get3A_16 = vector.load %arg1[%get3A_13, %get3A_14, %get3A_15] : memref<2x632x128xf32, #tpu.memory_space<vmem>>, vector<1x632x128xf32>
    %get3A_17 = vector.shape_cast %get3A_16 : vector<1x632x128xf32> to vector<632x128xf32>
    %get3A_18 = arith.constant 1 : index
    %get3A_19 = arith.constant 0 : index
    %get3A_20 = arith.constant 0 : index
    %get3A_21 = vector.load %arg1[%get3A_18, %get3A_19, %get3A_20] : memref<2x632x128xf32, #tpu.memory_space<vmem>>, vector<1x632x128xf32>
    %get3A_22 = vector.shape_cast %get3A_21 : vector<1x632x128xf32> to vector<632x128xf32>
    %add3A_23 = arith.addf %get3A_17, %get3A_22 : vector<632x128xf32>
    %mul3A = vector.broadcast %div3A_12 : vector<632x1xf32> to vector<632x128xf32>
    %mul3A_24 = arith.mulf %add3A_23, %mul3A : vector<632x128xf32>
    %get3A_25 = arith.constant 0 : index
    %get3A_26 = arith.constant 0 : index
    %get3A_27 = vector.load %arg3[%get3A_25, %get3A_26] : memref<1x128xf32, #tpu.memory_space<vmem>>, vector<1x128xf32>
    %add3A_28 = vector.broadcast %get3A_27 : vector<1x128xf32> to vector<632x128xf32>
    %add3A_29 = arith.addf %mul3A_24, %add3A_28 : vector<632x128xf32>
    %max3A_30 = arith.constant 0.000000e+00 : f32
    %max3A_31 = vector.broadcast %max3A_30 : f32 to vector<632x128xf32>
    %max3A_32 = arith.maximumf %add3A_29, %max3A_31 : vector<632x128xf32>
    %get3A_33 = arith.constant 0 : index
    %get3A_34 = arith.constant 0 : index
    %get3A_35 = vector.load %arg4[%get3A_33, %get3A_34] : memref<128x128xf32, #tpu.memory_space<vmem>>, vector<128x128xf32>
    %dot_general3A = arith.constant dense<0.000000e+00> : vector<632x128xf32>
    %dot_general3A_36 = tpu.matmul %max3A_32, %get3A_35, %dot_general3A {dimension_numbers = #tpu.dot_dimension_numbers<[1], [0], [0], [1], [0, 0, 1, 1], [], []>, precision = #tpu.contract_precision<fp32>, transpose_lhs_hint = false} : vector<632x128xf32>, vector<128x128xf32>, vector<632x128xf32> -> vector<632x128xf32>
    %swap3A = arith.constant 0 : index
    %swap3A_37 = arith.constant 0 : index
    %swap3A_38 = vector.load %arg5[%swap3A, %swap3A_37] : memref<632x128xf32, #tpu.memory_space<vmem>>, vector<632x128xf32>
    tpu.vector_store %arg5[%swap3A, %swap3A_37], %dot_general3A_36 {strides = array<i32>} : memref<632x128xf32, #tpu.memory_space<vmem>>, vector<632x128xf32>,
    return
  }
  func.func @transform_0(%arg0: i32) -> (i32, i32, i32) {
    %c0_i32 = arith.constant 0 : i32
    %c0_i32_0 = arith.constant 0 : i32
    %c0_i32_1 = arith.constant 0 : i32
    return %c0_i32, %arg0, %c0_i32_0 : i32, i32, i32
  }
  func.func @transform_1(%arg0: i32) -> (i32, i32, i32) {
    %c0_i32 = arith.constant 0 : i32
    %c0_i32_0 = arith.constant 0 : i32
    %c0_i32_1 = arith.constant 0 : i32
    return %c0_i32, %arg0, %c0_i32_0 : i32, i32, i32
  }
  func.func @transform_2(%arg0: i32) -> (i32, i32) {
    %c0_i32 = arith.constant 0 : i32
    %c0_i32_0 = arith.constant 0 : i32
    %c0_i32_1 = arith.constant 0 : i32
    return %c0_i32, %c0_i32_0 : i32, i32
  }
  func.func @transform_3(%arg0: i32) -> (i32, i32) {
    %c0_i32 = arith.constant 0 : i32
    %c0_i32_0 = arith.constant 0 : i32
    %c0_i32_1 = arith.constant 0 : i32
    return %c0_i32, %c0_i32_0 : i32, i32
  }
  func.func @transform_4(%arg0: i32) -> (i32, i32) {
    %c0_i32 = arith.constant 0 : i32
    %c0_i32_0 = arith.constant 0 : i32
    return %arg0, %c0_i32 : i32, i32
  }
}

module attributes {stable_mosaic.version = 14 : i64} {
  func.func @_final_kernel(%arg0: i32, %arg1: memref<2x632x128xf32, #tpu.memory_space<vmem>>, %arg2: memref<2x632x128xf32, #tpu.memory_space<vmem>>, %arg3: memref<1x128xf32, #tpu.memory_space<vmem>>, %arg4: memref<632x128xf32, #tpu.memory_space<vmem>>) attributes {dimension_semantics = [#tpu.dimension_semantics<arbitrary>], iteration_bounds = array<i64: 16>, scalar_prefetch = 0 : i64, scratch_operands = 0 : i64, tpu.core_type = #tpu.core_type<tc>, window_params = [{transform_indices = @transform_0, window_bounds = array<i64: 2, 632, 128>}, {transform_indices = @transform_1, window_bounds = array<i64: 2, 632, 128>}, {pipeline_mode = #tpu.pipeline_mode<synchronous>, transform_indices = @transform_2, window_bounds = array<i64: 1, 128>}, {transform_indices = @transform_3, window_bounds = array<i64: 632, 128>}]} {
    %get3A = arith.constant 0 : index
    %get3A_0 = arith.constant 0 : index
    %get3A_1 = arith.constant 0 : index
    %get3A_2 = vector.load %arg2[%get3A, %get3A_0, %get3A_1] : memref<2x632x128xf32, #tpu.memory_space<vmem>>, vector<1x632x1xf32>
    %get3A_3 = vector.shape_cast %get3A_2 : vector<1x632x1xf32> to vector<632x1xf32>
    %get3A_4 = arith.constant 1 : index
    %get3A_5 = arith.constant 0 : index
    %get3A_6 = arith.constant 0 : index
    %get3A_7 = vector.load %arg2[%get3A_4, %get3A_5, %get3A_6] : memref<2x632x128xf32, #tpu.memory_space<vmem>>, vector<1x632x1xf32>
    %get3A_8 = vector.shape_cast %get3A_7 : vector<1x632x1xf32> to vector<632x1xf32>
    %add3A = arith.addf %get3A_3, %get3A_8 : vector<632x1xf32>
    %max3A = arith.constant 1.000000e+00 : f32
    %max3A_9 = vector.broadcast %max3A : f32 to vector<632x1xf32>
    %max3A_10 = arith.maximumf %add3A, %max3A_9 : vector<632x1xf32>
    %div3A = arith.constant 1.000000e+00 : f32
    %div3A_11 = vector.broadcast %div3A : f32 to vector<632x1xf32>
    %div3A_12 = arith.divf %div3A_11, %max3A_10 : vector<632x1xf32>
    %get3A_13 = arith.constant 0 : index
    %get3A_14 = arith.constant 0 : index
    %get3A_15 = arith.constant 0 : index
    %get3A_16 = vector.load %arg1[%get3A_13, %get3A_14, %get3A_15] : memref<2x632x128xf32, #tpu.memory_space<vmem>>, vector<1x632x128xf32>
    %get3A_17 = vector.shape_cast %get3A_16 : vector<1x632x128xf32> to vector<632x128xf32>
    %get3A_18 = arith.constant 1 : index
    %get3A_19 = arith.constant 0 : index
    %get3A_20 = arith.constant 0 : index
    %get3A_21 = vector.load %arg1[%get3A_18, %get3A_19, %get3A_20] : memref<2x632x128xf32, #tpu.memory_space<vmem>>, vector<1x632x128xf32>
    %get3A_22 = vector.shape_cast %get3A_21 : vector<1x632x128xf32> to vector<632x128xf32>
    %add3A_23 = arith.addf %get3A_17, %get3A_22 : vector<632x128xf32>
    %mul3A = vector.broadcast %div3A_12 : vector<632x1xf32> to vector<632x128xf32>
    %mul3A_24 = arith.mulf %add3A_23, %mul3A : vector<632x128xf32>
    %get3A_25 = arith.constant 0 : index
    %get3A_26 = arith.constant 0 : index
    %get3A_27 = vector.load %arg3[%get3A_25, %get3A_26] : memref<1x128xf32, #tpu.memory_space<vmem>>, vector<1x128xf32>
    %add3A_28 = vector.broadcast %get3A_27 : vector<1x128xf32> to vector<632x128xf32>
    %add3A_29 = arith.addf %mul3A_24, %add3A_28 : vector<632x128xf32>
    %swap3A = arith.constant 0 : index
    %swap3A_30 = arith.constant 0 : index
    %swap3A_31 = vector.load %arg4[%swap3A, %swap3A_30] : memref<632x128xf32, #tpu.memory_space<vmem>>, vector<632x128xf32>
    tpu.vector_store %arg4[%swap3A, %swap3A_30], %add3A_29 {strides = array<i32>} : memref<632x128xf32, #tpu.memory_space<vmem>>, vector<632x128xf32>,
    return
  }
  func.func @transform_0(%arg0: i32) -> (i32, i32, i32) {
    %c0_i32 = arith.constant 0 : i32
    %c0_i32_0 = arith.constant 0 : i32
    %c0_i32_1 = arith.constant 0 : i32
    return %c0_i32, %arg0, %c0_i32_0 : i32, i32, i32
  }
  func.func @transform_1(%arg0: i32) -> (i32, i32, i32) {
    %c0_i32 = arith.constant 0 : i32
    %c0_i32_0 = arith.constant 0 : i32
    %c0_i32_1 = arith.constant 0 : i32
    return %c0_i32, %arg0, %c0_i32_0 : i32, i32, i32
  }
  func.func @transform_2(%arg0: i32) -> (i32, i32) {
    %c0_i32 = arith.constant 0 : i32
    %c0_i32_0 = arith.constant 0 : i32
    %c0_i32_1 = arith.constant 0 : i32
    return %c0_i32, %c0_i32_0 : i32, i32
  }
  func.func @transform_3(%arg0: i32) -> (i32, i32) {
    %c0_i32 = arith.constant 0 : i32
    %c0_i32_0 = arith.constant 0 : i32
    return %arg0, %c0_i32 : i32, i32
  }
}

</mosaic_0001>

<sc_bundles>
// kernel: kernel.11.cloned.1.call-start
scs
__scs_entry_jumppad:
0x0: {  	(pc) =	sbr.rel $0x88, $3  }
0x1: {  	(tag) =	ssettag $0x0;
	lr =	simm.s32 $0x1  }
0x2: {  	[smem:$0x3F9B] =	sst lr;
	_ =	strace $0xD0000000  }
0x3: {  	_ = 	snop  }
0x4: {  	_ = 	snop  }
0x5: {  	_ = 	snop  }
0x6: {  	_ = 	snop  }
0x7: {  	_ = 	snop  }
__scs_overlays_trampoline_lowered:
0x8: {  	[smem:$0x3FAA] =	sst s0  }
0x9: {  	[smem:$0x3FAB] =	sst s1  }
0xa: {  	[smem:$0x3FAC] =	sst s2  }
0xb: {  	[smem:$0x3FAD] =	sst s3  }
0xc: {  	[smem:$0x3FAE] =	sst s4  }
0xd: {  	[smem:$0x3FAF] =	sst s5  }
0xe: {  	[smem:$0x3FB0] =	sst s6  }
0xf: {  	[smem:$0x3FB1] =	sst s7  }
0x10: {  	[smem:$0x3FB2] =	sst s8  }
0x11: {  	[smem:$0x3FB3] =	sst s9;
	s0 =	simm.s32 @!p0 $0x0  }
0x12: {  	s1 =	sld [smem:$0x3F99];
	s0 =	simm.s32 @p0 $0x1  }
0x13: {  	[smem:$0x3FB4] =	sst s0;
	s0 =	simm.s32 @!p1 $0x0  }
0x14: {  	s2 =	sld [smem:$0x3F98];
	s0 =	simm.s32 @p1 $0x1  }
0x15: {  	[smem:$0x3FB5] =	sst s0;
	s0 =	simm.s32 @!p2 $0x0  }
0x16: {  	s3 =	sld [smem:$0x3FDB];
	s0 =	simm.s32 @p2 $0x1  }
0x17: {  	s4 =	simm.s32 $0x1BF5;
	[smem:$0x3FB7] =	sst s0  }
0x18: {  	s0 =	sld [smem:$0x3F9A];
	_ =	swait.ge [sflag:s4], $0x0  }
0x19: {  	s7 =	sld [smem:$0x3F9B]  }
0x1a: {  	s8 =	sadd.s32 $0xFFFFE003, lr  }
0x1b: {  	s9 =	sadd.s32 $0xFFFFFEF7, lr;
	s5 =	simm.s32 $0xFFFFFFFF;
	p2 =	slt.u32 s8, $0xFFFFF086  }
0x1c: {  	p1 =	slt.u32 s9, $0xF7A;
	s5 =	simm.s32 @!p2 $0x0  }
0x1d: {  	s5 =	simm.s32 @p1 $0x1;
	p0 =	seq.s32 s7, s2  }
0x1e: {  	s7 =	smul.u32 @!p0 $0xF7A, s2;
	p2 =	seq.s32 @!p0 s5, $0x0  }
0x1f: {  	s9 =	smul.u32 $0xF7A, s1;
	s8 =	simm.s32 @!p0 $0x1BF5;
	p2 =	por !p2, p0  }
0x20: {  	[sflag:s8] =	ssyncset.s32 @!p0 $0xFFFFF086;
	s6 =	sadd.s32 @!p0 s3, s7;
	s7 =	simm.s32 @!p0 $0x108  }
0x21: {  	s3 =	sadd.s32 s3, s9;
	s6 =	sadd.s32 @!p0 $0x88, s6;
	s7 =	simm.s32 @p2 $0x1082  }
0x22: {  	[simem:s7], [sflag:s8] =	dma.local @!p0 [hbm:s6], $0xF7A  }
0x23: {  	s9 =	sor.u32 $0xD0000000, s2;
	s6 =	simm.s32 $0x108;
	_ =	swait.ge @!p0 [sflag:s8], $0x0  }
0x24: {  	s3 =	sadd.s32 $0x88, s3;
	s6 =	simm.s32 @!p1 $0x1082;
	[sflag:s4] =	ssyncset.s32 $0xFFFFF086  }
0x25: {  	[simem:s6], [sflag:s4] =	dma.local [hbm:s3], $0xF7A  }
0x26: {  	[smem:$0x3F9B] =	sst s1;
	(tag) =	ssettag s2;
	_ =	strace s9  }
0x27: {  	s1 =	sld [smem:$0x3FAB]  }
0x28: {  	s2 =	sld [smem:$0x3FAC]  }
0x29: {  	s4 =	sld [smem:$0x3FAE]  }
0x2a: {  	p0 =	seq.s32 s5, $0x0;
	s5 =	sld [smem:$0x3FAF]  }
0x2b: {  	s6 =	sld [smem:$0x3FB0]  }
0x2c: {  	s7 =	sld [smem:$0x3FB1]  }
0x2d: {  	s3 =	simm.s32 $0x108;
	s8 =	sld [smem:$0x3FB2]  }
0x2e: {  	s3 =	simm.s32 @!p0 $0x1082;
	s9 =	sld [smem:$0x3FB3]  }
0x2f: {  	lr =	sadd.s32 s0, s3;
	s0 =	sld [smem:$0x3FAA]  }
0x30: {  	s3 =	sld [smem:$0x3FAD]  }
0x31: {  	[smem:$0x3FB6] =	sst s10  }
0x32: {  	s10 =	sld [smem:$0x3FB4];
	_ =	sdelay $0x3  }
0x33: {  	p0 =	seq.s32 s10, $0x1;
	s10 =	sld [smem:$0x3FB6];
	_ =	sdelay $0x3  }
0x34: {  	[smem:$0x3FB6] =	sst s10  }
0x35: {  	s10 =	sld [smem:$0x3FB5];
	_ =	sdelay $0x3  }
0x36: {  	p1 =	seq.s32 s10, $0x1;
	s10 =	sld [smem:$0x3FB6];
	_ =	sdelay $0x3  }
0x37: {  	[smem:$0x3FB6] =	sst s10  }
0x38: {  	s10 =	sld [smem:$0x3FB7]  }
0x39: {  	_ = 	snop;
	(pc) =	sbr.ind lr, $3  }
0x3a: {  	_ = 	snop  }
0x3b: {  	_ = 	snop  }
0x3c: {  	p2 =	seq.s32 s10, $0x1;
	s10 =	sld [smem:$0x3FB6]  }
0x3d: {  	_ =	shalt  }
0x3e: {  	_ =	shalt  }
0x3f: {  	_ =	shalt  }
0x40: {  	_ =	shalt  }
0x41: {  	_ =	shalt  }
0x42: {  	_ =	shalt  }
0x43: {  	_ =	shalt  }
0x44: {  	_ =	shalt  }
0x45: {  	_ =	shalt  }
0x46: {  	_ =	shalt  }
0x47: {  	_ =	shalt  }
0x48: {  	_ =	shalt  }
0x49: {  	_ =	shalt  }
0x4a: {  	_ =	shalt  }
0x4b: {  	_ =	shalt  }
0x4c: {  	_ =	shalt  }
0x4d: {  	_ =	shalt  }
0x4e: {  	_ =	shalt  }
0x4f: {  	_ =	shalt  }
0x50: {  	_ =	shalt  }
0x51: {  	_ =	shalt  }
0x52: {  	_ =	shalt  }
0x53: {  	_ =	shalt  }
0x54: {  	_ =	shalt  }
0x55: {  	_ =	shalt  }
0x56: {  	_ =	shalt  }
0x57: {  	_ =	shalt  }
0x58: {  	_ =	shalt  }
0x59: {  	_ =	shalt  }
0x5a: {  	_ =	shalt  }
0x5b: {  	_ =	shalt  }
0x5c: {  	_ =	shalt  }
0x5d: {  	_ =	shalt  }
0x5e: {  	_ =	shalt  }
0x5f: {  	_ =	shalt  }
0x60: {  	_ =	shalt  }
0x61: {  	_ =	shalt  }
0x62: {  	_ =	shalt  }
0x63: {  	_ =	shalt  }
0x64: {  	_ =	shalt  }
0x65: {  	_ =	shalt  }
0x66: {  	_ =	shalt  }
0x67: {  	_ =	shalt  }
0x68: {  	_ =	shalt  }
0x69: {  	_ =	shalt  }
0x6a: {  	_ =	shalt  }
0x6b: {  	_ =	shalt  }
0x6c: {  	_ =	shalt  }
0x6d: {  	_ =	shalt  }
0x6e: {  	_ =	shalt  }
0x6f: {  	_ =	shalt  }
0x70: {  	_ =	shalt  }
0x71: {  	_ =	shalt  }
0x72: {  	_ =	shalt  }
0x73: {  	_ =	shalt  }
0x74: {  	_ =	shalt  }
0x75: {  	_ =	shalt  }
0x76: {  	_ =	shalt  }
0x77: {  	_ =	shalt  }
0x78: {  	_ =	shalt  }
0x79: {  	_ =	shalt  }
0x7a: {  	_ =	shalt  }
0x7b: {  	_ =	shalt  }
0x7c: {  	_ =	shalt  }
0x7d: {  	_ =	shalt  }
0x7e: {  	_ =	shalt  }
0x7f: {  	_ =	shalt  }
0x80: {  	_ =	shalt  }
0x81: {  	_ =	shalt  }
0x82: {  	_ =	shalt  }
0x83: {  	_ =	shalt  }
0x84: {  	_ =	shalt  }
0x85: {  	_ =	shalt  }
0x86: {  	_ =	shalt  }
0x87: {  	_ =	shalt  }
.Lfunc_end0:
.L_simem_size_0:
called_computation.1_lowered:
.L_overlay_start_0:
0x88: {  	s2 =	sld [smem:$0x3FD9]  }
0x89: {  	s3 =	sld [smem:$0x3FFE];
	_ =	sdelay $0x1  }
0x8a: {  	s1 =	srdreg.scid  }
0x8b: {  	s0 =	sand.u32 $0x1, s1  }
0x8c: {  	s17 =	sshll.u32 s0, $0xA;
	s2 =	sadd.s32 s3, s2  }
0x8d: {  	s2 =	sadd.s32 s2, s17  }
0x8e: {  	[smem:$0x3FC2] =	sst s2  }
0x8f: {  	_ = 	snop  }
0x90: {  	s2 =	sld [smem:$0x3FD0];
	(tm) =	ssettm $0x1  }
0x91: {  	s18 =	sld [smem:$0x3FFB];
	_ =	sdelay $0x3  }
0x92: {  	_ =	strace s18  }
0x93: {  	s3 =	sld [smem:$0x3FFC];
	_ =	sdelay $0x3  }
0x94: {  	_ =	strace s3  }
0x95: {  	s3 =	sld [smem:$0x3FFD];
	_ =	sdelay $0x3  }
0x96: {  	_ =	strace s3  }
0x97: {  	_ =	strace $0x8FFFFFFF  }
0x98: {  	s19 =	sld [smem:$0x3FDB];
	_ =	sdelay $0x1  }
0x99: {  	s4 =	simm.s32 $_scs_section_size  }
0x9a: {  	s5 =	simm.s32 $_size__tile_overlayer_lowered;
	s6 =	simm.s32 $_tile_overlayer_lowered  }
0x9b: {  	s22 =	simm.s32 $0x1BFF;
	s21 =	sshll.u32 s6, $0x1;
	s3 =	sadd.s32 s4, s19  }
0x9c: {  	s7 =	simm.s32 $0x0;
	s20 =	sshll.u32 s5, $0x1;
	s5 =	sadd.s32 s21, s3  }
0x9d: {  	[timem:s7], [sflag:s22] =	dma.local [hbm:s5], s20  }
0x9e: {  	_ =	swait.ge [sflag:s22], s20  }
0x9f: {  	s4 =	ssub.s32 $0x0, s20;
	[sflag:s22] =	ssyncset.done $0x0  }
0xa0: {  	[sflag:s22] =	ssyncadd.s32 s4;
	_ =	sdelay $0x1  }
0xa1: {  	s23 =	simm.s32 $0x1B8B  }
0xa2: {  	_ =	swait.ge [sflag:s23], $0x1  }
0xa3: {  	[sflag:s23] =	ssyncset.done $0x0  }
0xa4: {  	s25 =	simm.s32 $0x1B8E;
	s24 =	sld [smem:$0x3FFE];
	[sflag:s23] =	ssyncadd.s32 $0xFFFFFFFF  }
0xa5: {  	s26 =	simm.s32 $execute0_lowered;
	[smem:$0x3FD2] =	sst s25  }
0xa6: {  	s5 =	sshll.u32 s26, $0x1;
	_ =	strace $0x80000046;
	[dreg:$0x1] =	wrdreg $0xFFFFFFFF  }
0xa7: {  	s28 =	simm.s32 $_size_execute0_lowered;
	s3 =	sadd.s32 s3, s5;
	[dreg:$0x0] =	wrdreg $0x0  }
0xa8: {  	s5 =	sshll.u32 s28, $0x1;
	[dreg:$0x2] =	wrdreg s3  }
0xa9: {  	[dreg:$0x3] =	wrdreg s5  }
0xaa: {  	[dreg:$0x4] =	wrdreg $0xC0  }
0xab: {  	_ =	task [dreg:s7], $0x5FFFF  }
0xac: {  	[dreg:$0x1] =	wrdreg $0xFFFFFFFF  }
0xad: {  	[dreg:$0x0] =	wrdreg $0x60  }
0xae: {  	[dreg:$0x2] =	wrdreg s24  }
0xaf: {  	[dreg:$0x3] =	wrdreg s2  }
0xb0: {  	[dreg:$0x4] =	wrdreg $0x82000  }
0xb1: {  	[dreg:$0x5] =	wrdreg $0xA  }
0xb2: {  	_ =	task.clear_ibuf [dreg:s7], $0x6FFFF;
	_ =	strace $0x90000046  }
0xb3: {  	s29 =	simm.s32 $0xA;
	_ =	strace $0x80000048  }
0xb4: {  	_ =	swait.ge [sflag:s29], $0x1  }
0xb5: {  	[sflag:s29] =	ssyncadd.s32 $0xFFFFFFFF  }
0xb6: {  	_ =	strace $0x90000048  }
0xb7: {  	_ =	sfence  }
0xb8: {  	s30 =	sld [smem:$0x0];
	_ =	sdelay $0x2  }
0xb9: {  	s31 =	sshll.u32 s1, $0xD;
	s1 =	sshrl.u32 s1, $0x2  }
0xba: {  	s3 =	sand.u32 $0x4000, s31;
	s1 =	sadd.s32 s1, s30  }
0xbb: {  	s0 =	sor.u32 s3, s0;
	s1 =	sshll.u32 s1, $0x11  }
0xbc: {  	s0 =	sor.u32 s1, s0  }
0xbd: {  	s0 =	sadd.s32 $0x8F2B, s0  }
0xbe: {  	[sflag:s0] =	ssyncadd.remote.s32 $0x1  }
0xbf: {  	_ =	sfence.sel $0xFFFF  }
0xc0: {  	[dreg:$0x0] =	wrdreg $0xFFFFFFFF;
	(pc) =	sbr.abs _section_cstart, $3  }
0xc1: {  	[dreg:$0x1] =	wrdreg $0xFFFFFFFF  }
0xc2: {  	_ =	task.clear_ibuf [dreg:s7], $0x2FFFF;
	_ =	strace $0x9FFFFFFF  }
0xc3: {  	(tm) =	ssettm $0x7FFFFFFF  }
tec
execute0_lowered:
.L_overlay_start_1:
0x0: {  	(tag) =	ssettag $0x1  }
0x1: {  	s5 =	rddreg [dreg:$0x0]  }
0x2: {  	s9 =	rddreg [dreg:$0x1];
	s0 =	stileid.u32  }
0x3: {  	s1 =	srdreg.scid;
	s2 =	rddreg [dreg:$0x2];
	s3 =	simm.s32 $0x0  }
0x4: {  	s16 =	simm.s32 $0x80;
	s17 =	simm.s32 $0x200;
	s18 =	simm.s32 $0x100  }
0x5: {  	s19 =	simm.s32 $0x4200;
	s20 =	simm.s32 $0x1;
	s6 =	smul.u32 $0x13C00, s0  }
0x6: {  	s21 =	simm.s32 $0x2;
	s22 =	simm.s32 $0x180;
	s10 =	smul.u32 $0x4F000, s0  }
0x7: {  	s7 =	sand.u32 $0x1, s1;
	s1 =	rddreg [dreg:$0x3];
	s11 =	smul.u32 $0xEC0, s0  }
0x8: {  	s23 =	simm.s32 $0x0;
	[smem:$0x7FF] =	sst s3;
	s28 =	smul.u32 $0x2A00, s0  }
0x9: {  	s4 =	sadd.s32 $0xBE00, s5;
	s29 =	sshll.u32 s0, $0x6;
	s30 =	smul.u32 $0x540, s0  }
0xa: {  	s8 =	smul.u32 $0x13C000, s7;
	_ =	strace $0x80000047;
	s25 =	ssub.s32 $0x2, s7  }
0xb: {  	p0 =	seq.s32 s7, $0x1;
	s26 =	sshrl.u32 s25, $0x1;
	s10 =	sshrl.u32 s10, $0x2  }
0xc: {  	s15 =	sshrl.u32 s28, $0x3;
	s7 =	sadd.s32 s9, s11;
	s8 =	sadd.s32 s6, s8  }
0xd: {  	s6 =	sshrl.u32 s6, $0x3;
	s13 =	ssub.s32 s25, s26;
	s14 =	sadd.s32 s10, s2  }
.Ltmp0:
0xe: {  	s31 =	sadd.s32 s9, s15;
	s15 =	simm.s32 $0x3;
	(pc) =	sbr.rel .LBB2_1-.Ltmp0, $4  }
0xf: {  	s8 =	sshrl.u32 s8, $0x3;
	s6 =	sadd.s32 s6, s5;
	s11 =	sadd.s32 $0xEC20, s31  }
0x10: {  	s13 =	smax.u32 s13, $0x1;
	s14 =	sshrl.u32 s14, $0x3;
	s12 =	sadd.s32 s8, s5  }
0x11: {  	s5 =	sadd.s32 $0x33600, s6;
	s6 =	sor.u32 $0x1C03, s29;
	s8 =	sadd.s32 s30, s9  }
0x12: {  	s9 =	sadd.s32 $0x20, s7;
	s10 =	sadd.s32 $0xEC00, s8;
	s12 =	sadd.s32 $0x5AE00, s12  }
.LBB2_7:
0x13: {  	[tilespmem:s19], [sflag:$0x2] =	stream.indirect.gather [hbm4b:s4+s16], $0x80, s18, s16, $0xb8;
	[tilespmem:$0x1BE00] =	vst v63  }
.LBB2_8:
0x14: {  	_ =	swait.ge [sflag:s20], $0x4000  }
0x15: {  	[sflag:s20] =	ssyncset.done $0x0  }
0x16: {  	[sflag:s20] =	ssyncadd.s32 $0xFFFFC000  }
0x17: {  	[spmem:s2] =	stream.indirect.scatter.add.f32 [tilespmem:s17], [sflag:$0x3], $0x80, s16, s16, $0xb8;
	[tilespmem:$0x1BE00] =	vst v63  }
0x18: {  	_ =	swait.ge [sflag:s15], $0x4000  }
0x19: {  	[sflag:s15] =	ssyncset.done $0x0  }
0x1a: {  	[sflag:s15] =	ssyncadd.s32 $0xFFFFC000  }
0x1b: {  	_ =	swait.ge [sflag:s21], $0x4000  }
0x1c: {  	[sflag:s21] =	ssyncset.done $0x0  }
0x1d: {  	[sflag:s21] =	ssyncadd.s32 $0xFFFFC000  }
0x1e: {  	[spmem:s2] =	stream.indirect.scatter.add.f32 [tilespmem:s19], [sflag:$0x3], $0x80, s22, s16, $0xb8;
	[tilespmem:$0x1BE00] =	vst v63  }
0x1f: {  	_ =	swait.ge [sflag:s15], $0x4000  }
0x20: {  	s23 =	sadd.s32 $0x1, s23;
	[sflag:s15] =	ssyncset.done $0x0  }
0x21: {  	p1 =	sne.s32 s23, s13;
	[sflag:s15] =	ssyncadd.s32 $0xFFFFC000  }
.Ltmp1:
0x22: {  	[bflag:$0x0] =	sbarrier.arrive $0xFFFF;
	(pc) =	sbr.rel @!p1 .LBB2_9-.Ltmp1, $4  }
0x23: {  	[hbm:s12], [sflag:s6] =	dma.local [spmem:s14], $0x2780  }
0x24: {  	_ =	swait.ge [sflag:s15], $0x2780  }
0x25: {  	[sflag:s15] =	ssyncset.done $0x0  }
0x26: {  	[sflag:s15] =	ssyncadd.s32 $0xFFFFD880  }
.LBB2_1:
0x27: {  	[spmem:s14], [sflag:s6] =	dma.local [hbm:s5], $0x2780  }
.Ltmp2:
0x28: {  	_ =	swait.ge [sflag:s15], $0x2780;
	(pc) =	sbr.rel @!p0 .LBB2_2-.Ltmp2, $3  }
0x29: {  	[sflag:s15] =	ssyncset.done $0x0  }
0x2a: {  	[sflag:s15] =	ssyncadd.s32 $0xFFFFD880  }
0x2b: {  	[bflag:$0x0] =	sbarrier.arrive $0xFFFF;
	_ =	sdelay $0x1  }
0x2c: {  	[tilespmem:s3], [sflag:$0x3] =	stream.linear.gather [hbm4b:s10+s3], $0x100, $0x38;
	[tilespmem:$0x1BE00] =	vst v63  }
0x2d: {  	_ =	swait.ge [sflag:s15], $0x100  }
0x2e: {  	[sflag:s15] =	ssyncset.done $0x0  }
0x2f: {  	[sflag:s15] =	ssyncadd.s32 $0xFFFFFF00  }
0x30: {  	[tilespmem:s17], [sflag:$0x1] =	stream.indirect.gather [hbm4b:s4+s16], $0x80, s3, s16, $0xb8;
	[tilespmem:$0x1BE00] =	vst v63  }
0x31: {  	_ = 	snop  }
0x32: {  	[tilespmem:s18], [sflag:$0x3] =	stream.linear.gather [hbm4b:s11+s3], $0x100, $0x38;
	[tilespmem:$0x1BE00] =	vst v63  }
0x33: {  	_ =	swait.ge [sflag:s15], $0x100  }
0x34: {  	[sflag:s15] =	ssyncset.done $0x0  }
0x35: {  	[sflag:s15] =	ssyncadd.s32 $0xFFFFFF00  }
0x36: {  	[tilespmem:s19], [sflag:$0x2] =	stream.indirect.gather [hbm4b:s4+s16], $0x80, s18, s16, $0xb8;
	[tilespmem:$0x1BE00] =	vst v63  }
0x37: {  	_ =	swait.ge [sflag:s20], $0x4000  }
0x38: {  	[sflag:s20] =	ssyncset.done $0x0  }
0x39: {  	[sflag:s20] =	ssyncadd.s32 $0xFFFFC000  }
0x3a: {  	[spmem:s2] =	stream.indirect.scatter.add.f32 [tilespmem:s17], [sflag:$0x3], $0x80, s16, s16, $0xb8;
	[tilespmem:$0x1BE00] =	vst v63  }
0x3b: {  	_ =	swait.ge [sflag:s15], $0x4000  }
0x3c: {  	s24 =	sadd.s32 $0xFFFFFB00, s8;
	[sflag:s15] =	ssyncset.done $0x0  }
0x3d: {  	s25 =	sadd.s32 $0xF140, s24;
	[sflag:s15] =	ssyncadd.s32 $0xFFFFC000  }
0x3e: {  	[tilespmem:s3], [sflag:$0x3] =	stream.linear.gather [hbm4b:s25+s3], $0x100, $0x38;
	[tilespmem:$0x1BE00] =	vst v63  }
0x3f: {  	_ =	swait.ge [sflag:s15], $0x100  }
0x40: {  	[sflag:s15] =	ssyncset.done $0x0  }
0x41: {  	[sflag:s15] =	ssyncadd.s32 $0xFFFFFF00  }
0x42: {  	[tilespmem:s17], [sflag:$0x1] =	stream.indirect.gather [hbm4b:s4+s16], $0x80, s3, s16, $0xb8;
	[tilespmem:$0x1BE00] =	vst v63  }
0x43: {  	_ =	swait.ge [sflag:s21], $0x4000  }
0x44: {  	[sflag:s21] =	ssyncset.done $0x0  }
0x45: {  	[sflag:s21] =	ssyncadd.s32 $0xFFFFC000  }
0x46: {  	[spmem:s2] =	stream.indirect.scatter.add.f32 [tilespmem:s19], [sflag:$0x3], $0x80, s22, s16, $0xb8;
	[tilespmem:$0x1BE00] =	vst v63  }
0x47: {  	_ =	swait.ge [sflag:s15], $0x4000  }
0x48: {  	[sflag:s15] =	ssyncset.done $0x0  }
0x49: {  	s24 =	sadd.s32 $0xF160, s24;
	[sflag:s15] =	ssyncadd.s32 $0xFFFFC000  }
0x4a: {  	[tilespmem:s18], [sflag:$0x3] =	stream.linear.gather [hbm4b:s24+s3], $0x100, $0x38;
	[tilespmem:$0x1BE00] =	vst v63  }
0x4b: {  	_ =	swait.ge [sflag:s15], $0x100  }
0x4c: {  	[sflag:s15] =	ssyncset.done $0x0  }
0x4d: {  	s24 =	simm.s32 $0xFFFFFB40;
	[sflag:s15] =	ssyncadd.s32 $0xFFFFFF00  }
.LBB2_6:
0x4e: {  	[tilespmem:s19], [sflag:$0x2] =	stream.indirect.gather [hbm4b:s4+s16], $0x80, s18, s16, $0xb8;
	[tilespmem:$0x1BE00] =	vst v63  }
0x4f: {  	s25 =	smov.u32 s24  }
0x50: {  	p1 =	sne.s32 s24, $0xFFFFFFC0;
	s24 =	sadd.s32 $0x40, s24;
	_ =	swait.ge [sflag:s20], $0x4000  }
0x51: {  	[sflag:s20] =	ssyncset.done $0x0  }
0x52: {  	[sflag:s20] =	ssyncadd.s32 $0xFFFFC000  }
0x53: {  	[spmem:s2] =	stream.indirect.scatter.add.f32 [tilespmem:s17], [sflag:$0x3], $0x80, s16, s16, $0xb8;
	[tilespmem:$0x1BE00] =	vst v63  }
0x54: {  	_ =	swait.ge [sflag:s15], $0x4000  }
0x55: {  	s25 =	sadd.s32 s25, s8;
	[sflag:s15] =	ssyncset.done $0x0  }
0x56: {  	s26 =	sadd.s32 $0xF140, s25;
	[sflag:s15] =	ssyncadd.s32 $0xFFFFC000  }
0x57: {  	[tilespmem:s3], [sflag:$0x3] =	stream.linear.gather [hbm4b:s26+s3], $0x100, $0x38;
	[tilespmem:$0x1BE00] =	vst v63  }
0x58: {  	_ =	swait.ge [sflag:s15], $0x100  }
0x59: {  	[sflag:s15] =	ssyncset.done $0x0  }
0x5a: {  	[sflag:s15] =	ssyncadd.s32 $0xFFFFFF00  }
0x5b: {  	[tilespmem:s17], [sflag:$0x1] =	stream.indirect.gather [hbm4b:s4+s16], $0x80, s3, s16, $0xb8;
	[tilespmem:$0x1BE00] =	vst v63  }
0x5c: {  	_ =	swait.ge [sflag:s21], $0x4000  }
0x5d: {  	[sflag:s21] =	ssyncset.done $0x0  }
0x5e: {  	[sflag:s21] =	ssyncadd.s32 $0xFFFFC000  }
0x5f: {  	[spmem:s2] =	stream.indirect.scatter.add.f32 [tilespmem:s19], [sflag:$0x3], $0x80, s22, s16, $0xb8;
	[tilespmem:$0x1BE00] =	vst v63  }
0x60: {  	_ =	swait.ge [sflag:s15], $0x4000  }
0x61: {  	[sflag:s15] =	ssyncset.done $0x0  }
.Ltmp3:
0x62: {  	s25 =	sadd.s32 $0xF160, s25;
	[sflag:s15] =	ssyncadd.s32 $0xFFFFC000;
	(pc) =	sbr.rel @p1 .LBB2_6-.Ltmp3, $4  }
0x63: {  	[tilespmem:s18], [sflag:$0x3] =	stream.linear.gather [hbm4b:s25+s3], $0x100, $0x38;
	[tilespmem:$0x1BE00] =	vst v63  }
0x64: {  	_ =	swait.ge [sflag:s15], $0x100  }
0x65: {  	[sflag:s15] =	ssyncset.done $0x0  }
0x66: {  	[sflag:s15] =	ssyncadd.s32 $0xFFFFFF00  }
.Ltmp4:
0x67: {  	_ = 	snop;
	(pc) =	sbr.rel .LBB2_7-.Ltmp4, $1  }
0x68: {  	_ =	sdelay $0x3  }
.LBB2_2:
0x69: {  	[tilespmem:s3], [sflag:$0x3] =	stream.linear.gather [hbm4b:s7+s3], $0x100, $0x38;
	[tilespmem:$0x1BE00] =	vst v63  }
0x6a: {  	_ =	swait.ge [sflag:s15], $0x100  }
0x6b: {  	[sflag:s15] =	ssyncset.done $0x0  }
0x6c: {  	[sflag:s15] =	ssyncadd.s32 $0xFFFFFF00  }
0x6d: {  	[tilespmem:s17], [sflag:$0x1] =	stream.indirect.gather [hbm4b:s4+s16], $0x80, s3, s16, $0xb8;
	[tilespmem:$0x1BE00] =	vst v63  }
0x6e: {  	_ = 	snop  }
0x6f: {  	[tilespmem:s18], [sflag:$0x3] =	stream.linear.gather [hbm4b:s9+s3], $0x100, $0x38;
	[tilespmem:$0x1BE00] =	vst v63  }
0x70: {  	_ =	swait.ge [sflag:s15], $0x100  }
0x71: {  	[sflag:s15] =	ssyncset.done $0x0  }
0x72: {  	[sflag:s15] =	ssyncadd.s32 $0xFFFFFF00  }
0x73: {  	[tilespmem:s19], [sflag:$0x2] =	stream.indirect.gather [hbm4b:s4+s16], $0x80, s18, s16, $0xb8;
	[tilespmem:$0x1BE00] =	vst v63  }
0x74: {  	_ =	swait.ge [sflag:s20], $0x4000  }
0x75: {  	[sflag:s20] =	ssyncset.done $0x0  }
0x76: {  	[sflag:s20] =	ssyncadd.s32 $0xFFFFC000  }
0x77: {  	[spmem:s2] =	stream.indirect.scatter.add.f32 [tilespmem:s17], [sflag:$0x3], $0x80, s16, s16, $0xb8;
	[tilespmem:$0x1BE00] =	vst v63  }
0x78: {  	_ =	swait.ge [sflag:s15], $0x4000  }
0x79: {  	s24 =	sadd.s32 $0xFFFFF180, s7;
	[sflag:s15] =	ssyncset.done $0x0  }
0x7a: {  	s25 =	sadd.s32 $0xEC0, s24;
	[sflag:s15] =	ssyncadd.s32 $0xFFFFC000  }
0x7b: {  	[tilespmem:s3], [sflag:$0x3] =	stream.linear.gather [hbm4b:s25+s3], $0x100, $0x38;
	[tilespmem:$0x1BE00] =	vst v63  }
0x7c: {  	_ =	swait.ge [sflag:s15], $0x100  }
0x7d: {  	[sflag:s15] =	ssyncset.done $0x0  }
0x7e: {  	[sflag:s15] =	ssyncadd.s32 $0xFFFFFF00  }
0x7f: {  	[tilespmem:s17], [sflag:$0x1] =	stream.indirect.gather [hbm4b:s4+s16], $0x80, s3, s16, $0xb8;
	[tilespmem:$0x1BE00] =	vst v63  }
0x80: {  	_ =	swait.ge [sflag:s21], $0x4000  }
0x81: {  	[sflag:s21] =	ssyncset.done $0x0  }
0x82: {  	[sflag:s21] =	ssyncadd.s32 $0xFFFFC000  }
0x83: {  	[spmem:s2] =	stream.indirect.scatter.add.f32 [tilespmem:s19], [sflag:$0x3], $0x80, s22, s16, $0xb8;
	[tilespmem:$0x1BE00] =	vst v63  }
0x84: {  	_ =	swait.ge [sflag:s15], $0x4000  }
0x85: {  	[sflag:s15] =	ssyncset.done $0x0  }
0x86: {  	s24 =	sadd.s32 $0xEE0, s24;
	[sflag:s15] =	ssyncadd.s32 $0xFFFFC000  }
0x87: {  	[tilespmem:s18], [sflag:$0x3] =	stream.linear.gather [hbm4b:s24+s3], $0x100, $0x38;
	[tilespmem:$0x1BE00] =	vst v63  }
0x88: {  	_ =	swait.ge [sflag:s15], $0x100  }
0x89: {  	[sflag:s15] =	ssyncset.done $0x0  }
0x8a: {  	s24 =	simm.s32 $0xFFFFF1C0;
	[sflag:s15] =	ssyncadd.s32 $0xFFFFFF00  }
.LBB2_3:
0x8b: {  	[tilespmem:s19], [sflag:$0x2] =	stream.indirect.gather [hbm4b:s4+s16], $0x80, s18, s16, $0xb8;
	[tilespmem:$0x1BE00] =	vst v63  }
0x8c: {  	s25 =	smov.u32 s24  }
0x8d: {  	p1 =	seq.s32 s24, $0xFFFFFFC0;
	s24 =	sadd.s32 $0x40, s24;
	_ =	swait.ge [sflag:s20], $0x4000  }
0x8e: {  	[sflag:s20] =	ssyncset.done $0x0  }
0x8f: {  	[sflag:s20] =	ssyncadd.s32 $0xFFFFC000  }
0x90: {  	[spmem:s2] =	stream.indirect.scatter.add.f32 [tilespmem:s17], [sflag:$0x3], $0x80, s16, s16, $0xb8;
	[tilespmem:$0x1BE00] =	vst v63  }
0x91: {  	_ =	swait.ge [sflag:s15], $0x4000  }
0x92: {  	s25 =	sadd.s32 s25, s7;
	[sflag:s15] =	ssyncset.done $0x0  }
0x93: {  	s26 =	sadd.s32 $0xEC0, s25;
	[sflag:s15] =	ssyncadd.s32 $0xFFFFC000  }
0x94: {  	[tilespmem:s3], [sflag:$0x3] =	stream.linear.gather [hbm4b:s26+s3], $0x100, $0x38;
	[tilespmem:$0x1BE00] =	vst v63  }
0x95: {  	_ =	swait.ge [sflag:s15], $0x100  }
0x96: {  	[sflag:s15] =	ssyncset.done $0x0  }
0x97: {  	[sflag:s15] =	ssyncadd.s32 $0xFFFFFF00  }
0x98: {  	[tilespmem:s17], [sflag:$0x1] =	stream.indirect.gather [hbm4b:s4+s16], $0x80, s3, s16, $0xb8;
	[tilespmem:$0x1BE00] =	vst v63  }
0x99: {  	_ =	swait.ge [sflag:s21], $0x4000  }
0x9a: {  	[sflag:s21] =	ssyncset.done $0x0  }
0x9b: {  	[sflag:s21] =	ssyncadd.s32 $0xFFFFC000  }
0x9c: {  	[spmem:s2] =	stream.indirect.scatter.add.f32 [tilespmem:s19], [sflag:$0x3], $0x80, s22, s16, $0xb8;
	[tilespmem:$0x1BE00] =	vst v63  }
0x9d: {  	_ =	swait.ge [sflag:s15], $0x4000  }
0x9e: {  	[sflag:s15] =	ssyncset.done $0x0  }
.Ltmp5:
0x9f: {  	s25 =	sadd.s32 $0xEE0, s25;
	[sflag:s15] =	ssyncadd.s32 $0xFFFFC000;
	(pc) =	sbr.rel @!p1 .LBB2_3-.Ltmp5, $4  }
0xa0: {  	[tilespmem:s18], [sflag:$0x3] =	stream.linear.gather [hbm4b:s25+s3], $0x100, $0x38;
	[tilespmem:$0x1BE00] =	vst v63  }
0xa1: {  	_ =	swait.ge [sflag:s15], $0x100  }
0xa2: {  	[sflag:s15] =	ssyncset.done $0x0  }
0xa3: {  	[sflag:s15] =	ssyncadd.s32 $0xFFFFFF00  }
.Ltmp6:
0xa4: {  	(pc) =	sbr.rel .LBB2_8-.Ltmp6, $2  }
0xa5: {  	_ =	sdelay $0x2  }
0xa6: {  	[tilespmem:s19], [sflag:$0x2] =	stream.indirect.gather [hbm4b:s4+s16], $0x80, s18, s16, $0xb8;
	[tilespmem:$0x1BE00] =	vst v63  }
.LBB2_9:
0xa7: {  	_ =	sfence.sel $0x180000  }
0xa8: {  	[bflag:$0x0] =	sbarrier.arrive $0xFFFF  }
0xa9: {  	p0 =	sne.s32 s0, $0x0;
	_ =	strace $0x90000047  }
0xaa: {  	s0 =	sadd.s32 @!p0 $0x100000, s1;
	[bflag:$0x2] =	sbarrier.arrive $0xFFFF  }
0xab: {  	[sflag:s0] =	ssyncadd.tile.s32 @!p0 $0x1;
	_ =	shalt  }
.Lfunc_end2:
_tile_overlayer_lowered:
.L_overlay_start_2:
0xac: {  	(tag) =	ssettag $0x2  }
0xad: {  	s0 =	rddreg [dreg:$0x0];
	s2 =	stileid.u32  }
0xae: {  	s1 =	rddreg [dreg:$0x1];
	p0 =	sne.s32 s2, $0x0  }
0xaf: {  	s3 =	rddreg [dreg:$0x2];
	[bflag:$0x3] =	sbarrier.arrive $0xFFFF;
	s2 =	simm.s32 @!p0 $0x1C03  }
0xb0: {  	[timem:s3], [sflag:s2] =	dma.local @!p0 [hbm:s0], s1  }
0xb1: {  	s0 =	simm.s32 @!p0 $0x3  }
0xb2: {  	_ =	swait.ge @!p0 [sflag:s0], s1  }
0xb3: {  	s1 =	ssub.s32 @!p0 $0x0, s1;
	[sflag:s0] =	ssyncset.done @!p0 $0x0  }
0xb4: {  	[sflag:s0] =	ssyncadd.s32 @!p0 s1  }
0xb5: {  	[bflag:$0x3] =	sbarrier.arrive $0xFFFF  }
0xb6: {  	_ =	shalt  }

// kernel: kernel.14.cloned.1.call-start
scs
__scs_entry_jumppad:
0x0: {  	(pc) =	sbr.rel $0x88, $3  }
0x1: {  	(tag) =	ssettag $0x0;
	lr =	simm.s32 $0x1  }
0x2: {  	[smem:$0x3F9B] =	sst lr;
	_ =	strace $0xD0000000  }
0x3: {  	_ = 	snop  }
0x4: {  	_ = 	snop  }
0x5: {  	_ = 	snop  }
0x6: {  	_ = 	snop  }
0x7: {  	_ = 	snop  }
__scs_overlays_trampoline_lowered:
0x8: {  	[smem:$0x3FAA] =	sst s0  }
0x9: {  	[smem:$0x3FAB] =	sst s1  }
0xa: {  	[smem:$0x3FAC] =	sst s2  }
0xb: {  	[smem:$0x3FAD] =	sst s3  }
0xc: {  	[smem:$0x3FAE] =	sst s4  }
0xd: {  	[smem:$0x3FAF] =	sst s5  }
0xe: {  	[smem:$0x3FB0] =	sst s6  }
0xf: {  	[smem:$0x3FB1] =	sst s7  }
0x10: {  	[smem:$0x3FB2] =	sst s8  }
0x11: {  	[smem:$0x3FB3] =	sst s9;
	s0 =	simm.s32 @!p0 $0x0  }
0x12: {  	s1 =	sld [smem:$0x3F99];
	s0 =	simm.s32 @p0 $0x1  }
0x13: {  	[smem:$0x3FB4] =	sst s0;
	s0 =	simm.s32 @!p1 $0x0  }
0x14: {  	s2 =	sld [smem:$0x3F98];
	s0 =	simm.s32 @p1 $0x1  }
0x15: {  	[smem:$0x3FB5] =	sst s0;
	s0 =	simm.s32 @!p2 $0x0  }
0x16: {  	s3 =	sld [smem:$0x3FDB];
	s0 =	simm.s32 @p2 $0x1  }
0x17: {  	s4 =	simm.s32 $0x1BF5;
	[smem:$0x3FB7] =	sst s0  }
0x18: {  	s0 =	sld [smem:$0x3F9A];
	_ =	swait.ge [sflag:s4], $0x0  }
0x19: {  	s7 =	sld [smem:$0x3F9B]  }
0x1a: {  	s8 =	sadd.s32 $0xFFFFE003, lr  }
0x1b: {  	s9 =	sadd.s32 $0xFFFFFEF7, lr;
	s5 =	simm.s32 $0xFFFFFFFF;
	p2 =	slt.u32 s8, $0xFFFFF086  }
0x1c: {  	p1 =	slt.u32 s9, $0xF7A;
	s5 =	simm.s32 @!p2 $0x0  }
0x1d: {  	s5 =	simm.s32 @p1 $0x1;
	p0 =	seq.s32 s7, s2  }
0x1e: {  	s7 =	smul.u32 @!p0 $0xF7A, s2;
	p2 =	seq.s32 @!p0 s5, $0x0  }
0x1f: {  	s9 =	smul.u32 $0xF7A, s1;
	s8 =	simm.s32 @!p0 $0x1BF5;
	p2 =	por !p2, p0  }
0x20: {  	[sflag:s8] =	ssyncset.s32 @!p0 $0xFFFFF086;
	s6 =	sadd.s32 @!p0 s3, s7;
	s7 =	simm.s32 @!p0 $0x108  }
0x21: {  	s3 =	sadd.s32 s3, s9;
	s6 =	sadd.s32 @!p0 $0x88, s6;
	s7 =	simm.s32 @p2 $0x1082  }
0x22: {  	[simem:s7], [sflag:s8] =	dma.local @!p0 [hbm:s6], $0xF7A  }
0x23: {  	s9 =	sor.u32 $0xD0000000, s2;
	s6 =	simm.s32 $0x108;
	_ =	swait.ge @!p0 [sflag:s8], $0x0  }
0x24: {  	s3 =	sadd.s32 $0x88, s3;
	s6 =	simm.s32 @!p1 $0x1082;
	[sflag:s4] =	ssyncset.s32 $0xFFFFF086  }
0x25: {  	[simem:s6], [sflag:s4] =	dma.local [hbm:s3], $0xF7A  }
0x26: {  	[smem:$0x3F9B] =	sst s1;
	(tag) =	ssettag s2;
	_ =	strace s9  }
0x27: {  	s1 =	sld [smem:$0x3FAB]  }
0x28: {  	s2 =	sld [smem:$0x3FAC]  }
0x29: {  	s4 =	sld [smem:$0x3FAE]  }
0x2a: {  	p0 =	seq.s32 s5, $0x0;
	s5 =	sld [smem:$0x3FAF]  }
0x2b: {  	s6 =	sld [smem:$0x3FB0]  }
0x2c: {  	s7 =	sld [smem:$0x3FB1]  }
0x2d: {  	s3 =	simm.s32 $0x108;
	s8 =	sld [smem:$0x3FB2]  }
0x2e: {  	s3 =	simm.s32 @!p0 $0x1082;
	s9 =	sld [smem:$0x3FB3]  }
0x2f: {  	lr =	sadd.s32 s0, s3;
	s0 =	sld [smem:$0x3FAA]  }
0x30: {  	s3 =	sld [smem:$0x3FAD]  }
0x31: {  	[smem:$0x3FB6] =	sst s10  }
0x32: {  	s10 =	sld [smem:$0x3FB4];
	_ =	sdelay $0x3  }
0x33: {  	p0 =	seq.s32 s10, $0x1;
	s10 =	sld [smem:$0x3FB6];
	_ =	sdelay $0x3  }
0x34: {  	[smem:$0x3FB6] =	sst s10  }
0x35: {  	s10 =	sld [smem:$0x3FB5];
	_ =	sdelay $0x3  }
0x36: {  	p1 =	seq.s32 s10, $0x1;
	s10 =	sld [smem:$0x3FB6];
	_ =	sdelay $0x3  }
0x37: {  	[smem:$0x3FB6] =	sst s10  }
0x38: {  	s10 =	sld [smem:$0x3FB7]  }
0x39: {  	_ = 	snop;
	(pc) =	sbr.ind lr, $3  }
0x3a: {  	_ = 	snop  }
0x3b: {  	_ = 	snop  }
0x3c: {  	p2 =	seq.s32 s10, $0x1;
	s10 =	sld [smem:$0x3FB6]  }
0x3d: {  	_ =	shalt  }
0x3e: {  	_ =	shalt  }
0x3f: {  	_ =	shalt  }
0x40: {  	_ =	shalt  }
0x41: {  	_ =	shalt  }
0x42: {  	_ =	shalt  }
0x43: {  	_ =	shalt  }
0x44: {  	_ =	shalt  }
0x45: {  	_ =	shalt  }
0x46: {  	_ =	shalt  }
0x47: {  	_ =	shalt  }
0x48: {  	_ =	shalt  }
0x49: {  	_ =	shalt  }
0x4a: {  	_ =	shalt  }
0x4b: {  	_ =	shalt  }
0x4c: {  	_ =	shalt  }
0x4d: {  	_ =	shalt  }
0x4e: {  	_ =	shalt  }
0x4f: {  	_ =	shalt  }
0x50: {  	_ =	shalt  }
0x51: {  	_ =	shalt  }
0x52: {  	_ =	shalt  }
0x53: {  	_ =	shalt  }
0x54: {  	_ =	shalt  }
0x55: {  	_ =	shalt  }
0x56: {  	_ =	shalt  }
0x57: {  	_ =	shalt  }
0x58: {  	_ =	shalt  }
0x59: {  	_ =	shalt  }
0x5a: {  	_ =	shalt  }
0x5b: {  	_ =	shalt  }
0x5c: {  	_ =	shalt  }
0x5d: {  	_ =	shalt  }
0x5e: {  	_ =	shalt  }
0x5f: {  	_ =	shalt  }
0x60: {  	_ =	shalt  }
0x61: {  	_ =	shalt  }
0x62: {  	_ =	shalt  }
0x63: {  	_ =	shalt  }
0x64: {  	_ =	shalt  }
0x65: {  	_ =	shalt  }
0x66: {  	_ =	shalt  }
0x67: {  	_ =	shalt  }
0x68: {  	_ =	shalt  }
0x69: {  	_ =	shalt  }
0x6a: {  	_ =	shalt  }
0x6b: {  	_ =	shalt  }
0x6c: {  	_ =	shalt  }
0x6d: {  	_ =	shalt  }
0x6e: {  	_ =	shalt  }
0x6f: {  	_ =	shalt  }
0x70: {  	_ =	shalt  }
0x71: {  	_ =	shalt  }
0x72: {  	_ =	shalt  }
0x73: {  	_ =	shalt  }
0x74: {  	_ =	shalt  }
0x75: {  	_ =	shalt  }
0x76: {  	_ =	shalt  }
0x77: {  	_ =	shalt  }
0x78: {  	_ =	shalt  }
0x79: {  	_ =	shalt  }
0x7a: {  	_ =	shalt  }
0x7b: {  	_ =	shalt  }
0x7c: {  	_ =	shalt  }
0x7d: {  	_ =	shalt  }
0x7e: {  	_ =	shalt  }
0x7f: {  	_ =	shalt  }
0x80: {  	_ =	shalt  }
0x81: {  	_ =	shalt  }
0x82: {  	_ =	shalt  }
0x83: {  	_ =	shalt  }
0x84: {  	_ =	shalt  }
0x85: {  	_ =	shalt  }
0x86: {  	_ =	shalt  }
0x87: {  	_ =	shalt  }
.Lfunc_end0:
.L_simem_size_0:
called_computation.2_lowered:
.L_overlay_start_0:
0x88: {  	s2 =	sld [smem:$0x3FD9]  }
0x89: {  	s3 =	sld [smem:$0x3FFE];
	_ =	sdelay $0x1  }
0x8a: {  	s1 =	srdreg.scid  }
0x8b: {  	s0 =	sand.u32 $0x1, s1  }
0x8c: {  	s17 =	sshll.u32 s0, $0xA;
	s2 =	sadd.s32 s3, s2  }
0x8d: {  	s2 =	sadd.s32 s2, s17  }
0x8e: {  	[smem:$0x3FC2] =	sst s2  }
0x8f: {  	_ = 	snop  }
0x90: {  	s2 =	sld [smem:$0x3FD0];
	(tm) =	ssettm $0x1  }
0x91: {  	s18 =	sld [smem:$0x3FFB];
	_ =	sdelay $0x3  }
0x92: {  	_ =	strace s18  }
0x93: {  	s3 =	sld [smem:$0x3FFC];
	_ =	sdelay $0x3  }
0x94: {  	_ =	strace s3  }
0x95: {  	s3 =	sld [smem:$0x3FFD];
	_ =	sdelay $0x3  }
0x96: {  	_ =	strace s3  }
0x97: {  	_ =	strace $0x8FFFFFFF  }
0x98: {  	s19 =	sld [smem:$0x3FDB];
	_ =	sdelay $0x1  }
0x99: {  	s4 =	simm.s32 $_scs_section_size  }
0x9a: {  	s5 =	simm.s32 $_size__tile_overlayer_lowered;
	s6 =	simm.s32 $_tile_overlayer_lowered  }
0x9b: {  	s22 =	simm.s32 $0x1BFF;
	s21 =	sshll.u32 s6, $0x1;
	s3 =	sadd.s32 s4, s19  }
0x9c: {  	s7 =	simm.s32 $0x0;
	s20 =	sshll.u32 s5, $0x1;
	s5 =	sadd.s32 s21, s3  }
0x9d: {  	[timem:s7], [sflag:s22] =	dma.local [hbm:s5], s20  }
0x9e: {  	_ =	swait.ge [sflag:s22], s20  }
0x9f: {  	s4 =	ssub.s32 $0x0, s20;
	[sflag:s22] =	ssyncset.done $0x0  }
0xa0: {  	[sflag:s22] =	ssyncadd.s32 s4;
	_ =	sdelay $0x1  }
0xa1: {  	s23 =	simm.s32 $0x1B8B  }
0xa2: {  	_ =	swait.ge [sflag:s23], $0x1  }
0xa3: {  	[sflag:s23] =	ssyncset.done $0x0  }
0xa4: {  	s25 =	simm.s32 $0x1B8E;
	s24 =	sld [smem:$0x3FFE];
	[sflag:s23] =	ssyncadd.s32 $0xFFFFFFFF  }
0xa5: {  	s26 =	simm.s32 $execute0_lowered;
	[smem:$0x3FD2] =	sst s25  }
0xa6: {  	s5 =	sshll.u32 s26, $0x1;
	_ =	strace $0x8000004C;
	[dreg:$0x1] =	wrdreg $0xFFFFFFFF  }
0xa7: {  	s28 =	simm.s32 $_size_execute0_lowered;
	s3 =	sadd.s32 s3, s5;
	[dreg:$0x0] =	wrdreg $0x0  }
0xa8: {  	s5 =	sshll.u32 s28, $0x1;
	[dreg:$0x2] =	wrdreg s3  }
0xa9: {  	[dreg:$0x3] =	wrdreg s5  }
0xaa: {  	[dreg:$0x4] =	wrdreg $0xC0  }
0xab: {  	_ =	task [dreg:s7], $0x5FFFF  }
0xac: {  	[dreg:$0x1] =	wrdreg $0xFFFFFFFF  }
0xad: {  	[dreg:$0x0] =	wrdreg $0x60  }
0xae: {  	[dreg:$0x2] =	wrdreg s24  }
0xaf: {  	[dreg:$0x3] =	wrdreg s2  }
0xb0: {  	[dreg:$0x4] =	wrdreg $0x82000  }
0xb1: {  	[dreg:$0x5] =	wrdreg $0x9  }
0xb2: {  	_ =	task.clear_ibuf [dreg:s7], $0x6FFFF;
	_ =	strace $0x9000004C  }
0xb3: {  	s29 =	simm.s32 $0x9;
	_ =	strace $0x8000004E  }
0xb4: {  	_ =	swait.ge [sflag:s29], $0x1  }
0xb5: {  	[sflag:s29] =	ssyncadd.s32 $0xFFFFFFFF  }
0xb6: {  	_ =	strace $0x9000004E  }
0xb7: {  	_ =	sfence  }
0xb8: {  	s30 =	sld [smem:$0x0];
	_ =	sdelay $0x2  }
0xb9: {  	s31 =	sshll.u32 s1, $0xD;
	s1 =	sshrl.u32 s1, $0x2  }
0xba: {  	s3 =	sand.u32 $0x4000, s31;
	s1 =	sadd.s32 s1, s30  }
0xbb: {  	s0 =	sor.u32 s3, s0;
	s1 =	sshll.u32 s1, $0x11  }
0xbc: {  	s0 =	sor.u32 s1, s0  }
0xbd: {  	s0 =	sadd.s32 $0x8F2B, s0  }
0xbe: {  	[sflag:s0] =	ssyncadd.remote.s32 $0x1  }
0xbf: {  	_ =	sfence.sel $0xFFFF  }
0xc0: {  	[dreg:$0x0] =	wrdreg $0xFFFFFFFF;
	(pc) =	sbr.abs _section_cstart, $3  }
0xc1: {  	[dreg:$0x1] =	wrdreg $0xFFFFFFFF  }
0xc2: {  	_ =	task.clear_ibuf [dreg:s7], $0x2FFFF;
	_ =	strace $0x9FFFFFFF  }
0xc3: {  	(tm) =	ssettm $0x7FFFFFFF  }
tec
execute0_lowered:
.L_overlay_start_1:
0x0: {  	(tag) =	ssettag $0x1  }
0x1: {  	s5 =	rddreg [dreg:$0x0]  }
0x2: {  	s9 =	rddreg [dreg:$0x1];
	s0 =	stileid.u32  }
0x3: {  	s1 =	srdreg.scid;
	s2 =	rddreg [dreg:$0x2];
	s3 =	simm.s32 $0x0  }
0x4: {  	s16 =	simm.s32 $0x80;
	s17 =	simm.s32 $0x200;
	s18 =	simm.s32 $0x100  }
0x5: {  	s19 =	simm.s32 $0x4200;
	s20 =	simm.s32 $0x1;
	s6 =	smul.u32 $0x13C00, s0  }
0x6: {  	s21 =	simm.s32 $0x2;
	s22 =	simm.s32 $0x180;
	s10 =	smul.u32 $0x4F000, s0  }
0x7: {  	s7 =	sand.u32 $0x1, s1;
	s1 =	rddreg [dreg:$0x3];
	s11 =	smul.u32 $0xEC0, s0  }
0x8: {  	s23 =	simm.s32 $0x0;
	[smem:$0x7FF] =	sst s3;
	s28 =	smul.u32 $0x2A00, s0  }
0x9: {  	s4 =	sadd.s32 $0x1E00, s5;
	s29 =	sshll.u32 s0, $0x6;
	s30 =	smul.u32 $0x540, s0  }
0xa: {  	s8 =	smul.u32 $0x13C000, s7;
	_ =	strace $0x8000004D;
	s25 =	ssub.s32 $0x2, s7  }
0xb: {  	p0 =	seq.s32 s7, $0x1;
	s26 =	sshrl.u32 s25, $0x1;
	s10 =	sshrl.u32 s10, $0x2  }
0xc: {  	s15 =	sshrl.u32 s28, $0x3;
	s7 =	sadd.s32 s9, s11;
	s8 =	sadd.s32 s6, s8  }
0xd: {  	s6 =	sshrl.u32 s6, $0x3;
	s13 =	ssub.s32 s25, s26;
	s14 =	sadd.s32 s10, s2  }
.Ltmp0:
0xe: {  	s31 =	sadd.s32 s9, s15;
	s15 =	simm.s32 $0x3;
	(pc) =	sbr.rel .LBB2_1-.Ltmp0, $4  }
0xf: {  	s8 =	sshrl.u32 s8, $0x3;
	s6 =	sadd.s32 s6, s5;
	s11 =	sadd.s32 $0xEC20, s31  }
0x10: {  	s13 =	smax.u32 s13, $0x1;
	s14 =	sshrl.u32 s14, $0x3;
	s12 =	sadd.s32 s8, s5  }
0x11: {  	s5 =	sadd.s32 $0x33600, s6;
	s6 =	sor.u32 $0x1C03, s29;
	s8 =	sadd.s32 s30, s9  }
0x12: {  	s9 =	sadd.s32 $0x20, s7;
	s10 =	sadd.s32 $0xEC00, s8;
	s12 =	sadd.s32 $0x5AE00, s12  }
.LBB2_7:
0x13: {  	[tilespmem:s19], [sflag:$0x2] =	stream.indirect.gather [hbm4b:s4+s16], $0x80, s18, s16, $0xb8;
	[tilespmem:$0x1BE00] =	vst v63  }
.LBB2_8:
0x14: {  	_ =	swait.ge [sflag:s20], $0x4000  }
0x15: {  	[sflag:s20] =	ssyncset.done $0x0  }
0x16: {  	[sflag:s20] =	ssyncadd.s32 $0xFFFFC000  }
0x17: {  	[spmem:s2] =	stream.indirect.scatter.add.f32 [tilespmem:s17], [sflag:$0x3], $0x80, s16, s16, $0xb8;
	[tilespmem:$0x1BE00] =	vst v63  }
0x18: {  	_ =	swait.ge [sflag:s15], $0x4000  }
0x19: {  	[sflag:s15] =	ssyncset.done $0x0  }
0x1a: {  	[sflag:s15] =	ssyncadd.s32 $0xFFFFC000  }
0x1b: {  	_ =	swait.ge [sflag:s21], $0x4000  }
0x1c: {  	[sflag:s21] =	ssyncset.done $0x0  }
0x1d: {  	[sflag:s21] =	ssyncadd.s32 $0xFFFFC000  }
0x1e: {  	[spmem:s2] =	stream.indirect.scatter.add.f32 [tilespmem:s19], [sflag:$0x3], $0x80, s22, s16, $0xb8;
	[tilespmem:$0x1BE00] =	vst v63  }
0x1f: {  	_ =	swait.ge [sflag:s15], $0x4000  }
0x20: {  	s23 =	sadd.s32 $0x1, s23;
	[sflag:s15] =	ssyncset.done $0x0  }
0x21: {  	p1 =	sne.s32 s23, s13;
	[sflag:s15] =	ssyncadd.s32 $0xFFFFC000  }
.Ltmp1:
0x22: {  	[bflag:$0x0] =	sbarrier.arrive $0xFFFF;
	(pc) =	sbr.rel @!p1 .LBB2_9-.Ltmp1, $4  }
0x23: {  	[hbm:s12], [sflag:s6] =	dma.local [spmem:s14], $0x2780  }
0x24: {  	_ =	swait.ge [sflag:s15], $0x2780  }
0x25: {  	[sflag:s15] =	ssyncset.done $0x0  }
0x26: {  	[sflag:s15] =	ssyncadd.s32 $0xFFFFD880  }
.LBB2_1:
0x27: {  	[spmem:s14], [sflag:s6] =	dma.local [hbm:s5], $0x2780  }
.Ltmp2:
0x28: {  	_ =	swait.ge [sflag:s15], $0x2780;
	(pc) =	sbr.rel @!p0 .LBB2_2-.Ltmp2, $3  }
0x29: {  	[sflag:s15] =	ssyncset.done $0x0  }
0x2a: {  	[sflag:s15] =	ssyncadd.s32 $0xFFFFD880  }
0x2b: {  	[bflag:$0x0] =	sbarrier.arrive $0xFFFF;
	_ =	sdelay $0x1  }
0x2c: {  	[tilespmem:s3], [sflag:$0x3] =	stream.linear.gather [hbm4b:s10+s3], $0x100, $0x38;
	[tilespmem:$0x1BE00] =	vst v63  }
0x2d: {  	_ =	swait.ge [sflag:s15], $0x100  }
0x2e: {  	[sflag:s15] =	ssyncset.done $0x0  }
0x2f: {  	[sflag:s15] =	ssyncadd.s32 $0xFFFFFF00  }
0x30: {  	[tilespmem:s17], [sflag:$0x1] =	stream.indirect.gather [hbm4b:s4+s16], $0x80, s3, s16, $0xb8;
	[tilespmem:$0x1BE00] =	vst v63  }
0x31: {  	_ = 	snop  }
0x32: {  	[tilespmem:s18], [sflag:$0x3] =	stream.linear.gather [hbm4b:s11+s3], $0x100, $0x38;
	[tilespmem:$0x1BE00] =	vst v63  }
0x33: {  	_ =	swait.ge [sflag:s15], $0x100  }
0x34: {  	[sflag:s15] =	ssyncset.done $0x0  }
0x35: {  	[sflag:s15] =	ssyncadd.s32 $0xFFFFFF00  }
0x36: {  	[tilespmem:s19], [sflag:$0x2] =	stream.indirect.gather [hbm4b:s4+s16], $0x80, s18, s16, $0xb8;
	[tilespmem:$0x1BE00] =	vst v63  }
0x37: {  	_ =	swait.ge [sflag:s20], $0x4000  }
0x38: {  	[sflag:s20] =	ssyncset.done $0x0  }
0x39: {  	[sflag:s20] =	ssyncadd.s32 $0xFFFFC000  }
0x3a: {  	[spmem:s2] =	stream.indirect.scatter.add.f32 [tilespmem:s17], [sflag:$0x3], $0x80, s16, s16, $0xb8;
	[tilespmem:$0x1BE00] =	vst v63  }
0x3b: {  	_ =	swait.ge [sflag:s15], $0x4000  }
0x3c: {  	s24 =	sadd.s32 $0xFFFFFB00, s8;
	[sflag:s15] =	ssyncset.done $0x0  }
0x3d: {  	s25 =	sadd.s32 $0xF140, s24;
	[sflag:s15] =	ssyncadd.s32 $0xFFFFC000  }
0x3e: {  	[tilespmem:s3], [sflag:$0x3] =	stream.linear.gather [hbm4b:s25+s3], $0x100, $0x38;
	[tilespmem:$0x1BE00] =	vst v63  }
0x3f: {  	_ =	swait.ge [sflag:s15], $0x100  }
0x40: {  	[sflag:s15] =	ssyncset.done $0x0  }
0x41: {  	[sflag:s15] =	ssyncadd.s32 $0xFFFFFF00  }
0x42: {  	[tilespmem:s17], [sflag:$0x1] =	stream.indirect.gather [hbm4b:s4+s16], $0x80, s3, s16, $0xb8;
	[tilespmem:$0x1BE00] =	vst v63  }
0x43: {  	_ =	swait.ge [sflag:s21], $0x4000  }
0x44: {  	[sflag:s21] =	ssyncset.done $0x0  }
0x45: {  	[sflag:s21] =	ssyncadd.s32 $0xFFFFC000  }
0x46: {  	[spmem:s2] =	stream.indirect.scatter.add.f32 [tilespmem:s19], [sflag:$0x3], $0x80, s22, s16, $0xb8;
	[tilespmem:$0x1BE00] =	vst v63  }
0x47: {  	_ =	swait.ge [sflag:s15], $0x4000  }
0x48: {  	[sflag:s15] =	ssyncset.done $0x0  }
0x49: {  	s24 =	sadd.s32 $0xF160, s24;
	[sflag:s15] =	ssyncadd.s32 $0xFFFFC000  }
0x4a: {  	[tilespmem:s18], [sflag:$0x3] =	stream.linear.gather [hbm4b:s24+s3], $0x100, $0x38;
	[tilespmem:$0x1BE00] =	vst v63  }
0x4b: {  	_ =	swait.ge [sflag:s15], $0x100  }
0x4c: {  	[sflag:s15] =	ssyncset.done $0x0  }
0x4d: {  	s24 =	simm.s32 $0xFFFFFB40;
	[sflag:s15] =	ssyncadd.s32 $0xFFFFFF00  }
.LBB2_6:
0x4e: {  	[tilespmem:s19], [sflag:$0x2] =	stream.indirect.gather [hbm4b:s4+s16], $0x80, s18, s16, $0xb8;
	[tilespmem:$0x1BE00] =	vst v63  }
0x4f: {  	s25 =	smov.u32 s24  }
0x50: {  	p1 =	sne.s32 s24, $0xFFFFFFC0;
	s24 =	sadd.s32 $0x40, s24;
	_ =	swait.ge [sflag:s20], $0x4000  }
0x51: {  	[sflag:s20] =	ssyncset.done $0x0  }
0x52: {  	[sflag:s20] =	ssyncadd.s32 $0xFFFFC000  }
0x53: {  	[spmem:s2] =	stream.indirect.scatter.add.f32 [tilespmem:s17], [sflag:$0x3], $0x80, s16, s16, $0xb8;
	[tilespmem:$0x1BE00] =	vst v63  }
0x54: {  	_ =	swait.ge [sflag:s15], $0x4000  }
0x55: {  	s25 =	sadd.s32 s25, s8;
	[sflag:s15] =	ssyncset.done $0x0  }
0x56: {  	s26 =	sadd.s32 $0xF140, s25;
	[sflag:s15] =	ssyncadd.s32 $0xFFFFC000  }
0x57: {  	[tilespmem:s3], [sflag:$0x3] =	stream.linear.gather [hbm4b:s26+s3], $0x100, $0x38;
	[tilespmem:$0x1BE00] =	vst v63  }
0x58: {  	_ =	swait.ge [sflag:s15], $0x100  }
0x59: {  	[sflag:s15] =	ssyncset.done $0x0  }
0x5a: {  	[sflag:s15] =	ssyncadd.s32 $0xFFFFFF00  }
0x5b: {  	[tilespmem:s17], [sflag:$0x1] =	stream.indirect.gather [hbm4b:s4+s16], $0x80, s3, s16, $0xb8;
	[tilespmem:$0x1BE00] =	vst v63  }
0x5c: {  	_ =	swait.ge [sflag:s21], $0x4000  }
0x5d: {  	[sflag:s21] =	ssyncset.done $0x0  }
0x5e: {  	[sflag:s21] =	ssyncadd.s32 $0xFFFFC000  }
0x5f: {  	[spmem:s2] =	stream.indirect.scatter.add.f32 [tilespmem:s19], [sflag:$0x3], $0x80, s22, s16, $0xb8;
	[tilespmem:$0x1BE00] =	vst v63  }
0x60: {  	_ =	swait.ge [sflag:s15], $0x4000  }
0x61: {  	[sflag:s15] =	ssyncset.done $0x0  }
.Ltmp3:
0x62: {  	s25 =	sadd.s32 $0xF160, s25;
	[sflag:s15] =	ssyncadd.s32 $0xFFFFC000;
	(pc) =	sbr.rel @p1 .LBB2_6-.Ltmp3, $4  }
0x63: {  	[tilespmem:s18], [sflag:$0x3] =	stream.linear.gather [hbm4b:s25+s3], $0x100, $0x38;
	[tilespmem:$0x1BE00] =	vst v63  }
0x64: {  	_ =	swait.ge [sflag:s15], $0x100  }
0x65: {  	[sflag:s15] =	ssyncset.done $0x0  }
0x66: {  	[sflag:s15] =	ssyncadd.s32 $0xFFFFFF00  }
.Ltmp4:
0x67: {  	_ = 	snop;
	(pc) =	sbr.rel .LBB2_7-.Ltmp4, $1  }
0x68: {  	_ =	sdelay $0x3  }
.LBB2_2:
0x69: {  	[tilespmem:s3], [sflag:$0x3] =	stream.linear.gather [hbm4b:s7+s3], $0x100, $0x38;
	[tilespmem:$0x1BE00] =	vst v63  }
0x6a: {  	_ =	swait.ge [sflag:s15], $0x100  }
0x6b: {  	[sflag:s15] =	ssyncset.done $0x0  }
0x6c: {  	[sflag:s15] =	ssyncadd.s32 $0xFFFFFF00  }
0x6d: {  	[tilespmem:s17], [sflag:$0x1] =	stream.indirect.gather [hbm4b:s4+s16], $0x80, s3, s16, $0xb8;
	[tilespmem:$0x1BE00] =	vst v63  }
0x6e: {  	_ = 	snop  }
0x6f: {  	[tilespmem:s18], [sflag:$0x3] =	stream.linear.gather [hbm4b:s9+s3], $0x100, $0x38;
	[tilespmem:$0x1BE00] =	vst v63  }
0x70: {  	_ =	swait.ge [sflag:s15], $0x100  }
0x71: {  	[sflag:s15] =	ssyncset.done $0x0  }
0x72: {  	[sflag:s15] =	ssyncadd.s32 $0xFFFFFF00  }
0x73: {  	[tilespmem:s19], [sflag:$0x2] =	stream.indirect.gather [hbm4b:s4+s16], $0x80, s18, s16, $0xb8;
	[tilespmem:$0x1BE00] =	vst v63  }
0x74: {  	_ =	swait.ge [sflag:s20], $0x4000  }
0x75: {  	[sflag:s20] =	ssyncset.done $0x0  }
0x76: {  	[sflag:s20] =	ssyncadd.s32 $0xFFFFC000  }
0x77: {  	[spmem:s2] =	stream.indirect.scatter.add.f32 [tilespmem:s17], [sflag:$0x3], $0x80, s16, s16, $0xb8;
	[tilespmem:$0x1BE00] =	vst v63  }
0x78: {  	_ =	swait.ge [sflag:s15], $0x4000  }
0x79: {  	s24 =	sadd.s32 $0xFFFFF180, s7;
	[sflag:s15] =	ssyncset.done $0x0  }
0x7a: {  	s25 =	sadd.s32 $0xEC0, s24;
	[sflag:s15] =	ssyncadd.s32 $0xFFFFC000  }
0x7b: {  	[tilespmem:s3], [sflag:$0x3] =	stream.linear.gather [hbm4b:s25+s3], $0x100, $0x38;
	[tilespmem:$0x1BE00] =	vst v63  }
0x7c: {  	_ =	swait.ge [sflag:s15], $0x100  }
0x7d: {  	[sflag:s15] =	ssyncset.done $0x0  }
0x7e: {  	[sflag:s15] =	ssyncadd.s32 $0xFFFFFF00  }
0x7f: {  	[tilespmem:s17], [sflag:$0x1] =	stream.indirect.gather [hbm4b:s4+s16], $0x80, s3, s16, $0xb8;
	[tilespmem:$0x1BE00] =	vst v63  }
0x80: {  	_ =	swait.ge [sflag:s21], $0x4000  }
0x81: {  	[sflag:s21] =	ssyncset.done $0x0  }
0x82: {  	[sflag:s21] =	ssyncadd.s32 $0xFFFFC000  }
0x83: {  	[spmem:s2] =	stream.indirect.scatter.add.f32 [tilespmem:s19], [sflag:$0x3], $0x80, s22, s16, $0xb8;
	[tilespmem:$0x1BE00] =	vst v63  }
0x84: {  	_ =	swait.ge [sflag:s15], $0x4000  }
0x85: {  	[sflag:s15] =	ssyncset.done $0x0  }
0x86: {  	s24 =	sadd.s32 $0xEE0, s24;
	[sflag:s15] =	ssyncadd.s32 $0xFFFFC000  }
0x87: {  	[tilespmem:s18], [sflag:$0x3] =	stream.linear.gather [hbm4b:s24+s3], $0x100, $0x38;
	[tilespmem:$0x1BE00] =	vst v63  }
0x88: {  	_ =	swait.ge [sflag:s15], $0x100  }
0x89: {  	[sflag:s15] =	ssyncset.done $0x0  }
0x8a: {  	s24 =	simm.s32 $0xFFFFF1C0;
	[sflag:s15] =	ssyncadd.s32 $0xFFFFFF00  }
.LBB2_3:
0x8b: {  	[tilespmem:s19], [sflag:$0x2] =	stream.indirect.gather [hbm4b:s4+s16], $0x80, s18, s16, $0xb8;
	[tilespmem:$0x1BE00] =	vst v63  }
0x8c: {  	s25 =	smov.u32 s24  }
0x8d: {  	p1 =	seq.s32 s24, $0xFFFFFFC0;
	s24 =	sadd.s32 $0x40, s24;
	_ =	swait.ge [sflag:s20], $0x4000  }
0x8e: {  	[sflag:s20] =	ssyncset.done $0x0  }
0x8f: {  	[sflag:s20] =	ssyncadd.s32 $0xFFFFC000  }
0x90: {  	[spmem:s2] =	stream.indirect.scatter.add.f32 [tilespmem:s17], [sflag:$0x3], $0x80, s16, s16, $0xb8;
	[tilespmem:$0x1BE00] =	vst v63  }
0x91: {  	_ =	swait.ge [sflag:s15], $0x4000  }
0x92: {  	s25 =	sadd.s32 s25, s7;
	[sflag:s15] =	ssyncset.done $0x0  }
0x93: {  	s26 =	sadd.s32 $0xEC0, s25;
	[sflag:s15] =	ssyncadd.s32 $0xFFFFC000  }
0x94: {  	[tilespmem:s3], [sflag:$0x3] =	stream.linear.gather [hbm4b:s26+s3], $0x100, $0x38;
	[tilespmem:$0x1BE00] =	vst v63  }
0x95: {  	_ =	swait.ge [sflag:s15], $0x100  }
0x96: {  	[sflag:s15] =	ssyncset.done $0x0  }
0x97: {  	[sflag:s15] =	ssyncadd.s32 $0xFFFFFF00  }
0x98: {  	[tilespmem:s17], [sflag:$0x1] =	stream.indirect.gather [hbm4b:s4+s16], $0x80, s3, s16, $0xb8;
	[tilespmem:$0x1BE00] =	vst v63  }
0x99: {  	_ =	swait.ge [sflag:s21], $0x4000  }
0x9a: {  	[sflag:s21] =	ssyncset.done $0x0  }
0x9b: {  	[sflag:s21] =	ssyncadd.s32 $0xFFFFC000  }
0x9c: {  	[spmem:s2] =	stream.indirect.scatter.add.f32 [tilespmem:s19], [sflag:$0x3], $0x80, s22, s16, $0xb8;
	[tilespmem:$0x1BE00] =	vst v63  }
0x9d: {  	_ =	swait.ge [sflag:s15], $0x4000  }
0x9e: {  	[sflag:s15] =	ssyncset.done $0x0  }
.Ltmp5:
0x9f: {  	s25 =	sadd.s32 $0xEE0, s25;
	[sflag:s15] =	ssyncadd.s32 $0xFFFFC000;
	(pc) =	sbr.rel @!p1 .LBB2_3-.Ltmp5, $4  }
0xa0: {  	[tilespmem:s18], [sflag:$0x3] =	stream.linear.gather [hbm4b:s25+s3], $0x100, $0x38;
	[tilespmem:$0x1BE00] =	vst v63  }
0xa1: {  	_ =	swait.ge [sflag:s15], $0x100  }
0xa2: {  	[sflag:s15] =	ssyncset.done $0x0  }
0xa3: {  	[sflag:s15] =	ssyncadd.s32 $0xFFFFFF00  }
.Ltmp6:
0xa4: {  	(pc) =	sbr.rel .LBB2_8-.Ltmp6, $2  }
0xa5: {  	_ =	sdelay $0x2  }
0xa6: {  	[tilespmem:s19], [sflag:$0x2] =	stream.indirect.gather [hbm4b:s4+s16], $0x80, s18, s16, $0xb8;
	[tilespmem:$0x1BE00] =	vst v63  }
.LBB2_9:
0xa7: {  	_ =	sfence.sel $0x180000  }
0xa8: {  	[bflag:$0x0] =	sbarrier.arrive $0xFFFF  }
0xa9: {  	p0 =	sne.s32 s0, $0x0;
	_ =	strace $0x9000004D  }
0xaa: {  	s0 =	sadd.s32 @!p0 $0x100000, s1;
	[bflag:$0x2] =	sbarrier.arrive $0xFFFF  }
0xab: {  	[sflag:s0] =	ssyncadd.tile.s32 @!p0 $0x1;
	_ =	shalt  }
.Lfunc_end2:
_tile_overlayer_lowered:
.L_overlay_start_2:
0xac: {  	(tag) =	ssettag $0x2  }
0xad: {  	s0 =	rddreg [dreg:$0x0];
	s2 =	stileid.u32  }
0xae: {  	s1 =	rddreg [dreg:$0x1];
	p0 =	sne.s32 s2, $0x0  }
0xaf: {  	s3 =	rddreg [dreg:$0x2];
	[bflag:$0x3] =	sbarrier.arrive $0xFFFF;
	s2 =	simm.s32 @!p0 $0x1C03  }
0xb0: {  	[timem:s3], [sflag:s2] =	dma.local @!p0 [hbm:s0], s1  }
0xb1: {  	s0 =	simm.s32 @!p0 $0x3  }
0xb2: {  	_ =	swait.ge @!p0 [sflag:s0], s1  }
0xb3: {  	s1 =	ssub.s32 @!p0 $0x0, s1;
	[sflag:s0] =	ssyncset.done @!p0 $0x0  }
0xb4: {  	[sflag:s0] =	ssyncadd.s32 @!p0 s1  }
0xb5: {  	[bflag:$0x3] =	sbarrier.arrive $0xFFFF  }
0xb6: {  	_ =	shalt  }

// kernel: kernel.8.cloned.1.call-start
scs
__scs_entry_jumppad:
0x0: {  	(pc) =	sbr.rel $0x88, $3  }
0x1: {  	(tag) =	ssettag $0x0;
	lr =	simm.s32 $0x1  }
0x2: {  	[smem:$0x3F9B] =	sst lr;
	_ =	strace $0xD0000000  }
0x3: {  	_ = 	snop  }
0x4: {  	_ = 	snop  }
0x5: {  	_ = 	snop  }
0x6: {  	_ = 	snop  }
0x7: {  	_ = 	snop  }
__scs_overlays_trampoline_lowered:
0x8: {  	[smem:$0x3FAA] =	sst s0  }
0x9: {  	[smem:$0x3FAB] =	sst s1  }
0xa: {  	[smem:$0x3FAC] =	sst s2  }
0xb: {  	[smem:$0x3FAD] =	sst s3  }
0xc: {  	[smem:$0x3FAE] =	sst s4  }
0xd: {  	[smem:$0x3FAF] =	sst s5  }
0xe: {  	[smem:$0x3FB0] =	sst s6  }
0xf: {  	[smem:$0x3FB1] =	sst s7  }
0x10: {  	[smem:$0x3FB2] =	sst s8  }
0x11: {  	[smem:$0x3FB3] =	sst s9;
	s0 =	simm.s32 @!p0 $0x0  }
0x12: {  	s1 =	sld [smem:$0x3F99];
	s0 =	simm.s32 @p0 $0x1  }
0x13: {  	[smem:$0x3FB4] =	sst s0;
	s0 =	simm.s32 @!p1 $0x0  }
0x14: {  	s2 =	sld [smem:$0x3F98];
	s0 =	simm.s32 @p1 $0x1  }
0x15: {  	[smem:$0x3FB5] =	sst s0;
	s0 =	simm.s32 @!p2 $0x0  }
0x16: {  	s3 =	sld [smem:$0x3FDB];
	s0 =	simm.s32 @p2 $0x1  }
0x17: {  	s4 =	simm.s32 $0x1BF5;
	[smem:$0x3FB7] =	sst s0  }
0x18: {  	s0 =	sld [smem:$0x3F9A];
	_ =	swait.ge [sflag:s4], $0x0  }
0x19: {  	s7 =	sld [smem:$0x3F9B]  }
0x1a: {  	s8 =	sadd.s32 $0xFFFFE003, lr  }
0x1b: {  	s9 =	sadd.s32 $0xFFFFFEF7, lr;
	s5 =	simm.s32 $0xFFFFFFFF;
	p2 =	slt.u32 s8, $0xFFFFF086  }
0x1c: {  	p1 =	slt.u32 s9, $0xF7A;
	s5 =	simm.s32 @!p2 $0x0  }
0x1d: {  	s5 =	simm.s32 @p1 $0x1;
	p0 =	seq.s32 s7, s2  }
0x1e: {  	s7 =	smul.u32 @!p0 $0xF7A, s2;
	p2 =	seq.s32 @!p0 s5, $0x0  }
0x1f: {  	s9 =	smul.u32 $0xF7A, s1;
	s8 =	simm.s32 @!p0 $0x1BF5;
	p2 =	por !p2, p0  }
0x20: {  	[sflag:s8] =	ssyncset.s32 @!p0 $0xFFFFF086;
	s6 =	sadd.s32 @!p0 s3, s7;
	s7 =	simm.s32 @!p0 $0x108  }
0x21: {  	s3 =	sadd.s32 s3, s9;
	s6 =	sadd.s32 @!p0 $0x88, s6;
	s7 =	simm.s32 @p2 $0x1082  }
0x22: {  	[simem:s7], [sflag:s8] =	dma.local @!p0 [hbm:s6], $0xF7A  }
0x23: {  	s9 =	sor.u32 $0xD0000000, s2;
	s6 =	simm.s32 $0x108;
	_ =	swait.ge @!p0 [sflag:s8], $0x0  }
0x24: {  	s3 =	sadd.s32 $0x88, s3;
	s6 =	simm.s32 @!p1 $0x1082;
	[sflag:s4] =	ssyncset.s32 $0xFFFFF086  }
0x25: {  	[simem:s6], [sflag:s4] =	dma.local [hbm:s3], $0xF7A  }
0x26: {  	[smem:$0x3F9B] =	sst s1;
	(tag) =	ssettag s2;
	_ =	strace s9  }
0x27: {  	s1 =	sld [smem:$0x3FAB]  }
0x28: {  	s2 =	sld [smem:$0x3FAC]  }
0x29: {  	s4 =	sld [smem:$0x3FAE]  }
0x2a: {  	p0 =	seq.s32 s5, $0x0;
	s5 =	sld [smem:$0x3FAF]  }
0x2b: {  	s6 =	sld [smem:$0x3FB0]  }
0x2c: {  	s7 =	sld [smem:$0x3FB1]  }
0x2d: {  	s3 =	simm.s32 $0x108;
	s8 =	sld [smem:$0x3FB2]  }
0x2e: {  	s3 =	simm.s32 @!p0 $0x1082;
	s9 =	sld [smem:$0x3FB3]  }
0x2f: {  	lr =	sadd.s32 s0, s3;
	s0 =	sld [smem:$0x3FAA]  }
0x30: {  	s3 =	sld [smem:$0x3FAD]  }
0x31: {  	[smem:$0x3FB6] =	sst s10  }
0x32: {  	s10 =	sld [smem:$0x3FB4];
	_ =	sdelay $0x3  }
0x33: {  	p0 =	seq.s32 s10, $0x1;
	s10 =	sld [smem:$0x3FB6];
	_ =	sdelay $0x3  }
0x34: {  	[smem:$0x3FB6] =	sst s10  }
0x35: {  	s10 =	sld [smem:$0x3FB5];
	_ =	sdelay $0x3  }
0x36: {  	p1 =	seq.s32 s10, $0x1;
	s10 =	sld [smem:$0x3FB6];
	_ =	sdelay $0x3  }
0x37: {  	[smem:$0x3FB6] =	sst s10  }
0x38: {  	s10 =	sld [smem:$0x3FB7]  }
0x39: {  	_ = 	snop;
	(pc) =	sbr.ind lr, $3  }
0x3a: {  	_ = 	snop  }
0x3b: {  	_ = 	snop  }
0x3c: {  	p2 =	seq.s32 s10, $0x1;
	s10 =	sld [smem:$0x3FB6]  }
0x3d: {  	_ =	shalt  }
0x3e: {  	_ =	shalt  }
0x3f: {  	_ =	shalt  }
0x40: {  	_ =	shalt  }
0x41: {  	_ =	shalt  }
0x42: {  	_ =	shalt  }
0x43: {  	_ =	shalt  }
0x44: {  	_ =	shalt  }
0x45: {  	_ =	shalt  }
0x46: {  	_ =	shalt  }
0x47: {  	_ =	shalt  }
0x48: {  	_ =	shalt  }
0x49: {  	_ =	shalt  }
0x4a: {  	_ =	shalt  }
0x4b: {  	_ =	shalt  }
0x4c: {  	_ =	shalt  }
0x4d: {  	_ =	shalt  }
0x4e: {  	_ =	shalt  }
0x4f: {  	_ =	shalt  }
0x50: {  	_ =	shalt  }
0x51: {  	_ =	shalt  }
0x52: {  	_ =	shalt  }
0x53: {  	_ =	shalt  }
0x54: {  	_ =	shalt  }
0x55: {  	_ =	shalt  }
0x56: {  	_ =	shalt  }
0x57: {  	_ =	shalt  }
0x58: {  	_ =	shalt  }
0x59: {  	_ =	shalt  }
0x5a: {  	_ =	shalt  }
0x5b: {  	_ =	shalt  }
0x5c: {  	_ =	shalt  }
0x5d: {  	_ =	shalt  }
0x5e: {  	_ =	shalt  }
0x5f: {  	_ =	shalt  }
0x60: {  	_ =	shalt  }
0x61: {  	_ =	shalt  }
0x62: {  	_ =	shalt  }
0x63: {  	_ =	shalt  }
0x64: {  	_ =	shalt  }
0x65: {  	_ =	shalt  }
0x66: {  	_ =	shalt  }
0x67: {  	_ =	shalt  }
0x68: {  	_ =	shalt  }
0x69: {  	_ =	shalt  }
0x6a: {  	_ =	shalt  }
0x6b: {  	_ =	shalt  }
0x6c: {  	_ =	shalt  }
0x6d: {  	_ =	shalt  }
0x6e: {  	_ =	shalt  }
0x6f: {  	_ =	shalt  }
0x70: {  	_ =	shalt  }
0x71: {  	_ =	shalt  }
0x72: {  	_ =	shalt  }
0x73: {  	_ =	shalt  }
0x74: {  	_ =	shalt  }
0x75: {  	_ =	shalt  }
0x76: {  	_ =	shalt  }
0x77: {  	_ =	shalt  }
0x78: {  	_ =	shalt  }
0x79: {  	_ =	shalt  }
0x7a: {  	_ =	shalt  }
0x7b: {  	_ =	shalt  }
0x7c: {  	_ =	shalt  }
0x7d: {  	_ =	shalt  }
0x7e: {  	_ =	shalt  }
0x7f: {  	_ =	shalt  }
0x80: {  	_ =	shalt  }
0x81: {  	_ =	shalt  }
0x82: {  	_ =	shalt  }
0x83: {  	_ =	shalt  }
0x84: {  	_ =	shalt  }
0x85: {  	_ =	shalt  }
0x86: {  	_ =	shalt  }
0x87: {  	_ =	shalt  }
.Lfunc_end0:
.L_simem_size_0:
called_computation_lowered:
.L_overlay_start_0:
0x88: {  	s2 =	sld [smem:$0x3FD9]  }
0x89: {  	s3 =	sld [smem:$0x3FFE];
	_ =	sdelay $0x1  }
0x8a: {  	s1 =	srdreg.scid  }
0x8b: {  	s0 =	sand.u32 $0x1, s1  }
0x8c: {  	s17 =	sshll.u32 s0, $0xA;
	s2 =	sadd.s32 s3, s2  }
0x8d: {  	s2 =	sadd.s32 s2, s17  }
0x8e: {  	[smem:$0x3FC2] =	sst s2  }
0x8f: {  	_ = 	snop  }
0x90: {  	(tm) =	ssettm $0x1  }
0x91: {  	s18 =	sld [smem:$0x3FFB];
	_ =	sdelay $0x3  }
0x92: {  	_ =	strace s18  }
0x93: {  	s2 =	sld [smem:$0x3FFC];
	_ =	sdelay $0x3  }
0x94: {  	_ =	strace s2  }
0x95: {  	s2 =	sld [smem:$0x3FFD];
	_ =	sdelay $0x3  }
0x96: {  	_ =	strace s2  }
0x97: {  	_ =	strace $0x8FFFFFFF  }
0x98: {  	s19 =	sld [smem:$0x3FDB];
	_ =	sdelay $0x1  }
0x99: {  	s20 =	simm.s32 $_scs_section_size  }
0x9a: {  	s4 =	simm.s32 $_size__tile_overlayer_lowered;
	s5 =	simm.s32 $_tile_overlayer_lowered  }
0x9b: {  	s6 =	simm.s32 $0x1BFF;
	s21 =	sshll.u32 s5, $0x1;
	s3 =	sadd.s32 s20, s19  }
0x9c: {  	s22 =	simm.s32 $0x0;
	s4 =	sshll.u32 s4, $0x1;
	s5 =	sadd.s32 s21, s3  }
0x9d: {  	[timem:s22], [sflag:s6] =	dma.local [hbm:s5], s4  }
0x9e: {  	_ =	swait.ge [sflag:s6], s4  }
0x9f: {  	s4 =	ssub.s32 $0x0, s4;
	[sflag:s6] =	ssyncset.done $0x0  }
0xa0: {  	[sflag:s6] =	ssyncadd.s32 s4;
	_ =	sdelay $0x1  }
0xa1: {  	s23 =	simm.s32 $0x1B8B  }
0xa2: {  	_ =	swait.ge [sflag:s23], $0x1  }
0xa3: {  	[sflag:s23] =	ssyncset.done $0x0  }
0xa4: {  	[sflag:s23] =	ssyncadd.s32 $0xFFFFFFFF  }
0xa5: {  	s4 =	sld [smem:$0x0]  }
0xa6: {  	s5 =	sand.u32 $0xFFFFFFFE, s1  }
0xa7: {  	p0 =	sne.s32 s1, s5  }
0xa8: {  	s5 =	sshll.u32 @p0 s5, $0xE  }
0xa9: {  	s5 =	sadd.s32 @p0 $0x11B8D, s5;
	s6 =	sshll.u32 @p0 s4, $0x11  }
0xaa: {  	s5 =	sor.u32 @p0 s6, s5  }
0xab: {  	[sflag:s5] =	ssyncadd.remote.s32 @p0 $0x1;
	_ =	sdelay $0x1  }
0xac: {  	s5 =	simm.s32 @p0 $0x1B8D  }
0xad: {  	_ =	swait.eq @p0 [sflag:s5], $0x1  }
0xae: {  	[sflag:s5] =	ssyncadd.s32 @p0 $0xFFFFFFFF  }
0xaf: {  	s6 =	sshll.u32 @!p0 s1, $0xE  }
0xb0: {  	s6 =	sor.u32 @!p0 $0x4000, s6;
	s5 =	simm.s32 @!p0 $0x1B8D  }
0xb1: {  	s4 =	sshll.u32 @!p0 s4, $0x11;
	s6 =	sadd.s32 @!p0 $0x11B8D, s6;
	_ =	swait.eq @!p0 [sflag:s5], $0x1  }
0xb2: {  	s4 =	sor.u32 @!p0 s4, s6;
	[sflag:s5] =	ssyncadd.s32 @!p0 $0xFFFFFFFF  }
0xb3: {  	s25 =	simm.s32 $0x1B8E;
	s24 =	sld [smem:$0x3FFE];
	[sflag:s4] =	ssyncadd.remote.s32 @!p0 $0x1  }
0xb4: {  	s26 =	simm.s32 $execute0_lowered;
	[smem:$0x3FD2] =	sst s25  }
0xb5: {  	s5 =	sshll.u32 s26, $0x1;
	_ =	strace $0x80000049;
	[dreg:$0x1] =	wrdreg $0xFFFFFFFF  }
0xb6: {  	s28 =	simm.s32 $_size_execute0_lowered;
	s3 =	sadd.s32 s3, s5;
	[dreg:$0x0] =	wrdreg $0x0  }
0xb7: {  	s5 =	sshll.u32 s28, $0x1;
	[dreg:$0x2] =	wrdreg s3  }
0xb8: {  	[dreg:$0x3] =	wrdreg s5  }
0xb9: {  	[dreg:$0x4] =	wrdreg $0xC0  }
0xba: {  	_ =	task [dreg:s22], $0x5FFFF  }
0xbb: {  	[dreg:$0x1] =	wrdreg $0xFFFFFFFF  }
0xbc: {  	[dreg:$0x0] =	wrdreg $0x60  }
0xbd: {  	[dreg:$0x2] =	wrdreg s24  }
0xbe: {  	[dreg:$0x3] =	wrdreg $0x41000  }
0xbf: {  	[dreg:$0x4] =	wrdreg $0x9  }
0xc0: {  	_ =	task.clear_ibuf [dreg:s22], $0x5FFFF;
	_ =	strace $0x90000049  }
0xc1: {  	s29 =	simm.s32 $0x9;
	_ =	strace $0x8000004B  }
0xc2: {  	_ =	swait.ge [sflag:s29], $0x1  }
0xc3: {  	[sflag:s29] =	ssyncadd.s32 $0xFFFFFFFF  }
0xc4: {  	_ =	strace $0x9000004B  }
0xc5: {  	_ =	sfence  }
0xc6: {  	s30 =	sld [smem:$0x0];
	_ =	sdelay $0x2  }
0xc7: {  	s31 =	sshll.u32 s1, $0xD;
	s1 =	sshrl.u32 s1, $0x2  }
0xc8: {  	s4 =	sand.u32 $0x4000, s31;
	s1 =	sadd.s32 s1, s30  }
0xc9: {  	s0 =	sor.u32 s4, s0;
	s1 =	sshll.u32 s1, $0x11  }
0xca: {  	s0 =	sor.u32 s1, s0  }
0xcb: {  	s0 =	sadd.s32 $0x8F2B, s0  }
0xcc: {  	[sflag:s0] =	ssyncadd.remote.s32 $0x1  }
0xcd: {  	_ =	sfence.sel $0xFFFF  }
0xce: {  	[dreg:$0x0] =	wrdreg $0xFFFFFFFF;
	(pc) =	sbr.abs _section_cstart, $3  }
0xcf: {  	[dreg:$0x1] =	wrdreg $0xFFFFFFFF  }
0xd0: {  	_ =	task.clear_ibuf [dreg:s22], $0x2FFFF;
	_ =	strace $0x9FFFFFFF  }
0xd1: {  	(tm) =	ssettm $0x7FFFFFFF  }
tec
execute0_lowered:
.L_overlay_start_1:
0x0: {  	(tag) =	ssettag $0x1  }
0x1: {  	s5 =	rddreg [dreg:$0x0];
	s0 =	stileid.u32  }
0x2: {  	s1 =	srdreg.scid;
	s2 =	rddreg [dreg:$0x1]  }
0x3: {  	s3 =	simm.s32 $0x0;
	s15 =	simm.s32 $0x1;
	s16 =	simm.s32 $0x100  }
0x4: {  	s17 =	simm.s32 $0x2;
	s18 =	simm.s32 $0x0;
	s4 =	smul.u32 $0x13C00, s0  }
0x5: {  	s6 =	sand.u32 $0x1, s1;
	s1 =	rddreg [dreg:$0x2];
	s11 =	smul.u32 $0x4F000, s0  }
0x6: {  	[smem:$0x7FF] =	sst s3;
	s31 =	sshll.u32 s0, $0x6;
	s14 =	smul.u32 $0x500, s0  }
0x7: {  	s7 =	smul.u32 $0x13C000, s6;
	_ =	strace $0x8000004A;
	s9 =	ssub.s32 $0x2, s6  }
0x8: {  	s10 =	sshll.u32 s6, $0x4;
	s30 =	smul.u32 $0x5000, s6;
	s8 =	sshrl.u32 s4, $0x3  }
0x9: {  	s25 =	sshrl.u32 s9, $0x1;
	s26 =	sor.u32 s0, s10;
	s29 =	sshrl.u32 s11, $0x2  }
0xa: {  	s7 =	sadd.s32 s4, s7;
	s4 =	sadd.s32 $0x1E00, s5;
	s8 =	sadd.s32 s8, s5  }
0xb: {  	s28 =	ssub.s32 s9, s25;
	s13 =	sadd.s32 s29, s2;
	s7 =	sshrl.u32 s7, $0x3  }
0xc: {  	s11 =	sadd.s32 s14, s30;
	s12 =	sadd.s32 s7, s5;
	s7 =	smul.u32 $0x500, s26  }
0xd: {  	s14 =	simm.s32 $0x80;
	s10 =	smax.u32 s28, $0x1;
	s5 =	sadd.s32 $0x33600, s8  }
0xe: {  	s9 =	sadd.s32 $0xA9E00, s12;
	s12 =	sshrl.u32 s13, $0x3;
	s6 =	sadd.s32 s4, s7  }
0xf: {  	v0 =	vimm.f32 $1.000000000e+00;
	s13 =	simm.s32 $0x3;
	s7 =	sor.u32 $0x1C03, s31;
	s8 =	sadd.s32 $0x10, s6  }
.LBB2_1:
0x10: {  	[spmem:s12], [sflag:s7] =	dma.local [hbm:s5], $0x2780  }
0x11: {  	_ =	swait.ge [sflag:s13], $0x2780  }
0x12: {  	[sflag:s13] =	ssyncset.done $0x0  }
0x13: {  	s19 =	simm.s32 $0x0;
	s20 =	simm.s32 $0x200;
	[sflag:s13] =	ssyncadd.s32 $0xFFFFD880  }
.LBB2_2:
0x14: {  	p0 =	sne.s32 s20, $0xFE00;
	[tilespmem:s19+$0x170] =	vst v0  }
0x15: {  	[tilespmem:s19+$0x100] =	vst v0  }
0x16: {  	[tilespmem:s19+$0x110] =	vst v0  }
.Ltmp0:
0x17: {  	[tilespmem:s19+$0x120] =	vst v0;
	(pc) =	sbr.rel @p0 .LBB2_2-.Ltmp0, $4  }
0x18: {  	[tilespmem:s19+$0x130] =	vst v0  }
0x19: {  	[tilespmem:s19+$0x140] =	vst v0  }
0x1a: {  	[tilespmem:s19+$0x150] =	vst v0  }
0x1b: {  	[tilespmem:s19+$0x160] =	vst v0;
	s19 =	sshra.s32 s20, $0x2;
	s20 =	sadd.s32 $0x200, s20  }
0x1c: {  	[tilespmem:s19+$0x170] =	vst v0  }
0x1d: {  	[tilespmem:s19+$0x100] =	vst v0  }
0x1e: {  	[tilespmem:s19+$0x110] =	vst v0  }
0x1f: {  	[tilespmem:s19+$0x120] =	vst v0  }
0x20: {  	[tilespmem:s19+$0x130] =	vst v0  }
0x21: {  	[tilespmem:s19+$0x140] =	vst v0  }
0x22: {  	[tilespmem:s19+$0x150] =	vst v0  }
0x23: {  	[tilespmem:s19+$0x160] =	vst v0  }
0x24: {  	[bflag:$0x0] =	sbarrier.arrive $0xFFFF  }
0x25: {  	[tilespmem:s3], [sflag:$0x1] =	stream.linear.gather [hbm4b:s6+s3], $0x80, $0x38;
	[tilespmem:$0x17D00] =	vst v63  }
0x26: {  	_ = 	snop  }
0x27: {  	[tilespmem:s14], [sflag:$0x2] =	stream.linear.gather [hbm4b:s8+s3], $0x80, $0x38;
	[tilespmem:$0x17D00] =	vst v63  }
0x28: {  	_ =	swait.ge [sflag:s15], $0x80  }
0x29: {  	[sflag:s15] =	ssyncset.done $0x0  }
0x2a: {  	s29 =	sadd.s32 $0x30, s11;
	s20 =	simm.s32 $0x20;
	[sflag:s15] =	ssyncadd.s32 $0xFFFFFF80  }
0x2b: {  	[spmem:s2] =	stream.indirect.scatter.add.f32 [tilespmem:s16], [sflag:$0x3], $0x80, s3, s14, $0xb8;
	[tilespmem:$0x17D00] =	vst v63  }
0x2c: {  	s21 =	sadd.s32 $0xFFFFFFF0, s29;
	s20 =	sand.u32 $0x60, s20;
	_ =	swait.ge [sflag:s13], $0x4000  }
0x2d: {  	s21 =	sand.u32 $0xFFFFF80, s21;
	s20 =	sadd.s32 s4, s20;
	[sflag:s13] =	ssyncset.done $0x0  }
0x2e: {  	s20 =	sadd.s32 s21, s20;
	[sflag:s13] =	ssyncadd.s32 $0xFFFFC000  }
0x2f: {  	[tilespmem:s3], [sflag:$0x1] =	stream.linear.gather [hbm4b:s20+s3], $0x80, $0x38;
	[tilespmem:$0x17D00] =	vst v63  }
0x30: {  	_ =	swait.ge [sflag:s17], $0x80  }
0x31: {  	[sflag:s17] =	ssyncset.done $0x0  }
0x32: {  	s30 =	simm.s32 $0x30;
	[sflag:s17] =	ssyncadd.s32 $0xFFFFFF80  }
0x33: {  	[spmem:s2] =	stream.indirect.scatter.add.f32 [tilespmem:s16], [sflag:$0x3], $0x80, s14, s14, $0xb8;
	[tilespmem:$0x17D00] =	vst v63  }
0x34: {  	s20 =	sand.u32 $0x70, s30;
	_ =	swait.ge [sflag:s13], $0x4000  }
0x35: {  	s31 =	sand.u32 $0xFFFFF80, s29;
	s20 =	sadd.s32 s4, s20;
	[sflag:s13] =	ssyncset.done $0x0  }
0x36: {  	s19 =	simm.s32 $0x50;
	s20 =	sadd.s32 s31, s20;
	[sflag:s13] =	ssyncadd.s32 $0xFFFFC000  }
.LBB2_4:
0x37: {  	[tilespmem:s14], [sflag:$0x2] =	stream.linear.gather [hbm4b:s20+s3], $0x80, $0x38;
	[tilespmem:$0x17D00] =	vst v63  }
0x38: {  	s20 =	smov.u32 s19  }
0x39: {  	p0 =	sne.s32 s19, $0x4F0;
	s19 =	sadd.s32 $0x20, s19;
	_ =	swait.ge [sflag:s15], $0x80  }
0x3a: {  	[sflag:s15] =	ssyncset.done $0x0  }
0x3b: {  	s21 =	sadd.s32 s20, s11;
	s22 =	sadd.s32 $0xFFFFFFF0, s20;
	[sflag:s15] =	ssyncadd.s32 $0xFFFFFF80  }
0x3c: {  	[spmem:s2] =	stream.indirect.scatter.add.f32 [tilespmem:s16], [sflag:$0x3], $0x80, s3, s14, $0xb8;
	[tilespmem:$0x17D00] =	vst v63  }
0x3d: {  	s23 =	sadd.s32 $0xFFFFFFF0, s21;
	s22 =	sand.u32 $0x60, s22;
	_ =	swait.ge [sflag:s13], $0x4000  }
0x3e: {  	s23 =	sand.u32 $0xFFFFF80, s23;
	s22 =	sadd.s32 s4, s22;
	[sflag:s13] =	ssyncset.done $0x0  }
0x3f: {  	s21 =	sand.u32 $0xFFFFF80, s21;
	s22 =	sadd.s32 s23, s22;
	[sflag:s13] =	ssyncadd.s32 $0xFFFFC000  }
0x40: {  	[tilespmem:s3], [sflag:$0x1] =	stream.linear.gather [hbm4b:s22+s3], $0x80, $0x38;
	[tilespmem:$0x17D00] =	vst v63  }
0x41: {  	_ =	swait.ge [sflag:s17], $0x80  }
0x42: {  	[sflag:s17] =	ssyncset.done $0x0  }
.Ltmp1:
0x43: {  	[sflag:s17] =	ssyncadd.s32 $0xFFFFFF80;
	(pc) =	sbr.rel @p0 .LBB2_4-.Ltmp1, $4  }
0x44: {  	[spmem:s2] =	stream.indirect.scatter.add.f32 [tilespmem:s16], [sflag:$0x3], $0x80, s14, s14, $0xb8;
	[tilespmem:$0x17D00] =	vst v63  }
0x45: {  	s20 =	sand.u32 $0x70, s20;
	_ =	swait.ge [sflag:s13], $0x4000  }
0x46: {  	s20 =	sadd.s32 s4, s20;
	[sflag:s13] =	ssyncset.done $0x0  }
0x47: {  	s20 =	sadd.s32 s21, s20;
	[sflag:s13] =	ssyncadd.s32 $0xFFFFC000  }
0x48: {  	[tilespmem:s14], [sflag:$0x2] =	stream.linear.gather [hbm4b:s20+s3], $0x80, $0x38;
	[tilespmem:$0x17D00] =	vst v63  }
0x49: {  	_ =	swait.ge [sflag:s15], $0x80  }
0x4a: {  	[sflag:s15] =	ssyncset.done $0x0  }
0x4b: {  	[sflag:s15] =	ssyncadd.s32 $0xFFFFFF80  }
0x4c: {  	[spmem:s2] =	stream.indirect.scatter.add.f32 [tilespmem:s16], [sflag:$0x3], $0x80, s3, s14, $0xb8;
	[tilespmem:$0x17D00] =	vst v63  }
0x4d: {  	_ =	swait.ge [sflag:s13], $0x4000  }
0x4e: {  	[sflag:s13] =	ssyncset.done $0x0  }
0x4f: {  	[sflag:s13] =	ssyncadd.s32 $0xFFFFC000  }
0x50: {  	_ =	swait.ge [sflag:s17], $0x80  }
0x51: {  	[sflag:s17] =	ssyncset.done $0x0  }
0x52: {  	[sflag:s17] =	ssyncadd.s32 $0xFFFFFF80  }
0x53: {  	[spmem:s2] =	stream.indirect.scatter.add.f32 [tilespmem:s16], [sflag:$0x3], $0x80, s14, s14, $0xb8;
	[tilespmem:$0x17D00] =	vst v63  }
0x54: {  	_ =	swait.ge [sflag:s13], $0x4000  }
0x55: {  	s18 =	sadd.s32 $0x1, s18;
	[sflag:s13] =	ssyncset.done $0x0  }
0x56: {  	p0 =	sne.s32 s18, s10;
	[sflag:s13] =	ssyncadd.s32 $0xFFFFC000  }
.Ltmp2:
0x57: {  	[bflag:$0x0] =	sbarrier.arrive $0xFFFF;
	(pc) =	sbr.rel @p0 .LBB2_1-.Ltmp2, $4  }
0x58: {  	[hbm:s9], [sflag:s7] =	dma.local [spmem:s12], $0x2780  }
0x59: {  	_ =	swait.ge [sflag:s13], $0x2780  }
0x5a: {  	[sflag:s13] =	ssyncset.done $0x0  }
0x5b: {  	[sflag:s13] =	ssyncadd.s32 $0xFFFFD880  }
0x5c: {  	_ =	sfence.sel $0x180000  }
0x5d: {  	[bflag:$0x0] =	sbarrier.arrive $0xFFFF  }
0x5e: {  	p0 =	sne.s32 s0, $0x0;
	_ =	strace $0x9000004A  }
0x5f: {  	s0 =	sadd.s32 @!p0 $0x100000, s1;
	[bflag:$0x2] =	sbarrier.arrive $0xFFFF  }
0x60: {  	[sflag:s0] =	ssyncadd.tile.s32 @!p0 $0x1;
	_ =	shalt  }
.Lfunc_end2:
_tile_overlayer_lowered:
.L_overlay_start_2:
0x61: {  	(tag) =	ssettag $0x2  }
0x62: {  	s0 =	rddreg [dreg:$0x0];
	s2 =	stileid.u32  }
0x63: {  	s1 =	rddreg [dreg:$0x1];
	p0 =	sne.s32 s2, $0x0  }
0x64: {  	s3 =	rddreg [dreg:$0x2];
	[bflag:$0x3] =	sbarrier.arrive $0xFFFF;
	s2 =	simm.s32 @!p0 $0x1C03  }
0x65: {  	[timem:s3], [sflag:s2] =	dma.local @!p0 [hbm:s0], s1  }
0x66: {  	s0 =	simm.s32 @!p0 $0x3  }
0x67: {  	_ =	swait.ge @!p0 [sflag:s0], s1  }
0x68: {  	s1 =	ssub.s32 @!p0 $0x0, s1;
	[sflag:s0] =	ssyncset.done @!p0 $0x0  }
0x69: {  	[sflag:s0] =	ssyncadd.s32 @!p0 s1  }
0x6a: {  	[bflag:$0x3] =	sbarrier.arrive $0xFFFF  }
0x6b: {  	_ =	shalt  }

</sc_bundles>
